<compile_context>
chip_gen: v7x
topology: tpu7x:2x2x1
jax: 0.10.2.dev20260603
libtpu: 0.0.44.dev20260713+nightly
codegen_flags: <defaults>
</compile_context>

<pallas_src>
import functools

import jax
import jax.numpy as jnp
from jax import lax
from jax.experimental import pallas as pl
from jax.experimental.pallas import tpu as pltpu
from jax.experimental.pallas import tpu_sc as plsc

_NS = 16
_L = 16


def _tec_body(B, C, inputs_hbm, targets_hbm, out_hbm, stage_hbm,
              tgt_v, win_v, part_v, red_v, sem):
    rpt = B // _NS
    wid = lax.axis_index("s")
    base = wid * rpt

    pltpu.sync_copy(targets_hbm.at[pl.ds(base, rpt)], tgt_v)

    copies = []
    for g in range(rpt // _L):
        tv = tgt_v[pl.ds(g * _L, _L)]
        colv = lax.shift_left(lax.shift_right_logical(tv, 7), 7)
        for l in range(_L):
            r = g * _L + l
            colb = pl.multiple_of(colv[l], 128)
            rowb = pl.multiple_of(base + (r & ~7), 8)
            cp = pltpu.make_async_copy(
                inputs_hbm.at[pl.ds(rowb, 8), pl.ds(colb, 128)],
                win_v.at[r], sem)
            cp.start()
            copies.append(cp)
    for cp in copies:
        cp.wait()

    lanes = lax.iota(jnp.int32, _L)
    acc = jnp.zeros((_L,), jnp.float32)
    for g in range(rpt // _L):
        tv = tgt_v[pl.ds(g * _L, _L)]
        acc = acc + plsc.load_gather(
            win_v,
            [lanes + jnp.int32(g * _L), lanes & jnp.int32(7),
             tv & jnp.int32(127)])

    part_v[...] = acc
    pltpu.sync_copy(part_v, stage_hbm.at[wid])
    plsc.subcore_barrier()

    @pl.when(wid == 0)
    def _():
        pltpu.sync_copy(stage_hbm, red_v)
        tot = jnp.zeros((_L,), jnp.float32)
        for w in range(_NS):
            tot = tot + red_v[w]
        s = jnp.sum(tot)
        part_v[...] = (jnp.zeros((_L,), jnp.float32) + s) * jnp.float32(-1.0 / B)
        pltpu.sync_copy(part_v, out_hbm)


@jax.jit
def kernel(inputs, targets):
    B, C = inputs.shape
    rpt = B // _NS
    mesh = plsc.VectorSubcoreMesh(
        core_axis_name="c", subcore_axis_name="s", num_cores=1)
    out, _ = pl.kernel(
        functools.partial(_tec_body, B, C),
        out_type=(jax.ShapeDtypeStruct((_L,), jnp.float32),
                  jax.ShapeDtypeStruct((_NS, _L), jnp.float32)),
        mesh=mesh,
        compiler_params=pltpu.CompilerParams(needs_layout_passes=False),
        scratch_types=[
            pltpu.VMEM((rpt,), jnp.int32),
            pltpu.VMEM((rpt, 8, 128), jnp.float32),
            pltpu.VMEM((_L,), jnp.float32),
            pltpu.VMEM((_NS, _L), jnp.float32),
            pltpu.SemaphoreType.DMA,
        ],
    )(inputs, targets.astype(jnp.int32))
    return out[0]

# --- scband reference (transcript-rebuilt; emitter-appended) ---
"""Pipeline reference for scband-y-true-loss-11802570129817 (READ-ONLY COPY).

The authoritative reference and input builder live on the scoring server;
editing this copy changes nothing except your own understanding.
"""

import jax, jax.numpy as jnp
import numpy as np


def setup_inputs(seed: int = 0) -> dict:
    key = jax.random.key(seed)
    k1, k2 = jax.random.split(key)
    inputs = jax.random.normal(k1, (1024, 100000), dtype=jnp.float32)
    targets = jax.random.randint(k2, (1024,), 0, 100000, dtype=jnp.int64 if jax.config.read('jax_enable_x64') else jnp.int32)
    return {"inputs": inputs, "targets": targets}


def reference(inputs, targets):
    # targets -> [B, 1]
    t = targets[:, None].astype(jnp.int32)
    # gather along dim 1 (the true-class logit for each row), then squeeze
    y_true_logits = jnp.squeeze(jnp.take_along_axis(inputs, t, axis=1))
    loss = jnp.mean(y_true_logits)
    return -loss

if __name__ == "__main__":
    import jax
    _d = setup_inputs()
    print(jax.jit(kernel)(*tuple(_d.values())))

</pallas_src>

<mosaic_0001>
#map = affine_map<(d0, d1) -> (0, 0)>
#map1 = affine_map<(d0, d1) -> (0)>
module attributes {stable_mosaic.version = 14 : i64} {
  func.func @_tec_body(%arg0: i32, %arg1: i32, %arg2: memref<1024x100000xf32, #tpu.memory_space<hbm>>, %arg3: memref<1024xi32, #tpu.memory_space<hbm>>, %arg4: memref<16xf32, #tpu.memory_space<hbm>>, %arg5: memref<16x16xf32, #tpu.memory_space<hbm>>, %arg6: memref<64xi32, #tpu.memory_space<vmem>>, %arg7: memref<64x8x128xf32, #tpu.memory_space<vmem>>, %arg8: memref<16xf32, #tpu.memory_space<vmem>>, %arg9: memref<16x16xf32, #tpu.memory_space<vmem>>, %arg10: memref<!tpu.dma_semaphore, #tpu.memory_space<semaphore_mem>>) attributes {dimension_semantics = [#tpu.dimension_semantics<core_parallel>, #tpu.dimension_semantics<subcore_parallel>], iteration_bounds = array<i64: 1, 16>, scalar_prefetch = 0 : i64, scratch_operands = 5 : i64, tpu.core_type = #tpu.core_type<sc_vector_subcore>, window_params = [{transform_indices = #map}, {transform_indices = #map1}, {transform_indices = #map1}, {transform_indices = #map}]} {
    %mul3A = arith.constant 64 : i32
    %mul3A_0 = arith.muli %arg1, %mul3A : i32
    "tpu.region"() ({
      %run_scoped3A = tpu.sem_alloc : memref<!tpu.dma_semaphore, #tpu.memory_space<semaphore_mem>>
      %dma_start3A_1870 = tpu.memref_slice %arg3[%mul3A_0] : memref<1024xi32, #tpu.memory_space<hbm>> -> memref<64xi32, #tpu.memory_space<hbm>>
      %dma_start3A_1871 = tpu.memref_slice %arg3[%mul3A_0] : memref<1024xi32, #tpu.memory_space<hbm>> -> memref<64xi32, #tpu.memory_space<hbm>>
      tpu.enqueue_dma source(%dma_start3A_1871 : memref<64xi32, #tpu.memory_space<hbm>>) target(%arg6 : memref<64xi32, #tpu.memory_space<vmem>>) target_semaphore(%run_scoped3A : memref<!tpu.dma_semaphore, #tpu.memory_space<semaphore_mem>>)
      %dma_wait3A_1872 = tpu.memref_slice %arg3[%mul3A_0] : memref<1024xi32, #tpu.memory_space<hbm>> -> memref<64xi32, #tpu.memory_space<hbm>>
      %dma_wait3A_1873 = tpu.memref_slice %arg3[%mul3A_0] : memref<1024xi32, #tpu.memory_space<hbm>> -> memref<64xi32, #tpu.memory_space<hbm>>
      tpu.wait_dma2 semaphore(%run_scoped3A : memref<!tpu.dma_semaphore, #tpu.memory_space<semaphore_mem>>) src(%dma_wait3A_1873 : memref<64xi32, #tpu.memory_space<hbm>>) dst(%arg6 : memref<64xi32, #tpu.memory_space<vmem>>)
      tpu.yield
    }) : () -> ()
    %get3A = arith.constant 0 : index
    %get3A_1 = tpu.vector_load %arg6[%get3A] {strides = array<i32>} : memref<64xi32, #tpu.memory_space<vmem>>, vector<16xi32>,
    %shift_right_logical3A = arith.constant 7 : i32
    %shift_right_logical3A_2 = vector.broadcast %shift_right_logical3A : i32 to vector<16xi32>
    %shift_right_logical3A_3 = arith.shrui %get3A_1, %shift_right_logical3A_2 : vector<16xi32>
    %shift_left3A = arith.constant 7 : i32
    %shift_left3A_4 = vector.broadcast %shift_left3A : i32 to vector<16xi32>
    %shift_left3A_5 = arith.shli %shift_right_logical3A_3, %shift_left3A_4 : vector<16xi32>
    %slice3A = vector.extract_strided_slice %shift_left3A_5 {offsets = [0], sizes = [1], strides = [1]} : vector<16xi32> to vector<1xi32>
    %squeeze3A = vector.extract %slice3A[0] : i32 from vector<1xi32>
    %multiple_of3A = tpu.assume_multiple %squeeze3A, 128 : i32
    %add3A = arith.constant 0 : i32
    %add3A_6 = arith.addi %mul3A_0, %add3A : i32
    %multiple_of3A_7 = tpu.assume_multiple %add3A_6, 8 : i32
    %dma_start3A = arith.constant 0 : i32
    %dma_start3A_8 = arith.constant 0 : i32
    %dma_start3A_9 = arith.constant 0 : i32
    %dma_start3A_10 = tpu.memref_slice %arg7[%dma_start3A, %dma_start3A_8, %dma_start3A_9] : memref<64x8x128xf32, #tpu.memory_space<vmem>> -> memref<1x8x128xf32, #tpu.memory_space<vmem>>
    %dma_start3A_11 = tpu.memref_squeeze %dma_start3A_10 : memref<1x8x128xf32, #tpu.memory_space<vmem>> -> memref<8x128xf32, #tpu.memory_space<vmem>>
    %dma_start3A_12 = tpu.memref_slice %arg2[%multiple_of3A_7, %multiple_of3A] : memref<1024x100000xf32, #tpu.memory_space<hbm>> -> memref<8x128xf32, #tpu.memory_space<hbm>>
    %dma_start3A_13 = arith.constant 0 : i32
    %dma_start3A_14 = arith.constant 0 : i32
    %dma_start3A_15 = tpu.memref_slice %arg7[%dma_start3A, %dma_start3A_13, %dma_start3A_14] : memref<64x8x128xf32, #tpu.memory_space<vmem>> -> memref<1x8x128xf32, #tpu.memory_space<vmem>>
    %dma_start3A_16 = tpu.memref_squeeze %dma_start3A_15 : memref<1x8x128xf32, #tpu.memory_space<vmem>> -> memref<8x128xf32, #tpu.memory_space<vmem>>
    %dma_start3A_17 = tpu.memref_slice %arg2[%multiple_of3A_7, %multiple_of3A] : memref<1024x100000xf32, #tpu.memory_space<hbm>> -> memref<8x128xf32, #tpu.memory_space<hbm>>
    tpu.enqueue_dma source(%dma_start3A_17 : memref<8x128xf32, #tpu.memory_space<hbm>>) target(%dma_start3A_16 : memref<8x128xf32, #tpu.memory_space<vmem>>) target_semaphore(%arg10 : memref<!tpu.dma_semaphore, #tpu.memory_space<semaphore_mem>>)
    %slice3A_18 = vector.extract_strided_slice %shift_left3A_5 {offsets = [1], sizes = [1], strides = [1]} : vector<16xi32> to vector<1xi32>
    %squeeze3A_19 = vector.extract %slice3A_18[0] : i32 from vector<1xi32>
    %multiple_of3A_20 = tpu.assume_multiple %squeeze3A_19, 128 : i32
    %add3A_21 = arith.constant 0 : i32
    %add3A_22 = arith.addi %mul3A_0, %add3A_21 : i32
    %multiple_of3A_23 = tpu.assume_multiple %add3A_22, 8 : i32
    %dma_start3A_24 = arith.constant 1 : i32
    %dma_start3A_25 = arith.constant 0 : i32
    %dma_start3A_26 = arith.constant 0 : i32
    %dma_start3A_27 = tpu.memref_slice %arg7[%dma_start3A_24, %dma_start3A_25, %dma_start3A_26] : memref<64x8x128xf32, #tpu.memory_space<vmem>> -> memref<1x8x128xf32, #tpu.memory_space<vmem>>
    %dma_start3A_28 = tpu.memref_squeeze %dma_start3A_27 : memref<1x8x128xf32, #tpu.memory_space<vmem>> -> memref<8x128xf32, #tpu.memory_space<vmem>>
    %dma_start3A_29 = tpu.memref_slice %arg2[%multiple_of3A_23, %multiple_of3A_20] : memref<1024x100000xf32, #tpu.memory_space<hbm>> -> memref<8x128xf32, #tpu.memory_space<hbm>>
    %dma_start3A_30 = arith.constant 0 : i32
    %dma_start3A_31 = arith.constant 0 : i32
    %dma_start3A_32 = tpu.memref_slice %arg7[%dma_start3A_24, %dma_start3A_30, %dma_start3A_31] : memref<64x8x128xf32, #tpu.memory_space<vmem>> -> memref<1x8x128xf32, #tpu.memory_space<vmem>>
    %dma_start3A_33 = tpu.memref_squeeze %dma_start3A_32 : memref<1x8x128xf32, #tpu.memory_space<vmem>> -> memref<8x128xf32, #tpu.memory_space<vmem>>
    %dma_start3A_34 = tpu.memref_slice %arg2[%multiple_of3A_23, %multiple_of3A_20] : memref<1024x100000xf32, #tpu.memory_space<hbm>> -> memref<8x128xf32, #tpu.memory_space<hbm>>
    tpu.enqueue_dma source(%dma_start3A_34 : memref<8x128xf32, #tpu.memory_space<hbm>>) target(%dma_start3A_33 : memref<8x128xf32, #tpu.memory_space<vmem>>) target_semaphore(%arg10 : memref<!tpu.dma_semaphore, #tpu.memory_space<semaphore_mem>>)
    %slice3A_35 = vector.extract_strided_slice %shift_left3A_5 {offsets = [2], sizes = [1], strides = [1]} : vector<16xi32> to vector<1xi32>
    %squeeze3A_36 = vector.extract %slice3A_35[0] : i32 from vector<1xi32>
    %multiple_of3A_37 = tpu.assume_multiple %squeeze3A_36, 128 : i32
    %add3A_38 = arith.constant 0 : i32
    %add3A_39 = arith.addi %mul3A_0, %add3A_38 : i32
    %multiple_of3A_40 = tpu.assume_multiple %add3A_39, 8 : i32
    %dma_start3A_41 = arith.constant 2 : i32
    %dma_start3A_42 = arith.constant 0 : i32
    %dma_start3A_43 = arith.constant 0 : i32
    %dma_start3A_44 = tpu.memref_slice %arg7[%dma_start3A_41, %dma_start3A_42, %dma_start3A_43] : memref<64x8x128xf32, #tpu.memory_space<vmem>> -> memref<1x8x128xf32, #tpu.memory_space<vmem>>
    %dma_start3A_45 = tpu.memref_squeeze %dma_start3A_44 : memref<1x8x128xf32, #tpu.memory_space<vmem>> -> memref<8x128xf32, #tpu.memory_space<vmem>>
    %dma_start3A_46 = tpu.memref_slice %arg2[%multiple_of3A_40, %multiple_of3A_37] : memref<1024x100000xf32, #tpu.memory_space<hbm>> -> memref<8x128xf32, #tpu.memory_space<hbm>>
    %dma_start3A_47 = arith.constant 0 : i32
    %dma_start3A_48 = arith.constant 0 : i32
    %dma_start3A_49 = tpu.memref_slice %arg7[%dma_start3A_41, %dma_start3A_47, %dma_start3A_48] : memref<64x8x128xf32, #tpu.memory_space<vmem>> -> memref<1x8x128xf32, #tpu.memory_space<vmem>>
    %dma_start3A_50 = tpu.memref_squeeze %dma_start3A_49 : memref<1x8x128xf32, #tpu.memory_space<vmem>> -> memref<8x128xf32, #tpu.memory_space<vmem>>
    %dma_start3A_51 = tpu.memref_slice %arg2[%multiple_of3A_40, %multiple_of3A_37] : memref<1024x100000xf32, #tpu.memory_space<hbm>> -> memref<8x128xf32, #tpu.memory_space<hbm>>
    tpu.enqueue_dma source(%dma_start3A_51 : memref<8x128xf32, #tpu.memory_space<hbm>>) target(%dma_start3A_50 : memref<8x128xf32, #tpu.memory_space<vmem>>) target_semaphore(%arg10 : memref<!tpu.dma_semaphore, #tpu.memory_space<semaphore_mem>>)
    %slice3A_52 = vector.extract_strided_slice %shift_left3A_5 {offsets = [3], sizes = [1], strides = [1]} : vector<16xi32> to vector<1xi32>
    %squeeze3A_53 = vector.extract %slice3A_52[0] : i32 from vector<1xi32>
    %multiple_of3A_54 = tpu.assume_multiple %squeeze3A_53, 128 : i32
    %add3A_55 = arith.constant 0 : i32
    %add3A_56 = arith.addi %mul3A_0, %add3A_55 : i32
    %multiple_of3A_57 = tpu.assume_multiple %add3A_56, 8 : i32
    %dma_start3A_58 = arith.constant 3 : i32
    %dma_start3A_59 = arith.constant 0 : i32
    %dma_start3A_60 = arith.constant 0 : i32
    %dma_start3A_61 = tpu.memref_slice %arg7[%dma_start3A_58, %dma_start3A_59, %dma_start3A_60] : memref<64x8x128xf32, #tpu.memory_space<vmem>> -> memref<1x8x128xf32, #tpu.memory_space<vmem>>
    %dma_start3A_62 = tpu.memref_squeeze %dma_start3A_61 : memref<1x8x128xf32, #tpu.memory_space<vmem>> -> memref<8x128xf32, #tpu.memory_space<vmem>>
    %dma_start3A_63 = tpu.memref_slice %arg2[%multiple_of3A_57, %multiple_of3A_54] : memref<1024x100000xf32, #tpu.memory_space<hbm>> -> memref<8x128xf32, #tpu.memory_space<hbm>>
    %dma_start3A_64 = arith.constant 0 : i32
    %dma_start3A_65 = arith.constant 0 : i32
    %dma_start3A_66 = tpu.memref_slice %arg7[%dma_start3A_58, %dma_start3A_64, %dma_start3A_65] : memref<64x8x128xf32, #tpu.memory_space<vmem>> -> memref<1x8x128xf32, #tpu.memory_space<vmem>>
    %dma_start3A_67 = tpu.memref_squeeze %dma_start3A_66 : memref<1x8x128xf32, #tpu.memory_space<vmem>> -> memref<8x128xf32, #tpu.memory_space<vmem>>
    %dma_start3A_68 = tpu.memref_slice %arg2[%multiple_of3A_57, %multiple_of3A_54] : memref<1024x100000xf32, #tpu.memory_space<hbm>> -> memref<8x128xf32, #tpu.memory_space<hbm>>
    tpu.enqueue_dma source(%dma_start3A_68 : memref<8x128xf32, #tpu.memory_space<hbm>>) target(%dma_start3A_67 : memref<8x128xf32, #tpu.memory_space<vmem>>) target_semaphore(%arg10 : memref<!tpu.dma_semaphore, #tpu.memory_space<semaphore_mem>>)
    %slice3A_69 = vector.extract_strided_slice %shift_left3A_5 {offsets = [4], sizes = [1], strides = [1]} : vector<16xi32> to vector<1xi32>
    %squeeze3A_70 = vector.extract %slice3A_69[0] : i32 from vector<1xi32>
    %multiple_of3A_71 = tpu.assume_multiple %squeeze3A_70, 128 : i32
    %add3A_72 = arith.constant 0 : i32
    %add3A_73 = arith.addi %mul3A_0, %add3A_72 : i32
    %multiple_of3A_74 = tpu.assume_multiple %add3A_73, 8 : i32
    %dma_start3A_75 = arith.constant 4 : i32
    %dma_start3A_76 = arith.constant 0 : i32
    %dma_start3A_77 = arith.constant 0 : i32
    %dma_start3A_78 = tpu.memref_slice %arg7[%dma_start3A_75, %dma_start3A_76, %dma_start3A_77] : memref<64x8x128xf32, #tpu.memory_space<vmem>> -> memref<1x8x128xf32, #tpu.memory_space<vmem>>
    %dma_start3A_79 = tpu.memref_squeeze %dma_start3A_78 : memref<1x8x128xf32, #tpu.memory_space<vmem>> -> memref<8x128xf32, #tpu.memory_space<vmem>>
    %dma_start3A_80 = tpu.memref_slice %arg2[%multiple_of3A_74, %multiple_of3A_71] : memref<1024x100000xf32, #tpu.memory_space<hbm>> -> memref<8x128xf32, #tpu.memory_space<hbm>>
    %dma_start3A_81 = arith.constant 0 : i32
    %dma_start3A_82 = arith.constant 0 : i32
    %dma_start3A_83 = tpu.memref_slice %arg7[%dma_start3A_75, %dma_start3A_81, %dma_start3A_82] : memref<64x8x128xf32, #tpu.memory_space<vmem>> -> memref<1x8x128xf32, #tpu.memory_space<vmem>>
    %dma_start3A_84 = tpu.memref_squeeze %dma_start3A_83 : memref<1x8x128xf32, #tpu.memory_space<vmem>> -> memref<8x128xf32, #tpu.memory_space<vmem>>
    %dma_start3A_85 = tpu.memref_slice %arg2[%multiple_of3A_74, %multiple_of3A_71] : memref<1024x100000xf32, #tpu.memory_space<hbm>> -> memref<8x128xf32, #tpu.memory_space<hbm>>
    tpu.enqueue_dma source(%dma_start3A_85 : memref<8x128xf32, #tpu.memory_space<hbm>>) target(%dma_start3A_84 : memref<8x128xf32, #tpu.memory_space<vmem>>) target_semaphore(%arg10 : memref<!tpu.dma_semaphore, #tpu.memory_space<semaphore_mem>>)
    %slice3A_86 = vector.extract_strided_slice %shift_left3A_5 {offsets = [5], sizes = [1], strides = [1]} : vector<16xi32> to vector<1xi32>
    %squeeze3A_87 = vector.extract %slice3A_86[0] : i32 from vector<1xi32>
    %multiple_of3A_88 = tpu.assume_multiple %squeeze3A_87, 128 : i32
    %add3A_89 = arith.constant 0 : i32
    %add3A_90 = arith.addi %mul3A_0, %add3A_89 : i32
    %multiple_of3A_91 = tpu.assume_multiple %add3A_90, 8 : i32
    %dma_start3A_92 = arith.constant 5 : i32
    %dma_start3A_93 = arith.constant 0 : i32
    %dma_start3A_94 = arith.constant 0 : i32
    %dma_start3A_95 = tpu.memref_slice %arg7[%dma_start3A_92, %dma_start3A_93, %dma_start3A_94] : memref<64x8x128xf32, #tpu.memory_space<vmem>> -> memref<1x8x128xf32, #tpu.memory_space<vmem>>
    %dma_start3A_96 = tpu.memref_squeeze %dma_start3A_95 : memref<1x8x128xf32, #tpu.memory_space<vmem>> -> memref<8x128xf32, #tpu.memory_space<vmem>>
    %dma_start3A_97 = tpu.memref_slice %arg2[%multiple_of3A_91, %multiple_of3A_88] : memref<1024x100000xf32, #tpu.memory_space<hbm>> -> memref<8x128xf32, #tpu.memory_space<hbm>>
    %dma_start3A_98 = arith.constant 0 : i32
    %dma_start3A_99 = arith.constant 0 : i32
    %dma_start3A_100 = tpu.memref_slice %arg7[%dma_start3A_92, %dma_start3A_98, %dma_start3A_99] : memref<64x8x128xf32, #tpu.memory_space<vmem>> -> memref<1x8x128xf32, #tpu.memory_space<vmem>>
    %dma_start3A_101 = tpu.memref_squeeze %dma_start3A_100 : memref<1x8x128xf32, #tpu.memory_space<vmem>> -> memref<8x128xf32, #tpu.memory_space<vmem>>
    %dma_start3A_102 = tpu.memref_slice %arg2[%multiple_of3A_91, %multiple_of3A_88] : memref<1024x100000xf32, #tpu.memory_space<hbm>> -> memref<8x128xf32, #tpu.memory_space<hbm>>
    tpu.enqueue_dma source(%dma_start3A_102 : memref<8x128xf32, #tpu.memory_space<hbm>>) target(%dma_start3A_101 : memref<8x128xf32, #tpu.memory_space<vmem>>) target_semaphore(%arg10 : memref<!tpu.dma_semaphore, #tpu.memory_space<semaphore_mem>>)
    %slice3A_103 = vector.extract_strided_slice %shift_left3A_5 {offsets = [6], sizes = [1], strides = [1]} : vector<16xi32> to vector<1xi32>
    %squeeze3A_104 = vector.extract %slice3A_103[0] : i32 from vector<1xi32>
    %multiple_of3A_105 = tpu.assume_multiple %squeeze3A_104, 128 : i32
    %add3A_106 = arith.constant 0 : i32
    %add3A_107 = arith.addi %mul3A_0, %add3A_106 : i32
    %multiple_of3A_108 = tpu.assume_multiple %add3A_107, 8 : i32
    %dma_start3A_109 = arith.constant 6 : i32
    %dma_start3A_110 = arith.constant 0 : i32
    %dma_start3A_111 = arith.constant 0 : i32
    %dma_start3A_112 = tpu.memref_slice %arg7[%dma_start3A_109, %dma_start3A_110, %dma_start3A_111] : memref<64x8x128xf32, #tpu.memory_space<vmem>> -> memref<1x8x128xf32, #tpu.memory_space<vmem>>
    %dma_start3A_113 = tpu.memref_squeeze %dma_start3A_112 : memref<1x8x128xf32, #tpu.memory_space<vmem>> -> memref<8x128xf32, #tpu.memory_space<vmem>>
    %dma_start3A_114 = tpu.memref_slice %arg2[%multiple_of3A_108, %multiple_of3A_105] : memref<1024x100000xf32, #tpu.memory_space<hbm>> -> memref<8x128xf32, #tpu.memory_space<hbm>>
    %dma_start3A_115 = arith.constant 0 : i32
    %dma_start3A_116 = arith.constant 0 : i32
    %dma_start3A_117 = tpu.memref_slice %arg7[%dma_start3A_109, %dma_start3A_115, %dma_start3A_116] : memref<64x8x128xf32, #tpu.memory_space<vmem>> -> memref<1x8x128xf32, #tpu.memory_space<vmem>>
    %dma_start3A_118 = tpu.memref_squeeze %dma_start3A_117 : memref<1x8x128xf32, #tpu.memory_space<vmem>> -> memref<8x128xf32, #tpu.memory_space<vmem>>
    %dma_start3A_119 = tpu.memref_slice %arg2[%multiple_of3A_108, %multiple_of3A_105] : memref<1024x100000xf32, #tpu.memory_space<hbm>> -> memref<8x128xf32, #tpu.memory_space<hbm>>
    tpu.enqueue_dma source(%dma_start3A_119 : memref<8x128xf32, #tpu.memory_space<hbm>>) target(%dma_start3A_118 : memref<8x128xf32, #tpu.memory_space<vmem>>) target_semaphore(%arg10 : memref<!tpu.dma_semaphore, #tpu.memory_space<semaphore_mem>>)
    %slice3A_120 = vector.extract_strided_slice %shift_left3A_5 {offsets = [7], sizes = [1], strides = [1]} : vector<16xi32> to vector<1xi32>
    %squeeze3A_121 = vector.extract %slice3A_120[0] : i32 from vector<1xi32>
    %multiple_of3A_122 = tpu.assume_multiple %squeeze3A_121, 128 : i32
    %add3A_123 = arith.constant 0 : i32
    %add3A_124 = arith.addi %mul3A_0, %add3A_123 : i32
    %multiple_of3A_125 = tpu.assume_multiple %add3A_124, 8 : i32
    %dma_start3A_126 = arith.constant 7 : i32
    %dma_start3A_127 = arith.constant 0 : i32
    %dma_start3A_128 = arith.constant 0 : i32
    %dma_start3A_129 = tpu.memref_slice %arg7[%dma_start3A_126, %dma_start3A_127, %dma_start3A_128] : memref<64x8x128xf32, #tpu.memory_space<vmem>> -> memref<1x8x128xf32, #tpu.memory_space<vmem>>
    %dma_start3A_130 = tpu.memref_squeeze %dma_start3A_129 : memref<1x8x128xf32, #tpu.memory_space<vmem>> -> memref<8x128xf32, #tpu.memory_space<vmem>>
    %dma_start3A_131 = tpu.memref_slice %arg2[%multiple_of3A_125, %multiple_of3A_122] : memref<1024x100000xf32, #tpu.memory_space<hbm>> -> memref<8x128xf32, #tpu.memory_space<hbm>>
    %dma_start3A_132 = arith.constant 0 : i32
    %dma_start3A_133 = arith.constant 0 : i32
    %dma_start3A_134 = tpu.memref_slice %arg7[%dma_start3A_126, %dma_start3A_132, %dma_start3A_133] : memref<64x8x128xf32, #tpu.memory_space<vmem>> -> memref<1x8x128xf32, #tpu.memory_space<vmem>>
    %dma_start3A_135 = tpu.memref_squeeze %dma_start3A_134 : memref<1x8x128xf32, #tpu.memory_space<vmem>> -> memref<8x128xf32, #tpu.memory_space<vmem>>
    %dma_start3A_136 = tpu.memref_slice %arg2[%multiple_of3A_125, %multiple_of3A_122] : memref<1024x100000xf32, #tpu.memory_space<hbm>> -> memref<8x128xf32, #tpu.memory_space<hbm>>
    tpu.enqueue_dma source(%dma_start3A_136 : memref<8x128xf32, #tpu.memory_space<hbm>>) target(%dma_start3A_135 : memref<8x128xf32, #tpu.memory_space<vmem>>) target_semaphore(%arg10 : memref<!tpu.dma_semaphore, #tpu.memory_space<semaphore_mem>>)
    %slice3A_137 = vector.extract_strided_slice %shift_left3A_5 {offsets = [8], sizes = [1], strides = [1]} : vector<16xi32> to vector<1xi32>
    %squeeze3A_138 = vector.extract %slice3A_137[0] : i32 from vector<1xi32>
    %multiple_of3A_139 = tpu.assume_multiple %squeeze3A_138, 128 : i32
    %add3A_140 = arith.constant 8 : i32
    %add3A_141 = arith.addi %mul3A_0, %add3A_140 : i32
    %multiple_of3A_142 = tpu.assume_multiple %add3A_141, 8 : i32
    %dma_start3A_143 = arith.constant 8 : i32
    %dma_start3A_144 = arith.constant 0 : i32
    %dma_start3A_145 = arith.constant 0 : i32
    %dma_start3A_146 = tpu.memref_slice %arg7[%dma_start3A_143, %dma_start3A_144, %dma_start3A_145] : memref<64x8x128xf32, #tpu.memory_space<vmem>> -> memref<1x8x128xf32, #tpu.memory_space<vmem>>
    %dma_start3A_147 = tpu.memref_squeeze %dma_start3A_146 : memref<1x8x128xf32, #tpu.memory_space<vmem>> -> memref<8x128xf32, #tpu.memory_space<vmem>>
    %dma_start3A_148 = tpu.memref_slice %arg2[%multiple_of3A_142, %multiple_of3A_139] : memref<1024x100000xf32, #tpu.memory_space<hbm>> -> memref<8x128xf32, #tpu.memory_space<hbm>>
    %dma_start3A_149 = arith.constant 0 : i32
    %dma_start3A_150 = arith.constant 0 : i32
    %dma_start3A_151 = tpu.memref_slice %arg7[%dma_start3A_143, %dma_start3A_149, %dma_start3A_150] : memref<64x8x128xf32, #tpu.memory_space<vmem>> -> memref<1x8x128xf32, #tpu.memory_space<vmem>>
    %dma_start3A_152 = tpu.memref_squeeze %dma_start3A_151 : memref<1x8x128xf32, #tpu.memory_space<vmem>> -> memref<8x128xf32, #tpu.memory_space<vmem>>
    %dma_start3A_153 = tpu.memref_slice %arg2[%multiple_of3A_142, %multiple_of3A_139] : memref<1024x100000xf32, #tpu.memory_space<hbm>> -> memref<8x128xf32, #tpu.memory_space<hbm>>
    tpu.enqueue_dma source(%dma_start3A_153 : memref<8x128xf32, #tpu.memory_space<hbm>>) target(%dma_start3A_152 : memref<8x128xf32, #tpu.memory_space<vmem>>) target_semaphore(%arg10 : memref<!tpu.dma_semaphore, #tpu.memory_space<semaphore_mem>>)
    %slice3A_154 = vector.extract_strided_slice %shift_left3A_5 {offsets = [9], sizes = [1], strides = [1]} : vector<16xi32> to vector<1xi32>
    %squeeze3A_155 = vector.extract %slice3A_154[0] : i32 from vector<1xi32>
    %multiple_of3A_156 = tpu.assume_multiple %squeeze3A_155, 128 : i32
    %add3A_157 = arith.constant 8 : i32
    %add3A_158 = arith.addi %mul3A_0, %add3A_157 : i32
    %multiple_of3A_159 = tpu.assume_multiple %add3A_158, 8 : i32
    %dma_start3A_160 = arith.constant 9 : i32
    %dma_start3A_161 = arith.constant 0 : i32
    %dma_start3A_162 = arith.constant 0 : i32
    %dma_start3A_163 = tpu.memref_slice %arg7[%dma_start3A_160, %dma_start3A_161, %dma_start3A_162] : memref<64x8x128xf32, #tpu.memory_space<vmem>> -> memref<1x8x128xf32, #tpu.memory_space<vmem>>
    %dma_start3A_164 = tpu.memref_squeeze %dma_start3A_163 : memref<1x8x128xf32, #tpu.memory_space<vmem>> -> memref<8x128xf32, #tpu.memory_space<vmem>>
    %dma_start3A_165 = tpu.memref_slice %arg2[%multiple_of3A_159, %multiple_of3A_156] : memref<1024x100000xf32, #tpu.memory_space<hbm>> -> memref<8x128xf32, #tpu.memory_space<hbm>>
    %dma_start3A_166 = arith.constant 0 : i32
    %dma_start3A_167 = arith.constant 0 : i32
    %dma_start3A_168 = tpu.memref_slice %arg7[%dma_start3A_160, %dma_start3A_166, %dma_start3A_167] : memref<64x8x128xf32, #tpu.memory_space<vmem>> -> memref<1x8x128xf32, #tpu.memory_space<vmem>>
    %dma_start3A_169 = tpu.memref_squeeze %dma_start3A_168 : memref<1x8x128xf32, #tpu.memory_space<vmem>> -> memref<8x128xf32, #tpu.memory_space<vmem>>
    %dma_start3A_170 = tpu.memref_slice %arg2[%multiple_of3A_159, %multiple_of3A_156] : memref<1024x100000xf32, #tpu.memory_space<hbm>> -> memref<8x128xf32, #tpu.memory_space<hbm>>
    tpu.enqueue_dma source(%dma_start3A_170 : memref<8x128xf32, #tpu.memory_space<hbm>>) target(%dma_start3A_169 : memref<8x128xf32, #tpu.memory_space<vmem>>) target_semaphore(%arg10 : memref<!tpu.dma_semaphore, #tpu.memory_space<semaphore_mem>>)
    %slice3A_171 = vector.extract_strided_slice %shift_left3A_5 {offsets = [10], sizes = [1], strides = [1]} : vector<16xi32> to vector<1xi32>
    %squeeze3A_172 = vector.extract %slice3A_171[0] : i32 from vector<1xi32>
    %multiple_of3A_173 = tpu.assume_multiple %squeeze3A_172, 128 : i32
    %add3A_174 = arith.constant 8 : i32
    %add3A_175 = arith.addi %mul3A_0, %add3A_174 : i32
    %multiple_of3A_176 = tpu.assume_multiple %add3A_175, 8 : i32
    %dma_start3A_177 = arith.constant 10 : i32
    %dma_start3A_178 = arith.constant 0 : i32
    %dma_start3A_179 = arith.constant 0 : i32
    %dma_start3A_180 = tpu.memref_slice %arg7[%dma_start3A_177, %dma_start3A_178, %dma_start3A_179] : memref<64x8x128xf32, #tpu.memory_space<vmem>> -> memref<1x8x128xf32, #tpu.memory_space<vmem>>
    %dma_start3A_181 = tpu.memref_squeeze %dma_start3A_180 : memref<1x8x128xf32, #tpu.memory_space<vmem>> -> memref<8x128xf32, #tpu.memory_space<vmem>>
    %dma_start3A_182 = tpu.memref_slice %arg2[%multiple_of3A_176, %multiple_of3A_173] : memref<1024x100000xf32, #tpu.memory_space<hbm>> -> memref<8x128xf32, #tpu.memory_space<hbm>>
    %dma_start3A_183 = arith.constant 0 : i32
    %dma_start3A_184 = arith.constant 0 : i32
    %dma_start3A_185 = tpu.memref_slice %arg7[%dma_start3A_177, %dma_start3A_183, %dma_start3A_184] : memref<64x8x128xf32, #tpu.memory_space<vmem>> -> memref<1x8x128xf32, #tpu.memory_space<vmem>>
    %dma_start3A_186 = tpu.memref_squeeze %dma_start3A_185 : memref<1x8x128xf32, #tpu.memory_space<vmem>> -> memref<8x128xf32, #tpu.memory_space<vmem>>
    %dma_start3A_187 = tpu.memref_slice %arg2[%multiple_of3A_176, %multiple_of3A_173] : memref<1024x100000xf32, #tpu.memory_space<hbm>> -> memref<8x128xf32, #tpu.memory_space<hbm>>
    tpu.enqueue_dma source(%dma_start3A_187 : memref<8x128xf32, #tpu.memory_space<hbm>>) target(%dma_start3A_186 : memref<8x128xf32, #tpu.memory_space<vmem>>) target_semaphore(%arg10 : memref<!tpu.dma_semaphore, #tpu.memory_space<semaphore_mem>>)
    %slice3A_188 = vector.extract_strided_slice %shift_left3A_5 {offsets = [11], sizes = [1], strides = [1]} : vector<16xi32> to vector<1xi32>
    %squeeze3A_189 = vector.extract %slice3A_188[0] : i32 from vector<1xi32>
    %multiple_of3A_190 = tpu.assume_multiple %squeeze3A_189, 128 : i32
    %add3A_191 = arith.constant 8 : i32
    %add3A_192 = arith.addi %mul3A_0, %add3A_191 : i32
    %multiple_of3A_193 = tpu.assume_multiple %add3A_192, 8 : i32
    %dma_start3A_194 = arith.constant 11 : i32
    %dma_start3A_195 = arith.constant 0 : i32
    %dma_start3A_196 = arith.constant 0 : i32
    %dma_start3A_197 = tpu.memref_slice %arg7[%dma_start3A_194, %dma_start3A_195, %dma_start3A_196] : memref<64x8x128xf32, #tpu.memory_space<vmem>> -> memref<1x8x128xf32, #tpu.memory_space<vmem>>
    %dma_start3A_198 = tpu.memref_squeeze %dma_start3A_197 : memref<1x8x128xf32, #tpu.memory_space<vmem>> -> memref<8x128xf32, #tpu.memory_space<vmem>>
    %dma_start3A_199 = tpu.memref_slice %arg2[%multiple_of3A_193, %multiple_of3A_190] : memref<1024x100000xf32, #tpu.memory_space<hbm>> -> memref<8x128xf32, #tpu.memory_space<hbm>>
    %dma_start3A_200 = arith.constant 0 : i32
    %dma_start3A_201 = arith.constant 0 : i32
    %dma_start3A_202 = tpu.memref_slice %arg7[%dma_start3A_194, %dma_start3A_200, %dma_start3A_201] : memref<64x8x128xf32, #tpu.memory_space<vmem>> -> memref<1x8x128xf32, #tpu.memory_space<vmem>>
    %dma_start3A_203 = tpu.memref_squeeze %dma_start3A_202 : memref<1x8x128xf32, #tpu.memory_space<vmem>> -> memref<8x128xf32, #tpu.memory_space<vmem>>
    %dma_start3A_204 = tpu.memref_slice %arg2[%multiple_of3A_193, %multiple_of3A_190] : memref<1024x100000xf32, #tpu.memory_space<hbm>> -> memref<8x128xf32, #tpu.memory_space<hbm>>
    tpu.enqueue_dma source(%dma_start3A_204 : memref<8x128xf32, #tpu.memory_space<hbm>>) target(%dma_start3A_203 : memref<8x128xf32, #tpu.memory_space<vmem>>) target_semaphore(%arg10 : memref<!tpu.dma_semaphore, #tpu.memory_space<semaphore_mem>>)
    %slice3A_205 = vector.extract_strided_slice %shift_left3A_5 {offsets = [12], sizes = [1], strides = [1]} : vector<16xi32> to vector<1xi32>
    %squeeze3A_206 = vector.extract %slice3A_205[0] : i32 from vector<1xi32>
    %multiple_of3A_207 = tpu.assume_multiple %squeeze3A_206, 128 : i32
    %add3A_208 = arith.constant 8 : i32
    %add3A_209 = arith.addi %mul3A_0, %add3A_208 : i32
    %multiple_of3A_210 = tpu.assume_multiple %add3A_209, 8 : i32
    %dma_start3A_211 = arith.constant 12 : i32
    %dma_start3A_212 = arith.constant 0 : i32
    %dma_start3A_213 = arith.constant 0 : i32
    %dma_start3A_214 = tpu.memref_slice %arg7[%dma_start3A_211, %dma_start3A_212, %dma_start3A_213] : memref<64x8x128xf32, #tpu.memory_space<vmem>> -> memref<1x8x128xf32, #tpu.memory_space<vmem>>
    %dma_start3A_215 = tpu.memref_squeeze %dma_start3A_214 : memref<1x8x128xf32, #tpu.memory_space<vmem>> -> memref<8x128xf32, #tpu.memory_space<vmem>>
    %dma_start3A_216 = tpu.memref_slice %arg2[%multiple_of3A_210, %multiple_of3A_207] : memref<1024x100000xf32, #tpu.memory_space<hbm>> -> memref<8x128xf32, #tpu.memory_space<hbm>>
    %dma_start3A_217 = arith.constant 0 : i32
    %dma_start3A_218 = arith.constant 0 : i32
    %dma_start3A_219 = tpu.memref_slice %arg7[%dma_start3A_211, %dma_start3A_217, %dma_start3A_218] : memref<64x8x128xf32, #tpu.memory_space<vmem>> -> memref<1x8x128xf32, #tpu.memory_space<vmem>>
    %dma_start3A_220 = tpu.memref_squeeze %dma_start3A_219 : memref<1x8x128xf32, #tpu.memory_space<vmem>> -> memref<8x128xf32, #tpu.memory_space<vmem>>
    %dma_start3A_221 = tpu.memref_slice %arg2[%multiple_of3A_210, %multiple_of3A_207] : memref<1024x100000xf32, #tpu.memory_space<hbm>> -> memref<8x128xf32, #tpu.memory_space<hbm>>
    tpu.enqueue_dma source(%dma_start3A_221 : memref<8x128xf32, #tpu.memory_space<hbm>>) target(%dma_start3A_220 : memref<8x128xf32, #tpu.memory_space<vmem>>) target_semaphore(%arg10 : memref<!tpu.dma_semaphore, #tpu.memory_space<semaphore_mem>>)
    %slice3A_222 = vector.extract_strided_slice %shift_left3A_5 {offsets = [13], sizes = [1], strides = [1]} : vector<16xi32> to vector<1xi32>
    %squeeze3A_223 = vector.extract %slice3A_222[0] : i32 from vector<1xi32>
    %multiple_of3A_224 = tpu.assume_multiple %squeeze3A_223, 128 : i32
    %add3A_225 = arith.constant 8 : i32
    %add3A_226 = arith.addi %mul3A_0, %add3A_225 : i32
    %multiple_of3A_227 = tpu.assume_multiple %add3A_226, 8 : i32
    %dma_start3A_228 = arith.constant 13 : i32
    %dma_start3A_229 = arith.constant 0 : i32
    %dma_start3A_230 = arith.constant 0 : i32
    %dma_start3A_231 = tpu.memref_slice %arg7[%dma_start3A_228, %dma_start3A_229, %dma_start3A_230] : memref<64x8x128xf32, #tpu.memory_space<vmem>> -> memref<1x8x128xf32, #tpu.memory_space<vmem>>
    %dma_start3A_232 = tpu.memref_squeeze %dma_start3A_231 : memref<1x8x128xf32, #tpu.memory_space<vmem>> -> memref<8x128xf32, #tpu.memory_space<vmem>>
    %dma_start3A_233 = tpu.memref_slice %arg2[%multiple_of3A_227, %multiple_of3A_224] : memref<1024x100000xf32, #tpu.memory_space<hbm>> -> memref<8x128xf32, #tpu.memory_space<hbm>>
    %dma_start3A_234 = arith.constant 0 : i32
    %dma_start3A_235 = arith.constant 0 : i32
    %dma_start3A_236 = tpu.memref_slice %arg7[%dma_start3A_228, %dma_start3A_234, %dma_start3A_235] : memref<64x8x128xf32, #tpu.memory_space<vmem>> -> memref<1x8x128xf32, #tpu.memory_space<vmem>>
    %dma_start3A_237 = tpu.memref_squeeze %dma_start3A_236 : memref<1x8x128xf32, #tpu.memory_space<vmem>> -> memref<8x128xf32, #tpu.memory_space<vmem>>
    %dma_start3A_238 = tpu.memref_slice %arg2[%multiple_of3A_227, %multiple_of3A_224] : memref<1024x100000xf32, #tpu.memory_space<hbm>> -> memref<8x128xf32, #tpu.memory_space<hbm>>
    tpu.enqueue_dma source(%dma_start3A_238 : memref<8x128xf32, #tpu.memory_space<hbm>>) target(%dma_start3A_237 : memref<8x128xf32, #tpu.memory_space<vmem>>) target_semaphore(%arg10 : memref<!tpu.dma_semaphore, #tpu.memory_space<semaphore_mem>>)
    %slice3A_239 = vector.extract_strided_slice %shift_left3A_5 {offsets = [14], sizes = [1], strides = [1]} : vector<16xi32> to vector<1xi32>
    %squeeze3A_240 = vector.extract %slice3A_239[0] : i32 from vector<1xi32>
    %multiple_of3A_241 = tpu.assume_multiple %squeeze3A_240, 128 : i32
    %add3A_242 = arith.constant 8 : i32
    %add3A_243 = arith.addi %mul3A_0, %add3A_242 : i32
    %multiple_of3A_244 = tpu.assume_multiple %add3A_243, 8 : i32
    %dma_start3A_245 = arith.constant 14 : i32
    %dma_start3A_246 = arith.constant 0 : i32
    %dma_start3A_247 = arith.constant 0 : i32
    %dma_start3A_248 = tpu.memref_slice %arg7[%dma_start3A_245, %dma_start3A_246, %dma_start3A_247] : memref<64x8x128xf32, #tpu.memory_space<vmem>> -> memref<1x8x128xf32, #tpu.memory_space<vmem>>
    %dma_start3A_249 = tpu.memref_squeeze %dma_start3A_248 : memref<1x8x128xf32, #tpu.memory_space<vmem>> -> memref<8x128xf32, #tpu.memory_space<vmem>>
    %dma_start3A_250 = tpu.memref_slice %arg2[%multiple_of3A_244, %multiple_of3A_241] : memref<1024x100000xf32, #tpu.memory_space<hbm>> -> memref<8x128xf32, #tpu.memory_space<hbm>>
    %dma_start3A_251 = arith.constant 0 : i32
    %dma_start3A_252 = arith.constant 0 : i32
    %dma_start3A_253 = tpu.memref_slice %arg7[%dma_start3A_245, %dma_start3A_251, %dma_start3A_252] : memref<64x8x128xf32, #tpu.memory_space<vmem>> -> memref<1x8x128xf32, #tpu.memory_space<vmem>>
    %dma_start3A_254 = tpu.memref_squeeze %dma_start3A_253 : memref<1x8x128xf32, #tpu.memory_space<vmem>> -> memref<8x128xf32, #tpu.memory_space<vmem>>
    %dma_start3A_255 = tpu.memref_slice %arg2[%multiple_of3A_244, %multiple_of3A_241] : memref<1024x100000xf32, #tpu.memory_space<hbm>> -> memref<8x128xf32, #tpu.memory_space<hbm>>
    tpu.enqueue_dma source(%dma_start3A_255 : memref<8x128xf32, #tpu.memory_space<hbm>>) target(%dma_start3A_254 : memref<8x128xf32, #tpu.memory_space<vmem>>) target_semaphore(%arg10 : memref<!tpu.dma_semaphore, #tpu.memory_space<semaphore_mem>>)
    %slice3A_256 = vector.extract_strided_slice %shift_left3A_5 {offsets = [15], sizes = [1], strides = [1]} : vector<16xi32> to vector<1xi32>
    %squeeze3A_257 = vector.extract %slice3A_256[0] : i32 from vector<1xi32>
    %multiple_of3A_258 = tpu.assume_multiple %squeeze3A_257, 128 : i32
    %add3A_259 = arith.constant 8 : i32
    %add3A_260 = arith.addi %mul3A_0, %add3A_259 : i32
    %multiple_of3A_261 = tpu.assume_multiple %add3A_260, 8 : i32
    %dma_start3A_262 = arith.constant 15 : i32
    %dma_start3A_263 = arith.constant 0 : i32
    %dma_start3A_264 = arith.constant 0 : i32
    %dma_start3A_265 = tpu.memref_slice %arg7[%dma_start3A_262, %dma_start3A_263, %dma_start3A_264] : memref<64x8x128xf32, #tpu.memory_space<vmem>> -> memref<1x8x128xf32, #tpu.memory_space<vmem>>
    %dma_start3A_266 = tpu.memref_squeeze %dma_start3A_265 : memref<1x8x128xf32, #tpu.memory_space<vmem>> -> memref<8x128xf32, #tpu.memory_space<vmem>>
    %dma_start3A_267 = tpu.memref_slice %arg2[%multiple_of3A_261, %multiple_of3A_258] : memref<1024x100000xf32, #tpu.memory_space<hbm>> -> memref<8x128xf32, #tpu.memory_space<hbm>>
    %dma_start3A_268 = arith.constant 0 : i32
    %dma_start3A_269 = arith.constant 0 : i32
    %dma_start3A_270 = tpu.memref_slice %arg7[%dma_start3A_262, %dma_start3A_268, %dma_start3A_269] : memref<64x8x128xf32, #tpu.memory_space<vmem>> -> memref<1x8x128xf32, #tpu.memory_space<vmem>>
    %dma_start3A_271 = tpu.memref_squeeze %dma_start3A_270 : memref<1x8x128xf32, #tpu.memory_space<vmem>> -> memref<8x128xf32, #tpu.memory_space<vmem>>
    %dma_start3A_272 = tpu.memref_slice %arg2[%multiple_of3A_261, %multiple_of3A_258] : memref<1024x100000xf32, #tpu.memory_space<hbm>> -> memref<8x128xf32, #tpu.memory_space<hbm>>
    tpu.enqueue_dma source(%dma_start3A_272 : memref<8x128xf32, #tpu.memory_space<hbm>>) target(%dma_start3A_271 : memref<8x128xf32, #tpu.memory_space<vmem>>) target_semaphore(%arg10 : memref<!tpu.dma_semaphore, #tpu.memory_space<semaphore_mem>>)
    %get3A_273 = arith.constant 16 : index
    %get3A_274 = tpu.vector_load %arg6[%get3A_273] {strides = array<i32>} : memref<64xi32, #tpu.memory_space<vmem>>, vector<16xi32>,
    %shift_right_logical3A_275 = arith.constant 7 : i32
    %shift_right_logical3A_276 = vector.broadcast %shift_right_logical3A_275 : i32 to vector<16xi32>
    %shift_right_logical3A_277 = arith.shrui %get3A_274, %shift_right_logical3A_276 : vector<16xi32>
    %shift_left3A_278 = arith.constant 7 : i32
    %shift_left3A_279 = vector.broadcast %shift_left3A_278 : i32 to vector<16xi32>
    %shift_left3A_280 = arith.shli %shift_right_logical3A_277, %shift_left3A_279 : vector<16xi32>
    %slice3A_281 = vector.extract_strided_slice %shift_left3A_280 {offsets = [0], sizes = [1], strides = [1]} : vector<16xi32> to vector<1xi32>
    %squeeze3A_282 = vector.extract %slice3A_281[0] : i32 from vector<1xi32>
    %multiple_of3A_283 = tpu.assume_multiple %squeeze3A_282, 128 : i32
    %add3A_284 = arith.constant 16 : i32
    %add3A_285 = arith.addi %mul3A_0, %add3A_284 : i32
    %multiple_of3A_286 = tpu.assume_multiple %add3A_285, 8 : i32
    %dma_start3A_287 = arith.constant 16 : i32
    %dma_start3A_288 = arith.constant 0 : i32
    %dma_start3A_289 = arith.constant 0 : i32
    %dma_start3A_290 = tpu.memref_slice %arg7[%dma_start3A_287, %dma_start3A_288, %dma_start3A_289] : memref<64x8x128xf32, #tpu.memory_space<vmem>> -> memref<1x8x128xf32, #tpu.memory_space<vmem>>
    %dma_start3A_291 = tpu.memref_squeeze %dma_start3A_290 : memref<1x8x128xf32, #tpu.memory_space<vmem>> -> memref<8x128xf32, #tpu.memory_space<vmem>>
    %dma_start3A_292 = tpu.memref_slice %arg2[%multiple_of3A_286, %multiple_of3A_283] : memref<1024x100000xf32, #tpu.memory_space<hbm>> -> memref<8x128xf32, #tpu.memory_space<hbm>>
    %dma_start3A_293 = arith.constant 0 : i32
    %dma_start3A_294 = arith.constant 0 : i32
    %dma_start3A_295 = tpu.memref_slice %arg7[%dma_start3A_287, %dma_start3A_293, %dma_start3A_294] : memref<64x8x128xf32, #tpu.memory_space<vmem>> -> memref<1x8x128xf32, #tpu.memory_space<vmem>>
    %dma_start3A_296 = tpu.memref_squeeze %dma_start3A_295 : memref<1x8x128xf32, #tpu.memory_space<vmem>> -> memref<8x128xf32, #tpu.memory_space<vmem>>
    %dma_start3A_297 = tpu.memref_slice %arg2[%multiple_of3A_286, %multiple_of3A_283] : memref<1024x100000xf32, #tpu.memory_space<hbm>> -> memref<8x128xf32, #tpu.memory_space<hbm>>
    tpu.enqueue_dma source(%dma_start3A_297 : memref<8x128xf32, #tpu.memory_space<hbm>>) target(%dma_start3A_296 : memref<8x128xf32, #tpu.memory_space<vmem>>) target_semaphore(%arg10 : memref<!tpu.dma_semaphore, #tpu.memory_space<semaphore_mem>>)
    %slice3A_298 = vector.extract_strided_slice %shift_left3A_280 {offsets = [1], sizes = [1], strides = [1]} : vector<16xi32> to vector<1xi32>
    %squeeze3A_299 = vector.extract %slice3A_298[0] : i32 from vector<1xi32>
    %multiple_of3A_300 = tpu.assume_multiple %squeeze3A_299, 128 : i32
    %add3A_301 = arith.constant 16 : i32
    %add3A_302 = arith.addi %mul3A_0, %add3A_301 : i32
    %multiple_of3A_303 = tpu.assume_multiple %add3A_302, 8 : i32
    %dma_start3A_304 = arith.constant 17 : i32
    %dma_start3A_305 = arith.constant 0 : i32
    %dma_start3A_306 = arith.constant 0 : i32
    %dma_start3A_307 = tpu.memref_slice %arg7[%dma_start3A_304, %dma_start3A_305, %dma_start3A_306] : memref<64x8x128xf32, #tpu.memory_space<vmem>> -> memref<1x8x128xf32, #tpu.memory_space<vmem>>
    %dma_start3A_308 = tpu.memref_squeeze %dma_start3A_307 : memref<1x8x128xf32, #tpu.memory_space<vmem>> -> memref<8x128xf32, #tpu.memory_space<vmem>>
    %dma_start3A_309 = tpu.memref_slice %arg2[%multiple_of3A_303, %multiple_of3A_300] : memref<1024x100000xf32, #tpu.memory_space<hbm>> -> memref<8x128xf32, #tpu.memory_space<hbm>>
    %dma_start3A_310 = arith.constant 0 : i32
    %dma_start3A_311 = arith.constant 0 : i32
    %dma_start3A_312 = tpu.memref_slice %arg7[%dma_start3A_304, %dma_start3A_310, %dma_start3A_311] : memref<64x8x128xf32, #tpu.memory_space<vmem>> -> memref<1x8x128xf32, #tpu.memory_space<vmem>>
    %dma_start3A_313 = tpu.memref_squeeze %dma_start3A_312 : memref<1x8x128xf32, #tpu.memory_space<vmem>> -> memref<8x128xf32, #tpu.memory_space<vmem>>
    %dma_start3A_314 = tpu.memref_slice %arg2[%multiple_of3A_303, %multiple_of3A_300] : memref<1024x100000xf32, #tpu.memory_space<hbm>> -> memref<8x128xf32, #tpu.memory_space<hbm>>
    tpu.enqueue_dma source(%dma_start3A_314 : memref<8x128xf32, #tpu.memory_space<hbm>>) target(%dma_start3A_313 : memref<8x128xf32, #tpu.memory_space<vmem>>) target_semaphore(%arg10 : memref<!tpu.dma_semaphore, #tpu.memory_space<semaphore_mem>>)
    %slice3A_315 = vector.extract_strided_slice %shift_left3A_280 {offsets = [2], sizes = [1], strides = [1]} : vector<16xi32> to vector<1xi32>
    %squeeze3A_316 = vector.extract %slice3A_315[0] : i32 from vector<1xi32>
    %multiple_of3A_317 = tpu.assume_multiple %squeeze3A_316, 128 : i32
    %add3A_318 = arith.constant 16 : i32
    %add3A_319 = arith.addi %mul3A_0, %add3A_318 : i32
    %multiple_of3A_320 = tpu.assume_multiple %add3A_319, 8 : i32
    %dma_start3A_321 = arith.constant 18 : i32
    %dma_start3A_322 = arith.constant 0 : i32
    %dma_start3A_323 = arith.constant 0 : i32
    %dma_start3A_324 = tpu.memref_slice %arg7[%dma_start3A_321, %dma_start3A_322, %dma_start3A_323] : memref<64x8x128xf32, #tpu.memory_space<vmem>> -> memref<1x8x128xf32, #tpu.memory_space<vmem>>
    %dma_start3A_325 = tpu.memref_squeeze %dma_start3A_324 : memref<1x8x128xf32, #tpu.memory_space<vmem>> -> memref<8x128xf32, #tpu.memory_space<vmem>>
    %dma_start3A_326 = tpu.memref_slice %arg2[%multiple_of3A_320, %multiple_of3A_317] : memref<1024x100000xf32, #tpu.memory_space<hbm>> -> memref<8x128xf32, #tpu.memory_space<hbm>>
    %dma_start3A_327 = arith.constant 0 : i32
    %dma_start3A_328 = arith.constant 0 : i32
    %dma_start3A_329 = tpu.memref_slice %arg7[%dma_start3A_321, %dma_start3A_327, %dma_start3A_328] : memref<64x8x128xf32, #tpu.memory_space<vmem>> -> memref<1x8x128xf32, #tpu.memory_space<vmem>>
    %dma_start3A_330 = tpu.memref_squeeze %dma_start3A_329 : memref<1x8x128xf32, #tpu.memory_space<vmem>> -> memref<8x128xf32, #tpu.memory_space<vmem>>
    %dma_start3A_331 = tpu.memref_slice %arg2[%multiple_of3A_320, %multiple_of3A_317] : memref<1024x100000xf32, #tpu.memory_space<hbm>> -> memref<8x128xf32, #tpu.memory_space<hbm>>
    tpu.enqueue_dma source(%dma_start3A_331 : memref<8x128xf32, #tpu.memory_space<hbm>>) target(%dma_start3A_330 : memref<8x128xf32, #tpu.memory_space<vmem>>) target_semaphore(%arg10 : memref<!tpu.dma_semaphore, #tpu.memory_space<semaphore_mem>>)
    %slice3A_332 = vector.extract_strided_slice %shift_left3A_280 {offsets = [3], sizes = [1], strides = [1]} : vector<16xi32> to vector<1xi32>
    %squeeze3A_333 = vector.extract %slice3A_332[0] : i32 from vector<1xi32>
    %multiple_of3A_334 = tpu.assume_multiple %squeeze3A_333, 128 : i32
    %add3A_335 = arith.constant 16 : i32
    %add3A_336 = arith.addi %mul3A_0, %add3A_335 : i32
    %multiple_of3A_337 = tpu.assume_multiple %add3A_336, 8 : i32
    %dma_start3A_338 = arith.constant 19 : i32
    %dma_start3A_339 = arith.constant 0 : i32
    %dma_start3A_340 = arith.constant 0 : i32
    %dma_start3A_341 = tpu.memref_slice %arg7[%dma_start3A_338, %dma_start3A_339, %dma_start3A_340] : memref<64x8x128xf32, #tpu.memory_space<vmem>> -> memref<1x8x128xf32, #tpu.memory_space<vmem>>
    %dma_start3A_342 = tpu.memref_squeeze %dma_start3A_341 : memref<1x8x128xf32, #tpu.memory_space<vmem>> -> memref<8x128xf32, #tpu.memory_space<vmem>>
    %dma_start3A_343 = tpu.memref_slice %arg2[%multiple_of3A_337, %multiple_of3A_334] : memref<1024x100000xf32, #tpu.memory_space<hbm>> -> memref<8x128xf32, #tpu.memory_space<hbm>>
    %dma_start3A_344 = arith.constant 0 : i32
    %dma_start3A_345 = arith.constant 0 : i32
    %dma_start3A_346 = tpu.memref_slice %arg7[%dma_start3A_338, %dma_start3A_344, %dma_start3A_345] : memref<64x8x128xf32, #tpu.memory_space<vmem>> -> memref<1x8x128xf32, #tpu.memory_space<vmem>>
    %dma_start3A_347 = tpu.memref_squeeze %dma_start3A_346 : memref<1x8x128xf32, #tpu.memory_space<vmem>> -> memref<8x128xf32, #tpu.memory_space<vmem>>
    %dma_start3A_348 = tpu.memref_slice %arg2[%multiple_of3A_337, %multiple_of3A_334] : memref<1024x100000xf32, #tpu.memory_space<hbm>> -> memref<8x128xf32, #tpu.memory_space<hbm>>
    tpu.enqueue_dma source(%dma_start3A_348 : memref<8x128xf32, #tpu.memory_space<hbm>>) target(%dma_start3A_347 : memref<8x128xf32, #tpu.memory_space<vmem>>) target_semaphore(%arg10 : memref<!tpu.dma_semaphore, #tpu.memory_space<semaphore_mem>>)
    %slice3A_349 = vector.extract_strided_slice %shift_left3A_280 {offsets = [4], sizes = [1], strides = [1]} : vector<16xi32> to vector<1xi32>
    %squeeze3A_350 = vector.extract %slice3A_349[0] : i32 from vector<1xi32>
    %multiple_of3A_351 = tpu.assume_multiple %squeeze3A_350, 128 : i32
    %add3A_352 = arith.constant 16 : i32
    %add3A_353 = arith.addi %mul3A_0, %add3A_352 : i32
    %multiple_of3A_354 = tpu.assume_multiple %add3A_353, 8 : i32
    %dma_start3A_355 = arith.constant 20 : i32
    %dma_start3A_356 = arith.constant 0 : i32
    %dma_start3A_357 = arith.constant 0 : i32
    %dma_start3A_358 = tpu.memref_slice %arg7[%dma_start3A_355, %dma_start3A_356, %dma_start3A_357] : memref<64x8x128xf32, #tpu.memory_space<vmem>> -> memref<1x8x128xf32, #tpu.memory_space<vmem>>
    %dma_start3A_359 = tpu.memref_squeeze %dma_start3A_358 : memref<1x8x128xf32, #tpu.memory_space<vmem>> -> memref<8x128xf32, #tpu.memory_space<vmem>>
    %dma_start3A_360 = tpu.memref_slice %arg2[%multiple_of3A_354, %multiple_of3A_351] : memref<1024x100000xf32, #tpu.memory_space<hbm>> -> memref<8x128xf32, #tpu.memory_space<hbm>>
    %dma_start3A_361 = arith.constant 0 : i32
    %dma_start3A_362 = arith.constant 0 : i32
    %dma_start3A_363 = tpu.memref_slice %arg7[%dma_start3A_355, %dma_start3A_361, %dma_start3A_362] : memref<64x8x128xf32, #tpu.memory_space<vmem>> -> memref<1x8x128xf32, #tpu.memory_space<vmem>>
    %dma_start3A_364 = tpu.memref_squeeze %dma_start3A_363 : memref<1x8x128xf32, #tpu.memory_space<vmem>> -> memref<8x128xf32, #tpu.memory_space<vmem>>
    %dma_start3A_365 = tpu.memref_slice %arg2[%multiple_of3A_354, %multiple_of3A_351] : memref<1024x100000xf32, #tpu.memory_space<hbm>> -> memref<8x128xf32, #tpu.memory_space<hbm>>
    tpu.enqueue_dma source(%dma_start3A_365 : memref<8x128xf32, #tpu.memory_space<hbm>>) target(%dma_start3A_364 : memref<8x128xf32, #tpu.memory_space<vmem>>) target_semaphore(%arg10 : memref<!tpu.dma_semaphore, #tpu.memory_space<semaphore_mem>>)
    %slice3A_366 = vector.extract_strided_slice %shift_left3A_280 {offsets = [5], sizes = [1], strides = [1]} : vector<16xi32> to vector<1xi32>
    %squeeze3A_367 = vector.extract %slice3A_366[0] : i32 from vector<1xi32>
    %multiple_of3A_368 = tpu.assume_multiple %squeeze3A_367, 128 : i32
    %add3A_369 = arith.constant 16 : i32
    %add3A_370 = arith.addi %mul3A_0, %add3A_369 : i32
    %multiple_of3A_371 = tpu.assume_multiple %add3A_370, 8 : i32
    %dma_start3A_372 = arith.constant 21 : i32
    %dma_start3A_373 = arith.constant 0 : i32
    %dma_start3A_374 = arith.constant 0 : i32
    %dma_start3A_375 = tpu.memref_slice %arg7[%dma_start3A_372, %dma_start3A_373, %dma_start3A_374] : memref<64x8x128xf32, #tpu.memory_space<vmem>> -> memref<1x8x128xf32, #tpu.memory_space<vmem>>
    %dma_start3A_376 = tpu.memref_squeeze %dma_start3A_375 : memref<1x8x128xf32, #tpu.memory_space<vmem>> -> memref<8x128xf32, #tpu.memory_space<vmem>>
    %dma_start3A_377 = tpu.memref_slice %arg2[%multiple_of3A_371, %multiple_of3A_368] : memref<1024x100000xf32, #tpu.memory_space<hbm>> -> memref<8x128xf32, #tpu.memory_space<hbm>>
    %dma_start3A_378 = arith.constant 0 : i32
    %dma_start3A_379 = arith.constant 0 : i32
    %dma_start3A_380 = tpu.memref_slice %arg7[%dma_start3A_372, %dma_start3A_378, %dma_start3A_379] : memref<64x8x128xf32, #tpu.memory_space<vmem>> -> memref<1x8x128xf32, #tpu.memory_space<vmem>>
    %dma_start3A_381 = tpu.memref_squeeze %dma_start3A_380 : memref<1x8x128xf32, #tpu.memory_space<vmem>> -> memref<8x128xf32, #tpu.memory_space<vmem>>
    %dma_start3A_382 = tpu.memref_slice %arg2[%multiple_of3A_371, %multiple_of3A_368] : memref<1024x100000xf32, #tpu.memory_space<hbm>> -> memref<8x128xf32, #tpu.memory_space<hbm>>
    tpu.enqueue_dma source(%dma_start3A_382 : memref<8x128xf32, #tpu.memory_space<hbm>>) target(%dma_start3A_381 : memref<8x128xf32, #tpu.memory_space<vmem>>) target_semaphore(%arg10 : memref<!tpu.dma_semaphore, #tpu.memory_space<semaphore_mem>>)
    %slice3A_383 = vector.extract_strided_slice %shift_left3A_280 {offsets = [6], sizes = [1], strides = [1]} : vector<16xi32> to vector<1xi32>
    %squeeze3A_384 = vector.extract %slice3A_383[0] : i32 from vector<1xi32>
    %multiple_of3A_385 = tpu.assume_multiple %squeeze3A_384, 128 : i32
    %add3A_386 = arith.constant 16 : i32
    %add3A_387 = arith.addi %mul3A_0, %add3A_386 : i32
    %multiple_of3A_388 = tpu.assume_multiple %add3A_387, 8 : i32
    %dma_start3A_389 = arith.constant 22 : i32
    %dma_start3A_390 = arith.constant 0 : i32
    %dma_start3A_391 = arith.constant 0 : i32
    %dma_start3A_392 = tpu.memref_slice %arg7[%dma_start3A_389, %dma_start3A_390, %dma_start3A_391] : memref<64x8x128xf32, #tpu.memory_space<vmem>> -> memref<1x8x128xf32, #tpu.memory_space<vmem>>
    %dma_start3A_393 = tpu.memref_squeeze %dma_start3A_392 : memref<1x8x128xf32, #tpu.memory_space<vmem>> -> memref<8x128xf32, #tpu.memory_space<vmem>>
    %dma_start3A_394 = tpu.memref_slice %arg2[%multiple_of3A_388, %multiple_of3A_385] : memref<1024x100000xf32, #tpu.memory_space<hbm>> -> memref<8x128xf32, #tpu.memory_space<hbm>>
    %dma_start3A_395 = arith.constant 0 : i32
    %dma_start3A_396 = arith.constant 0 : i32
    %dma_start3A_397 = tpu.memref_slice %arg7[%dma_start3A_389, %dma_start3A_395, %dma_start3A_396] : memref<64x8x128xf32, #tpu.memory_space<vmem>> -> memref<1x8x128xf32, #tpu.memory_space<vmem>>
    %dma_start3A_398 = tpu.memref_squeeze %dma_start3A_397 : memref<1x8x128xf32, #tpu.memory_space<vmem>> -> memref<8x128xf32, #tpu.memory_space<vmem>>
    %dma_start3A_399 = tpu.memref_slice %arg2[%multiple_of3A_388, %multiple_of3A_385] : memref<1024x100000xf32, #tpu.memory_space<hbm>> -> memref<8x128xf32, #tpu.memory_space<hbm>>
    tpu.enqueue_dma source(%dma_start3A_399 : memref<8x128xf32, #tpu.memory_space<hbm>>) target(%dma_start3A_398 : memref<8x128xf32, #tpu.memory_space<vmem>>) target_semaphore(%arg10 : memref<!tpu.dma_semaphore, #tpu.memory_space<semaphore_mem>>)
    %slice3A_400 = vector.extract_strided_slice %shift_left3A_280 {offsets = [7], sizes = [1], strides = [1]} : vector<16xi32> to vector<1xi32>
    %squeeze3A_401 = vector.extract %slice3A_400[0] : i32 from vector<1xi32>
    %multiple_of3A_402 = tpu.assume_multiple %squeeze3A_401, 128 : i32
    %add3A_403 = arith.constant 16 : i32
    %add3A_404 = arith.addi %mul3A_0, %add3A_403 : i32
    %multiple_of3A_405 = tpu.assume_multiple %add3A_404, 8 : i32
    %dma_start3A_406 = arith.constant 23 : i32
    %dma_start3A_407 = arith.constant 0 : i32
    %dma_start3A_408 = arith.constant 0 : i32
    %dma_start3A_409 = tpu.memref_slice %arg7[%dma_start3A_406, %dma_start3A_407, %dma_start3A_408] : memref<64x8x128xf32, #tpu.memory_space<vmem>> -> memref<1x8x128xf32, #tpu.memory_space<vmem>>
    %dma_start3A_410 = tpu.memref_squeeze %dma_start3A_409 : memref<1x8x128xf32, #tpu.memory_space<vmem>> -> memref<8x128xf32, #tpu.memory_space<vmem>>
    %dma_start3A_411 = tpu.memref_slice %arg2[%multiple_of3A_405, %multiple_of3A_402] : memref<1024x100000xf32, #tpu.memory_space<hbm>> -> memref<8x128xf32, #tpu.memory_space<hbm>>
    %dma_start3A_412 = arith.constant 0 : i32
    %dma_start3A_413 = arith.constant 0 : i32
    %dma_start3A_414 = tpu.memref_slice %arg7[%dma_start3A_406, %dma_start3A_412, %dma_start3A_413] : memref<64x8x128xf32, #tpu.memory_space<vmem>> -> memref<1x8x128xf32, #tpu.memory_space<vmem>>
    %dma_start3A_415 = tpu.memref_squeeze %dma_start3A_414 : memref<1x8x128xf32, #tpu.memory_space<vmem>> -> memref<8x128xf32, #tpu.memory_space<vmem>>
    %dma_start3A_416 = tpu.memref_slice %arg2[%multiple_of3A_405, %multiple_of3A_402] : memref<1024x100000xf32, #tpu.memory_space<hbm>> -> memref<8x128xf32, #tpu.memory_space<hbm>>
    tpu.enqueue_dma source(%dma_start3A_416 : memref<8x128xf32, #tpu.memory_space<hbm>>) target(%dma_start3A_415 : memref<8x128xf32, #tpu.memory_space<vmem>>) target_semaphore(%arg10 : memref<!tpu.dma_semaphore, #tpu.memory_space<semaphore_mem>>)
    %slice3A_417 = vector.extract_strided_slice %shift_left3A_280 {offsets = [8], sizes = [1], strides = [1]} : vector<16xi32> to vector<1xi32>
    %squeeze3A_418 = vector.extract %slice3A_417[0] : i32 from vector<1xi32>
    %multiple_of3A_419 = tpu.assume_multiple %squeeze3A_418, 128 : i32
    %add3A_420 = arith.constant 24 : i32
    %add3A_421 = arith.addi %mul3A_0, %add3A_420 : i32
    %multiple_of3A_422 = tpu.assume_multiple %add3A_421, 8 : i32
    %dma_start3A_423 = arith.constant 24 : i32
    %dma_start3A_424 = arith.constant 0 : i32
    %dma_start3A_425 = arith.constant 0 : i32
    %dma_start3A_426 = tpu.memref_slice %arg7[%dma_start3A_423, %dma_start3A_424, %dma_start3A_425] : memref<64x8x128xf32, #tpu.memory_space<vmem>> -> memref<1x8x128xf32, #tpu.memory_space<vmem>>
    %dma_start3A_427 = tpu.memref_squeeze %dma_start3A_426 : memref<1x8x128xf32, #tpu.memory_space<vmem>> -> memref<8x128xf32, #tpu.memory_space<vmem>>
    %dma_start3A_428 = tpu.memref_slice %arg2[%multiple_of3A_422, %multiple_of3A_419] : memref<1024x100000xf32, #tpu.memory_space<hbm>> -> memref<8x128xf32, #tpu.memory_space<hbm>>
    %dma_start3A_429 = arith.constant 0 : i32
    %dma_start3A_430 = arith.constant 0 : i32
    %dma_start3A_431 = tpu.memref_slice %arg7[%dma_start3A_423, %dma_start3A_429, %dma_start3A_430] : memref<64x8x128xf32, #tpu.memory_space<vmem>> -> memref<1x8x128xf32, #tpu.memory_space<vmem>>
    %dma_start3A_432 = tpu.memref_squeeze %dma_start3A_431 : memref<1x8x128xf32, #tpu.memory_space<vmem>> -> memref<8x128xf32, #tpu.memory_space<vmem>>
    %dma_start3A_433 = tpu.memref_slice %arg2[%multiple_of3A_422, %multiple_of3A_419] : memref<1024x100000xf32, #tpu.memory_space<hbm>> -> memref<8x128xf32, #tpu.memory_space<hbm>>
    tpu.enqueue_dma source(%dma_start3A_433 : memref<8x128xf32, #tpu.memory_space<hbm>>) target(%dma_start3A_432 : memref<8x128xf32, #tpu.memory_space<vmem>>) target_semaphore(%arg10 : memref<!tpu.dma_semaphore, #tpu.memory_space<semaphore_mem>>)
    %slice3A_434 = vector.extract_strided_slice %shift_left3A_280 {offsets = [9], sizes = [1], strides = [1]} : vector<16xi32> to vector<1xi32>
    %squeeze3A_435 = vector.extract %slice3A_434[0] : i32 from vector<1xi32>
    %multiple_of3A_436 = tpu.assume_multiple %squeeze3A_435, 128 : i32
    %add3A_437 = arith.constant 24 : i32
    %add3A_438 = arith.addi %mul3A_0, %add3A_437 : i32
    %multiple_of3A_439 = tpu.assume_multiple %add3A_438, 8 : i32
    %dma_start3A_440 = arith.constant 25 : i32
    %dma_start3A_441 = arith.constant 0 : i32
    %dma_start3A_442 = arith.constant 0 : i32
    %dma_start3A_443 = tpu.memref_slice %arg7[%dma_start3A_440, %dma_start3A_441, %dma_start3A_442] : memref<64x8x128xf32, #tpu.memory_space<vmem>> -> memref<1x8x128xf32, #tpu.memory_space<vmem>>
    %dma_start3A_444 = tpu.memref_squeeze %dma_start3A_443 : memref<1x8x128xf32, #tpu.memory_space<vmem>> -> memref<8x128xf32, #tpu.memory_space<vmem>>
    %dma_start3A_445 = tpu.memref_slice %arg2[%multiple_of3A_439, %multiple_of3A_436] : memref<1024x100000xf32, #tpu.memory_space<hbm>> -> memref<8x128xf32, #tpu.memory_space<hbm>>
    %dma_start3A_446 = arith.constant 0 : i32
    %dma_start3A_447 = arith.constant 0 : i32
    %dma_start3A_448 = tpu.memref_slice %arg7[%dma_start3A_440, %dma_start3A_446, %dma_start3A_447] : memref<64x8x128xf32, #tpu.memory_space<vmem>> -> memref<1x8x128xf32, #tpu.memory_space<vmem>>
    %dma_start3A_449 = tpu.memref_squeeze %dma_start3A_448 : memref<1x8x128xf32, #tpu.memory_space<vmem>> -> memref<8x128xf32, #tpu.memory_space<vmem>>
    %dma_start3A_450 = tpu.memref_slice %arg2[%multiple_of3A_439, %multiple_of3A_436] : memref<1024x100000xf32, #tpu.memory_space<hbm>> -> memref<8x128xf32, #tpu.memory_space<hbm>>
    tpu.enqueue_dma source(%dma_start3A_450 : memref<8x128xf32, #tpu.memory_space<hbm>>) target(%dma_start3A_449 : memref<8x128xf32, #tpu.memory_space<vmem>>) target_semaphore(%arg10 : memref<!tpu.dma_semaphore, #tpu.memory_space<semaphore_mem>>)
    %slice3A_451 = vector.extract_strided_slice %shift_left3A_280 {offsets = [10], sizes = [1], strides = [1]} : vector<16xi32> to vector<1xi32>
    %squeeze3A_452 = vector.extract %slice3A_451[0] : i32 from vector<1xi32>
    %multiple_of3A_453 = tpu.assume_multiple %squeeze3A_452, 128 : i32
    %add3A_454 = arith.constant 24 : i32
    %add3A_455 = arith.addi %mul3A_0, %add3A_454 : i32
    %multiple_of3A_456 = tpu.assume_multiple %add3A_455, 8 : i32
    %dma_start3A_457 = arith.constant 26 : i32
    %dma_start3A_458 = arith.constant 0 : i32
    %dma_start3A_459 = arith.constant 0 : i32
    %dma_start3A_460 = tpu.memref_slice %arg7[%dma_start3A_457, %dma_start3A_458, %dma_start3A_459] : memref<64x8x128xf32, #tpu.memory_space<vmem>> -> memref<1x8x128xf32, #tpu.memory_space<vmem>>
    %dma_start3A_461 = tpu.memref_squeeze %dma_start3A_460 : memref<1x8x128xf32, #tpu.memory_space<vmem>> -> memref<8x128xf32, #tpu.memory_space<vmem>>
    %dma_start3A_462 = tpu.memref_slice %arg2[%multiple_of3A_456, %multiple_of3A_453] : memref<1024x100000xf32, #tpu.memory_space<hbm>> -> memref<8x128xf32, #tpu.memory_space<hbm>>
    %dma_start3A_463 = arith.constant 0 : i32
    %dma_start3A_464 = arith.constant 0 : i32
    %dma_start3A_465 = tpu.memref_slice %arg7[%dma_start3A_457, %dma_start3A_463, %dma_start3A_464] : memref<64x8x128xf32, #tpu.memory_space<vmem>> -> memref<1x8x128xf32, #tpu.memory_space<vmem>>
    %dma_start3A_466 = tpu.memref_squeeze %dma_start3A_465 : memref<1x8x128xf32, #tpu.memory_space<vmem>> -> memref<8x128xf32, #tpu.memory_space<vmem>>
    %dma_start3A_467 = tpu.memref_slice %arg2[%multiple_of3A_456, %multiple_of3A_453] : memref<1024x100000xf32, #tpu.memory_space<hbm>> -> memref<8x128xf32, #tpu.memory_space<hbm>>
    tpu.enqueue_dma source(%dma_start3A_467 : memref<8x128xf32, #tpu.memory_space<hbm>>) target(%dma_start3A_466 : memref<8x128xf32, #tpu.memory_space<vmem>>) target_semaphore(%arg10 : memref<!tpu.dma_semaphore, #tpu.memory_space<semaphore_mem>>)
    %slice3A_468 = vector.extract_strided_slice %shift_left3A_280 {offsets = [11], sizes = [1], strides = [1]} : vector<16xi32> to vector<1xi32>
    %squeeze3A_469 = vector.extract %slice3A_468[0] : i32 from vector<1xi32>
    %multiple_of3A_470 = tpu.assume_multiple %squeeze3A_469, 128 : i32
    %add3A_471 = arith.constant 24 : i32
    %add3A_472 = arith.addi %mul3A_0, %add3A_471 : i32
    %multiple_of3A_473 = tpu.assume_multiple %add3A_472, 8 : i32
    %dma_start3A_474 = arith.constant 27 : i32
    %dma_start3A_475 = arith.constant 0 : i32
    %dma_start3A_476 = arith.constant 0 : i32
    %dma_start3A_477 = tpu.memref_slice %arg7[%dma_start3A_474, %dma_start3A_475, %dma_start3A_476] : memref<64x8x128xf32, #tpu.memory_space<vmem>> -> memref<1x8x128xf32, #tpu.memory_space<vmem>>
    %dma_start3A_478 = tpu.memref_squeeze %dma_start3A_477 : memref<1x8x128xf32, #tpu.memory_space<vmem>> -> memref<8x128xf32, #tpu.memory_space<vmem>>
    %dma_start3A_479 = tpu.memref_slice %arg2[%multiple_of3A_473, %multiple_of3A_470] : memref<1024x100000xf32, #tpu.memory_space<hbm>> -> memref<8x128xf32, #tpu.memory_space<hbm>>
    %dma_start3A_480 = arith.constant 0 : i32
    %dma_start3A_481 = arith.constant 0 : i32
    %dma_start3A_482 = tpu.memref_slice %arg7[%dma_start3A_474, %dma_start3A_480, %dma_start3A_481] : memref<64x8x128xf32, #tpu.memory_space<vmem>> -> memref<1x8x128xf32, #tpu.memory_space<vmem>>
    %dma_start3A_483 = tpu.memref_squeeze %dma_start3A_482 : memref<1x8x128xf32, #tpu.memory_space<vmem>> -> memref<8x128xf32, #tpu.memory_space<vmem>>
    %dma_start3A_484 = tpu.memref_slice %arg2[%multiple_of3A_473, %multiple_of3A_470] : memref<1024x100000xf32, #tpu.memory_space<hbm>> -> memref<8x128xf32, #tpu.memory_space<hbm>>
    tpu.enqueue_dma source(%dma_start3A_484 : memref<8x128xf32, #tpu.memory_space<hbm>>) target(%dma_start3A_483 : memref<8x128xf32, #tpu.memory_space<vmem>>) target_semaphore(%arg10 : memref<!tpu.dma_semaphore, #tpu.memory_space<semaphore_mem>>)
    %slice3A_485 = vector.extract_strided_slice %shift_left3A_280 {offsets = [12], sizes = [1], strides = [1]} : vector<16xi32> to vector<1xi32>
    %squeeze3A_486 = vector.extract %slice3A_485[0] : i32 from vector<1xi32>
    %multiple_of3A_487 = tpu.assume_multiple %squeeze3A_486, 128 : i32
    %add3A_488 = arith.constant 24 : i32
    %add3A_489 = arith.addi %mul3A_0, %add3A_488 : i32
    %multiple_of3A_490 = tpu.assume_multiple %add3A_489, 8 : i32
    %dma_start3A_491 = arith.constant 28 : i32
    %dma_start3A_492 = arith.constant 0 : i32
    %dma_start3A_493 = arith.constant 0 : i32
    %dma_start3A_494 = tpu.memref_slice %arg7[%dma_start3A_491, %dma_start3A_492, %dma_start3A_493] : memref<64x8x128xf32, #tpu.memory_space<vmem>> -> memref<1x8x128xf32, #tpu.memory_space<vmem>>
    %dma_start3A_495 = tpu.memref_squeeze %dma_start3A_494 : memref<1x8x128xf32, #tpu.memory_space<vmem>> -> memref<8x128xf32, #tpu.memory_space<vmem>>
    %dma_start3A_496 = tpu.memref_slice %arg2[%multiple_of3A_490, %multiple_of3A_487] : memref<1024x100000xf32, #tpu.memory_space<hbm>> -> memref<8x128xf32, #tpu.memory_space<hbm>>
    %dma_start3A_497 = arith.constant 0 : i32
    %dma_start3A_498 = arith.constant 0 : i32
    %dma_start3A_499 = tpu.memref_slice %arg7[%dma_start3A_491, %dma_start3A_497, %dma_start3A_498] : memref<64x8x128xf32, #tpu.memory_space<vmem>> -> memref<1x8x128xf32, #tpu.memory_space<vmem>>
    %dma_start3A_500 = tpu.memref_squeeze %dma_start3A_499 : memref<1x8x128xf32, #tpu.memory_space<vmem>> -> memref<8x128xf32, #tpu.memory_space<vmem>>
    %dma_start3A_501 = tpu.memref_slice %arg2[%multiple_of3A_490, %multiple_of3A_487] : memref<1024x100000xf32, #tpu.memory_space<hbm>> -> memref<8x128xf32, #tpu.memory_space<hbm>>
    tpu.enqueue_dma source(%dma_start3A_501 : memref<8x128xf32, #tpu.memory_space<hbm>>) target(%dma_start3A_500 : memref<8x128xf32, #tpu.memory_space<vmem>>) target_semaphore(%arg10 : memref<!tpu.dma_semaphore, #tpu.memory_space<semaphore_mem>>)
    %slice3A_502 = vector.extract_strided_slice %shift_left3A_280 {offsets = [13], sizes = [1], strides = [1]} : vector<16xi32> to vector<1xi32>
    %squeeze3A_503 = vector.extract %slice3A_502[0] : i32 from vector<1xi32>
    %multiple_of3A_504 = tpu.assume_multiple %squeeze3A_503, 128 : i32
    %add3A_505 = arith.constant 24 : i32
    %add3A_506 = arith.addi %mul3A_0, %add3A_505 : i32
    %multiple_of3A_507 = tpu.assume_multiple %add3A_506, 8 : i32
    %dma_start3A_508 = arith.constant 29 : i32
    %dma_start3A_509 = arith.constant 0 : i32
    %dma_start3A_510 = arith.constant 0 : i32
    %dma_start3A_511 = tpu.memref_slice %arg7[%dma_start3A_508, %dma_start3A_509, %dma_start3A_510] : memref<64x8x128xf32, #tpu.memory_space<vmem>> -> memref<1x8x128xf32, #tpu.memory_space<vmem>>
    %dma_start3A_512 = tpu.memref_squeeze %dma_start3A_511 : memref<1x8x128xf32, #tpu.memory_space<vmem>> -> memref<8x128xf32, #tpu.memory_space<vmem>>
    %dma_start3A_513 = tpu.memref_slice %arg2[%multiple_of3A_507, %multiple_of3A_504] : memref<1024x100000xf32, #tpu.memory_space<hbm>> -> memref<8x128xf32, #tpu.memory_space<hbm>>
    %dma_start3A_514 = arith.constant 0 : i32
    %dma_start3A_515 = arith.constant 0 : i32
    %dma_start3A_516 = tpu.memref_slice %arg7[%dma_start3A_508, %dma_start3A_514, %dma_start3A_515] : memref<64x8x128xf32, #tpu.memory_space<vmem>> -> memref<1x8x128xf32, #tpu.memory_space<vmem>>
    %dma_start3A_517 = tpu.memref_squeeze %dma_start3A_516 : memref<1x8x128xf32, #tpu.memory_space<vmem>> -> memref<8x128xf32, #tpu.memory_space<vmem>>
    %dma_start3A_518 = tpu.memref_slice %arg2[%multiple_of3A_507, %multiple_of3A_504] : memref<1024x100000xf32, #tpu.memory_space<hbm>> -> memref<8x128xf32, #tpu.memory_space<hbm>>
    tpu.enqueue_dma source(%dma_start3A_518 : memref<8x128xf32, #tpu.memory_space<hbm>>) target(%dma_start3A_517 : memref<8x128xf32, #tpu.memory_space<vmem>>) target_semaphore(%arg10 : memref<!tpu.dma_semaphore, #tpu.memory_space<semaphore_mem>>)
    %slice3A_519 = vector.extract_strided_slice %shift_left3A_280 {offsets = [14], sizes = [1], strides = [1]} : vector<16xi32> to vector<1xi32>
    %squeeze3A_520 = vector.extract %slice3A_519[0] : i32 from vector<1xi32>
    %multiple_of3A_521 = tpu.assume_multiple %squeeze3A_520, 128 : i32
    %add3A_522 = arith.constant 24 : i32
    %add3A_523 = arith.addi %mul3A_0, %add3A_522 : i32
    %multiple_of3A_524 = tpu.assume_multiple %add3A_523, 8 : i32
    %dma_start3A_525 = arith.constant 30 : i32
    %dma_start3A_526 = arith.constant 0 : i32
    %dma_start3A_527 = arith.constant 0 : i32
    %dma_start3A_528 = tpu.memref_slice %arg7[%dma_start3A_525, %dma_start3A_526, %dma_start3A_527] : memref<64x8x128xf32, #tpu.memory_space<vmem>> -> memref<1x8x128xf32, #tpu.memory_space<vmem>>
    %dma_start3A_529 = tpu.memref_squeeze %dma_start3A_528 : memref<1x8x128xf32, #tpu.memory_space<vmem>> -> memref<8x128xf32, #tpu.memory_space<vmem>>
    %dma_start3A_530 = tpu.memref_slice %arg2[%multiple_of3A_524, %multiple_of3A_521] : memref<1024x100000xf32, #tpu.memory_space<hbm>> -> memref<8x128xf32, #tpu.memory_space<hbm>>
    %dma_start3A_531 = arith.constant 0 : i32
    %dma_start3A_532 = arith.constant 0 : i32
    %dma_start3A_533 = tpu.memref_slice %arg7[%dma_start3A_525, %dma_start3A_531, %dma_start3A_532] : memref<64x8x128xf32, #tpu.memory_space<vmem>> -> memref<1x8x128xf32, #tpu.memory_space<vmem>>
    %dma_start3A_534 = tpu.memref_squeeze %dma_start3A_533 : memref<1x8x128xf32, #tpu.memory_space<vmem>> -> memref<8x128xf32, #tpu.memory_space<vmem>>
    %dma_start3A_535 = tpu.memref_slice %arg2[%multiple_of3A_524, %multiple_of3A_521] : memref<1024x100000xf32, #tpu.memory_space<hbm>> -> memref<8x128xf32, #tpu.memory_space<hbm>>
    tpu.enqueue_dma source(%dma_start3A_535 : memref<8x128xf32, #tpu.memory_space<hbm>>) target(%dma_start3A_534 : memref<8x128xf32, #tpu.memory_space<vmem>>) target_semaphore(%arg10 : memref<!tpu.dma_semaphore, #tpu.memory_space<semaphore_mem>>)
    %slice3A_536 = vector.extract_strided_slice %shift_left3A_280 {offsets = [15], sizes = [1], strides = [1]} : vector<16xi32> to vector<1xi32>
    %squeeze3A_537 = vector.extract %slice3A_536[0] : i32 from vector<1xi32>
    %multiple_of3A_538 = tpu.assume_multiple %squeeze3A_537, 128 : i32
    %add3A_539 = arith.constant 24 : i32
    %add3A_540 = arith.addi %mul3A_0, %add3A_539 : i32
    %multiple_of3A_541 = tpu.assume_multiple %add3A_540, 8 : i32
    %dma_start3A_542 = arith.constant 31 : i32
    %dma_start3A_543 = arith.constant 0 : i32
    %dma_start3A_544 = arith.constant 0 : i32
    %dma_start3A_545 = tpu.memref_slice %arg7[%dma_start3A_542, %dma_start3A_543, %dma_start3A_544] : memref<64x8x128xf32, #tpu.memory_space<vmem>> -> memref<1x8x128xf32, #tpu.memory_space<vmem>>
    %dma_start3A_546 = tpu.memref_squeeze %dma_start3A_545 : memref<1x8x128xf32, #tpu.memory_space<vmem>> -> memref<8x128xf32, #tpu.memory_space<vmem>>
    %dma_start3A_547 = tpu.memref_slice %arg2[%multiple_of3A_541, %multiple_of3A_538] : memref<1024x100000xf32, #tpu.memory_space<hbm>> -> memref<8x128xf32, #tpu.memory_space<hbm>>
    %dma_start3A_548 = arith.constant 0 : i32
    %dma_start3A_549 = arith.constant 0 : i32
    %dma_start3A_550 = tpu.memref_slice %arg7[%dma_start3A_542, %dma_start3A_548, %dma_start3A_549] : memref<64x8x128xf32, #tpu.memory_space<vmem>> -> memref<1x8x128xf32, #tpu.memory_space<vmem>>
    %dma_start3A_551 = tpu.memref_squeeze %dma_start3A_550 : memref<1x8x128xf32, #tpu.memory_space<vmem>> -> memref<8x128xf32, #tpu.memory_space<vmem>>
    %dma_start3A_552 = tpu.memref_slice %arg2[%multiple_of3A_541, %multiple_of3A_538] : memref<1024x100000xf32, #tpu.memory_space<hbm>> -> memref<8x128xf32, #tpu.memory_space<hbm>>
    tpu.enqueue_dma source(%dma_start3A_552 : memref<8x128xf32, #tpu.memory_space<hbm>>) target(%dma_start3A_551 : memref<8x128xf32, #tpu.memory_space<vmem>>) target_semaphore(%arg10 : memref<!tpu.dma_semaphore, #tpu.memory_space<semaphore_mem>>)
    %get3A_553 = arith.constant 32 : index
    %get3A_554 = tpu.vector_load %arg6[%get3A_553] {strides = array<i32>} : memref<64xi32, #tpu.memory_space<vmem>>, vector<16xi32>,
    %shift_right_logical3A_555 = arith.constant 7 : i32
    %shift_right_logical3A_556 = vector.broadcast %shift_right_logical3A_555 : i32 to vector<16xi32>
    %shift_right_logical3A_557 = arith.shrui %get3A_554, %shift_right_logical3A_556 : vector<16xi32>
    %shift_left3A_558 = arith.constant 7 : i32
    %shift_left3A_559 = vector.broadcast %shift_left3A_558 : i32 to vector<16xi32>
    %shift_left3A_560 = arith.shli %shift_right_logical3A_557, %shift_left3A_559 : vector<16xi32>
    %slice3A_561 = vector.extract_strided_slice %shift_left3A_560 {offsets = [0], sizes = [1], strides = [1]} : vector<16xi32> to vector<1xi32>
    %squeeze3A_562 = vector.extract %slice3A_561[0] : i32 from vector<1xi32>
    %multiple_of3A_563 = tpu.assume_multiple %squeeze3A_562, 128 : i32
    %add3A_564 = arith.constant 32 : i32
    %add3A_565 = arith.addi %mul3A_0, %add3A_564 : i32
    %multiple_of3A_566 = tpu.assume_multiple %add3A_565, 8 : i32
    %dma_start3A_567 = arith.constant 32 : i32
    %dma_start3A_568 = arith.constant 0 : i32
    %dma_start3A_569 = arith.constant 0 : i32
    %dma_start3A_570 = tpu.memref_slice %arg7[%dma_start3A_567, %dma_start3A_568, %dma_start3A_569] : memref<64x8x128xf32, #tpu.memory_space<vmem>> -> memref<1x8x128xf32, #tpu.memory_space<vmem>>
    %dma_start3A_571 = tpu.memref_squeeze %dma_start3A_570 : memref<1x8x128xf32, #tpu.memory_space<vmem>> -> memref<8x128xf32, #tpu.memory_space<vmem>>
    %dma_start3A_572 = tpu.memref_slice %arg2[%multiple_of3A_566, %multiple_of3A_563] : memref<1024x100000xf32, #tpu.memory_space<hbm>> -> memref<8x128xf32, #tpu.memory_space<hbm>>
    %dma_start3A_573 = arith.constant 0 : i32
    %dma_start3A_574 = arith.constant 0 : i32
    %dma_start3A_575 = tpu.memref_slice %arg7[%dma_start3A_567, %dma_start3A_573, %dma_start3A_574] : memref<64x8x128xf32, #tpu.memory_space<vmem>> -> memref<1x8x128xf32, #tpu.memory_space<vmem>>
    %dma_start3A_576 = tpu.memref_squeeze %dma_start3A_575 : memref<1x8x128xf32, #tpu.memory_space<vmem>> -> memref<8x128xf32, #tpu.memory_space<vmem>>
    %dma_start3A_577 = tpu.memref_slice %arg2[%multiple_of3A_566, %multiple_of3A_563] : memref<1024x100000xf32, #tpu.memory_space<hbm>> -> memref<8x128xf32, #tpu.memory_space<hbm>>
    tpu.enqueue_dma source(%dma_start3A_577 : memref<8x128xf32, #tpu.memory_space<hbm>>) target(%dma_start3A_576 : memref<8x128xf32, #tpu.memory_space<vmem>>) target_semaphore(%arg10 : memref<!tpu.dma_semaphore, #tpu.memory_space<semaphore_mem>>)
    %slice3A_578 = vector.extract_strided_slice %shift_left3A_560 {offsets = [1], sizes = [1], strides = [1]} : vector<16xi32> to vector<1xi32>
    %squeeze3A_579 = vector.extract %slice3A_578[0] : i32 from vector<1xi32>
    %multiple_of3A_580 = tpu.assume_multiple %squeeze3A_579, 128 : i32
    %add3A_581 = arith.constant 32 : i32
    %add3A_582 = arith.addi %mul3A_0, %add3A_581 : i32
    %multiple_of3A_583 = tpu.assume_multiple %add3A_582, 8 : i32
    %dma_start3A_584 = arith.constant 33 : i32
    %dma_start3A_585 = arith.constant 0 : i32
    %dma_start3A_586 = arith.constant 0 : i32
    %dma_start3A_587 = tpu.memref_slice %arg7[%dma_start3A_584, %dma_start3A_585, %dma_start3A_586] : memref<64x8x128xf32, #tpu.memory_space<vmem>> -> memref<1x8x128xf32, #tpu.memory_space<vmem>>
    %dma_start3A_588 = tpu.memref_squeeze %dma_start3A_587 : memref<1x8x128xf32, #tpu.memory_space<vmem>> -> memref<8x128xf32, #tpu.memory_space<vmem>>
    %dma_start3A_589 = tpu.memref_slice %arg2[%multiple_of3A_583, %multiple_of3A_580] : memref<1024x100000xf32, #tpu.memory_space<hbm>> -> memref<8x128xf32, #tpu.memory_space<hbm>>
    %dma_start3A_590 = arith.constant 0 : i32
    %dma_start3A_591 = arith.constant 0 : i32
    %dma_start3A_592 = tpu.memref_slice %arg7[%dma_start3A_584, %dma_start3A_590, %dma_start3A_591] : memref<64x8x128xf32, #tpu.memory_space<vmem>> -> memref<1x8x128xf32, #tpu.memory_space<vmem>>
    %dma_start3A_593 = tpu.memref_squeeze %dma_start3A_592 : memref<1x8x128xf32, #tpu.memory_space<vmem>> -> memref<8x128xf32, #tpu.memory_space<vmem>>
    %dma_start3A_594 = tpu.memref_slice %arg2[%multiple_of3A_583, %multiple_of3A_580] : memref<1024x100000xf32, #tpu.memory_space<hbm>> -> memref<8x128xf32, #tpu.memory_space<hbm>>
    tpu.enqueue_dma source(%dma_start3A_594 : memref<8x128xf32, #tpu.memory_space<hbm>>) target(%dma_start3A_593 : memref<8x128xf32, #tpu.memory_space<vmem>>) target_semaphore(%arg10 : memref<!tpu.dma_semaphore, #tpu.memory_space<semaphore_mem>>)
    %slice3A_595 = vector.extract_strided_slice %shift_left3A_560 {offsets = [2], sizes = [1], strides = [1]} : vector<16xi32> to vector<1xi32>
    %squeeze3A_596 = vector.extract %slice3A_595[0] : i32 from vector<1xi32>
    %multiple_of3A_597 = tpu.assume_multiple %squeeze3A_596, 128 : i32
    %add3A_598 = arith.constant 32 : i32
    %add3A_599 = arith.addi %mul3A_0, %add3A_598 : i32
    %multiple_of3A_600 = tpu.assume_multiple %add3A_599, 8 : i32
    %dma_start3A_601 = arith.constant 34 : i32
    %dma_start3A_602 = arith.constant 0 : i32
    %dma_start3A_603 = arith.constant 0 : i32
    %dma_start3A_604 = tpu.memref_slice %arg7[%dma_start3A_601, %dma_start3A_602, %dma_start3A_603] : memref<64x8x128xf32, #tpu.memory_space<vmem>> -> memref<1x8x128xf32, #tpu.memory_space<vmem>>
    %dma_start3A_605 = tpu.memref_squeeze %dma_start3A_604 : memref<1x8x128xf32, #tpu.memory_space<vmem>> -> memref<8x128xf32, #tpu.memory_space<vmem>>
    %dma_start3A_606 = tpu.memref_slice %arg2[%multiple_of3A_600, %multiple_of3A_597] : memref<1024x100000xf32, #tpu.memory_space<hbm>> -> memref<8x128xf32, #tpu.memory_space<hbm>>
    %dma_start3A_607 = arith.constant 0 : i32
    %dma_start3A_608 = arith.constant 0 : i32
    %dma_start3A_609 = tpu.memref_slice %arg7[%dma_start3A_601, %dma_start3A_607, %dma_start3A_608] : memref<64x8x128xf32, #tpu.memory_space<vmem>> -> memref<1x8x128xf32, #tpu.memory_space<vmem>>
    %dma_start3A_610 = tpu.memref_squeeze %dma_start3A_609 : memref<1x8x128xf32, #tpu.memory_space<vmem>> -> memref<8x128xf32, #tpu.memory_space<vmem>>
    %dma_start3A_611 = tpu.memref_slice %arg2[%multiple_of3A_600, %multiple_of3A_597] : memref<1024x100000xf32, #tpu.memory_space<hbm>> -> memref<8x128xf32, #tpu.memory_space<hbm>>
    tpu.enqueue_dma source(%dma_start3A_611 : memref<8x128xf32, #tpu.memory_space<hbm>>) target(%dma_start3A_610 : memref<8x128xf32, #tpu.memory_space<vmem>>) target_semaphore(%arg10 : memref<!tpu.dma_semaphore, #tpu.memory_space<semaphore_mem>>)
    %slice3A_612 = vector.extract_strided_slice %shift_left3A_560 {offsets = [3], sizes = [1], strides = [1]} : vector<16xi32> to vector<1xi32>
    %squeeze3A_613 = vector.extract %slice3A_612[0] : i32 from vector<1xi32>
    %multiple_of3A_614 = tpu.assume_multiple %squeeze3A_613, 128 : i32
    %add3A_615 = arith.constant 32 : i32
    %add3A_616 = arith.addi %mul3A_0, %add3A_615 : i32
    %multiple_of3A_617 = tpu.assume_multiple %add3A_616, 8 : i32
    %dma_start3A_618 = arith.constant 35 : i32
    %dma_start3A_619 = arith.constant 0 : i32
    %dma_start3A_620 = arith.constant 0 : i32
    %dma_start3A_621 = tpu.memref_slice %arg7[%dma_start3A_618, %dma_start3A_619, %dma_start3A_620] : memref<64x8x128xf32, #tpu.memory_space<vmem>> -> memref<1x8x128xf32, #tpu.memory_space<vmem>>
    %dma_start3A_622 = tpu.memref_squeeze %dma_start3A_621 : memref<1x8x128xf32, #tpu.memory_space<vmem>> -> memref<8x128xf32, #tpu.memory_space<vmem>>
    %dma_start3A_623 = tpu.memref_slice %arg2[%multiple_of3A_617, %multiple_of3A_614] : memref<1024x100000xf32, #tpu.memory_space<hbm>> -> memref<8x128xf32, #tpu.memory_space<hbm>>
    %dma_start3A_624 = arith.constant 0 : i32
    %dma_start3A_625 = arith.constant 0 : i32
    %dma_start3A_626 = tpu.memref_slice %arg7[%dma_start3A_618, %dma_start3A_624, %dma_start3A_625] : memref<64x8x128xf32, #tpu.memory_space<vmem>> -> memref<1x8x128xf32, #tpu.memory_space<vmem>>
    %dma_start3A_627 = tpu.memref_squeeze %dma_start3A_626 : memref<1x8x128xf32, #tpu.memory_space<vmem>> -> memref<8x128xf32, #tpu.memory_space<vmem>>
    %dma_start3A_628 = tpu.memref_slice %arg2[%multiple_of3A_617, %multiple_of3A_614] : memref<1024x100000xf32, #tpu.memory_space<hbm>> -> memref<8x128xf32, #tpu.memory_space<hbm>>
    tpu.enqueue_dma source(%dma_start3A_628 : memref<8x128xf32, #tpu.memory_space<hbm>>) target(%dma_start3A_627 : memref<8x128xf32, #tpu.memory_space<vmem>>) target_semaphore(%arg10 : memref<!tpu.dma_semaphore, #tpu.memory_space<semaphore_mem>>)
    %slice3A_629 = vector.extract_strided_slice %shift_left3A_560 {offsets = [4], sizes = [1], strides = [1]} : vector<16xi32> to vector<1xi32>
    %squeeze3A_630 = vector.extract %slice3A_629[0] : i32 from vector<1xi32>
    %multiple_of3A_631 = tpu.assume_multiple %squeeze3A_630, 128 : i32
    %add3A_632 = arith.constant 32 : i32
    %add3A_633 = arith.addi %mul3A_0, %add3A_632 : i32
    %multiple_of3A_634 = tpu.assume_multiple %add3A_633, 8 : i32
    %dma_start3A_635 = arith.constant 36 : i32
    %dma_start3A_636 = arith.constant 0 : i32
    %dma_start3A_637 = arith.constant 0 : i32
    %dma_start3A_638 = tpu.memref_slice %arg7[%dma_start3A_635, %dma_start3A_636, %dma_start3A_637] : memref<64x8x128xf32, #tpu.memory_space<vmem>> -> memref<1x8x128xf32, #tpu.memory_space<vmem>>
    %dma_start3A_639 = tpu.memref_squeeze %dma_start3A_638 : memref<1x8x128xf32, #tpu.memory_space<vmem>> -> memref<8x128xf32, #tpu.memory_space<vmem>>
    %dma_start3A_640 = tpu.memref_slice %arg2[%multiple_of3A_634, %multiple_of3A_631] : memref<1024x100000xf32, #tpu.memory_space<hbm>> -> memref<8x128xf32, #tpu.memory_space<hbm>>
    %dma_start3A_641 = arith.constant 0 : i32
    %dma_start3A_642 = arith.constant 0 : i32
    %dma_start3A_643 = tpu.memref_slice %arg7[%dma_start3A_635, %dma_start3A_641, %dma_start3A_642] : memref<64x8x128xf32, #tpu.memory_space<vmem>> -> memref<1x8x128xf32, #tpu.memory_space<vmem>>
    %dma_start3A_644 = tpu.memref_squeeze %dma_start3A_643 : memref<1x8x128xf32, #tpu.memory_space<vmem>> -> memref<8x128xf32, #tpu.memory_space<vmem>>
    %dma_start3A_645 = tpu.memref_slice %arg2[%multiple_of3A_634, %multiple_of3A_631] : memref<1024x100000xf32, #tpu.memory_space<hbm>> -> memref<8x128xf32, #tpu.memory_space<hbm>>
    tpu.enqueue_dma source(%dma_start3A_645 : memref<8x128xf32, #tpu.memory_space<hbm>>) target(%dma_start3A_644 : memref<8x128xf32, #tpu.memory_space<vmem>>) target_semaphore(%arg10 : memref<!tpu.dma_semaphore, #tpu.memory_space<semaphore_mem>>)
    %slice3A_646 = vector.extract_strided_slice %shift_left3A_560 {offsets = [5], sizes = [1], strides = [1]} : vector<16xi32> to vector<1xi32>
    %squeeze3A_647 = vector.extract %slice3A_646[0] : i32 from vector<1xi32>
    %multiple_of3A_648 = tpu.assume_multiple %squeeze3A_647, 128 : i32
    %add3A_649 = arith.constant 32 : i32
    %add3A_650 = arith.addi %mul3A_0, %add3A_649 : i32
    %multiple_of3A_651 = tpu.assume_multiple %add3A_650, 8 : i32
    %dma_start3A_652 = arith.constant 37 : i32
    %dma_start3A_653 = arith.constant 0 : i32
    %dma_start3A_654 = arith.constant 0 : i32
    %dma_start3A_655 = tpu.memref_slice %arg7[%dma_start3A_652, %dma_start3A_653, %dma_start3A_654] : memref<64x8x128xf32, #tpu.memory_space<vmem>> -> memref<1x8x128xf32, #tpu.memory_space<vmem>>
    %dma_start3A_656 = tpu.memref_squeeze %dma_start3A_655 : memref<1x8x128xf32, #tpu.memory_space<vmem>> -> memref<8x128xf32, #tpu.memory_space<vmem>>
    %dma_start3A_657 = tpu.memref_slice %arg2[%multiple_of3A_651, %multiple_of3A_648] : memref<1024x100000xf32, #tpu.memory_space<hbm>> -> memref<8x128xf32, #tpu.memory_space<hbm>>
    %dma_start3A_658 = arith.constant 0 : i32
    %dma_start3A_659 = arith.constant 0 : i32
    %dma_start3A_660 = tpu.memref_slice %arg7[%dma_start3A_652, %dma_start3A_658, %dma_start3A_659] : memref<64x8x128xf32, #tpu.memory_space<vmem>> -> memref<1x8x128xf32, #tpu.memory_space<vmem>>
    %dma_start3A_661 = tpu.memref_squeeze %dma_start3A_660 : memref<1x8x128xf32, #tpu.memory_space<vmem>> -> memref<8x128xf32, #tpu.memory_space<vmem>>
    %dma_start3A_662 = tpu.memref_slice %arg2[%multiple_of3A_651, %multiple_of3A_648] : memref<1024x100000xf32, #tpu.memory_space<hbm>> -> memref<8x128xf32, #tpu.memory_space<hbm>>
    tpu.enqueue_dma source(%dma_start3A_662 : memref<8x128xf32, #tpu.memory_space<hbm>>) target(%dma_start3A_661 : memref<8x128xf32, #tpu.memory_space<vmem>>) target_semaphore(%arg10 : memref<!tpu.dma_semaphore, #tpu.memory_space<semaphore_mem>>)
    %slice3A_663 = vector.extract_strided_slice %shift_left3A_560 {offsets = [6], sizes = [1], strides = [1]} : vector<16xi32> to vector<1xi32>
    %squeeze3A_664 = vector.extract %slice3A_663[0] : i32 from vector<1xi32>
    %multiple_of3A_665 = tpu.assume_multiple %squeeze3A_664, 128 : i32
    %add3A_666 = arith.constant 32 : i32
    %add3A_667 = arith.addi %mul3A_0, %add3A_666 : i32
    %multiple_of3A_668 = tpu.assume_multiple %add3A_667, 8 : i32
    %dma_start3A_669 = arith.constant 38 : i32
    %dma_start3A_670 = arith.constant 0 : i32
    %dma_start3A_671 = arith.constant 0 : i32
    %dma_start3A_672 = tpu.memref_slice %arg7[%dma_start3A_669, %dma_start3A_670, %dma_start3A_671] : memref<64x8x128xf32, #tpu.memory_space<vmem>> -> memref<1x8x128xf32, #tpu.memory_space<vmem>>
    %dma_start3A_673 = tpu.memref_squeeze %dma_start3A_672 : memref<1x8x128xf32, #tpu.memory_space<vmem>> -> memref<8x128xf32, #tpu.memory_space<vmem>>
    %dma_start3A_674 = tpu.memref_slice %arg2[%multiple_of3A_668, %multiple_of3A_665] : memref<1024x100000xf32, #tpu.memory_space<hbm>> -> memref<8x128xf32, #tpu.memory_space<hbm>>
    %dma_start3A_675 = arith.constant 0 : i32
    %dma_start3A_676 = arith.constant 0 : i32
    %dma_start3A_677 = tpu.memref_slice %arg7[%dma_start3A_669, %dma_start3A_675, %dma_start3A_676] : memref<64x8x128xf32, #tpu.memory_space<vmem>> -> memref<1x8x128xf32, #tpu.memory_space<vmem>>
    %dma_start3A_678 = tpu.memref_squeeze %dma_start3A_677 : memref<1x8x128xf32, #tpu.memory_space<vmem>> -> memref<8x128xf32, #tpu.memory_space<vmem>>
    %dma_start3A_679 = tpu.memref_slice %arg2[%multiple_of3A_668, %multiple_of3A_665] : memref<1024x100000xf32, #tpu.memory_space<hbm>> -> memref<8x128xf32, #tpu.memory_space<hbm>>
    tpu.enqueue_dma source(%dma_start3A_679 : memref<8x128xf32, #tpu.memory_space<hbm>>) target(%dma_start3A_678 : memref<8x128xf32, #tpu.memory_space<vmem>>) target_semaphore(%arg10 : memref<!tpu.dma_semaphore, #tpu.memory_space<semaphore_mem>>)
    %slice3A_680 = vector.extract_strided_slice %shift_left3A_560 {offsets = [7], sizes = [1], strides = [1]} : vector<16xi32> to vector<1xi32>
    %squeeze3A_681 = vector.extract %slice3A_680[0] : i32 from vector<1xi32>
    %multiple_of3A_682 = tpu.assume_multiple %squeeze3A_681, 128 : i32
    %add3A_683 = arith.constant 32 : i32
    %add3A_684 = arith.addi %mul3A_0, %add3A_683 : i32
    %multiple_of3A_685 = tpu.assume_multiple %add3A_684, 8 : i32
    %dma_start3A_686 = arith.constant 39 : i32
    %dma_start3A_687 = arith.constant 0 : i32
    %dma_start3A_688 = arith.constant 0 : i32
    %dma_start3A_689 = tpu.memref_slice %arg7[%dma_start3A_686, %dma_start3A_687, %dma_start3A_688] : memref<64x8x128xf32, #tpu.memory_space<vmem>> -> memref<1x8x128xf32, #tpu.memory_space<vmem>>
    %dma_start3A_690 = tpu.memref_squeeze %dma_start3A_689 : memref<1x8x128xf32, #tpu.memory_space<vmem>> -> memref<8x128xf32, #tpu.memory_space<vmem>>
    %dma_start3A_691 = tpu.memref_slice %arg2[%multiple_of3A_685, %multiple_of3A_682] : memref<1024x100000xf32, #tpu.memory_space<hbm>> -> memref<8x128xf32, #tpu.memory_space<hbm>>
    %dma_start3A_692 = arith.constant 0 : i32
    %dma_start3A_693 = arith.constant 0 : i32
    %dma_start3A_694 = tpu.memref_slice %arg7[%dma_start3A_686, %dma_start3A_692, %dma_start3A_693] : memref<64x8x128xf32, #tpu.memory_space<vmem>> -> memref<1x8x128xf32, #tpu.memory_space<vmem>>
    %dma_start3A_695 = tpu.memref_squeeze %dma_start3A_694 : memref<1x8x128xf32, #tpu.memory_space<vmem>> -> memref<8x128xf32, #tpu.memory_space<vmem>>
    %dma_start3A_696 = tpu.memref_slice %arg2[%multiple_of3A_685, %multiple_of3A_682] : memref<1024x100000xf32, #tpu.memory_space<hbm>> -> memref<8x128xf32, #tpu.memory_space<hbm>>
    tpu.enqueue_dma source(%dma_start3A_696 : memref<8x128xf32, #tpu.memory_space<hbm>>) target(%dma_start3A_695 : memref<8x128xf32, #tpu.memory_space<vmem>>) target_semaphore(%arg10 : memref<!tpu.dma_semaphore, #tpu.memory_space<semaphore_mem>>)
    %slice3A_697 = vector.extract_strided_slice %shift_left3A_560 {offsets = [8], sizes = [1], strides = [1]} : vector<16xi32> to vector<1xi32>
    %squeeze3A_698 = vector.extract %slice3A_697[0] : i32 from vector<1xi32>
    %multiple_of3A_699 = tpu.assume_multiple %squeeze3A_698, 128 : i32
    %add3A_700 = arith.constant 40 : i32
    %add3A_701 = arith.addi %mul3A_0, %add3A_700 : i32
    %multiple_of3A_702 = tpu.assume_multiple %add3A_701, 8 : i32
    %dma_start3A_703 = arith.constant 40 : i32
    %dma_start3A_704 = arith.constant 0 : i32
    %dma_start3A_705 = arith.constant 0 : i32
    %dma_start3A_706 = tpu.memref_slice %arg7[%dma_start3A_703, %dma_start3A_704, %dma_start3A_705] : memref<64x8x128xf32, #tpu.memory_space<vmem>> -> memref<1x8x128xf32, #tpu.memory_space<vmem>>
    %dma_start3A_707 = tpu.memref_squeeze %dma_start3A_706 : memref<1x8x128xf32, #tpu.memory_space<vmem>> -> memref<8x128xf32, #tpu.memory_space<vmem>>
    %dma_start3A_708 = tpu.memref_slice %arg2[%multiple_of3A_702, %multiple_of3A_699] : memref<1024x100000xf32, #tpu.memory_space<hbm>> -> memref<8x128xf32, #tpu.memory_space<hbm>>
    %dma_start3A_709 = arith.constant 0 : i32
    %dma_start3A_710 = arith.constant 0 : i32
    %dma_start3A_711 = tpu.memref_slice %arg7[%dma_start3A_703, %dma_start3A_709, %dma_start3A_710] : memref<64x8x128xf32, #tpu.memory_space<vmem>> -> memref<1x8x128xf32, #tpu.memory_space<vmem>>
    %dma_start3A_712 = tpu.memref_squeeze %dma_start3A_711 : memref<1x8x128xf32, #tpu.memory_space<vmem>> -> memref<8x128xf32, #tpu.memory_space<vmem>>
    %dma_start3A_713 = tpu.memref_slice %arg2[%multiple_of3A_702, %multiple_of3A_699] : memref<1024x100000xf32, #tpu.memory_space<hbm>> -> memref<8x128xf32, #tpu.memory_space<hbm>>
    tpu.enqueue_dma source(%dma_start3A_713 : memref<8x128xf32, #tpu.memory_space<hbm>>) target(%dma_start3A_712 : memref<8x128xf32, #tpu.memory_space<vmem>>) target_semaphore(%arg10 : memref<!tpu.dma_semaphore, #tpu.memory_space<semaphore_mem>>)
    %slice3A_714 = vector.extract_strided_slice %shift_left3A_560 {offsets = [9], sizes = [1], strides = [1]} : vector<16xi32> to vector<1xi32>
    %squeeze3A_715 = vector.extract %slice3A_714[0] : i32 from vector<1xi32>
    %multiple_of3A_716 = tpu.assume_multiple %squeeze3A_715, 128 : i32
    %add3A_717 = arith.constant 40 : i32
    %add3A_718 = arith.addi %mul3A_0, %add3A_717 : i32
    %multiple_of3A_719 = tpu.assume_multiple %add3A_718, 8 : i32
    %dma_start3A_720 = arith.constant 41 : i32
    %dma_start3A_721 = arith.constant 0 : i32
    %dma_start3A_722 = arith.constant 0 : i32
    %dma_start3A_723 = tpu.memref_slice %arg7[%dma_start3A_720, %dma_start3A_721, %dma_start3A_722] : memref<64x8x128xf32, #tpu.memory_space<vmem>> -> memref<1x8x128xf32, #tpu.memory_space<vmem>>
    %dma_start3A_724 = tpu.memref_squeeze %dma_start3A_723 : memref<1x8x128xf32, #tpu.memory_space<vmem>> -> memref<8x128xf32, #tpu.memory_space<vmem>>
    %dma_start3A_725 = tpu.memref_slice %arg2[%multiple_of3A_719, %multiple_of3A_716] : memref<1024x100000xf32, #tpu.memory_space<hbm>> -> memref<8x128xf32, #tpu.memory_space<hbm>>
    %dma_start3A_726 = arith.constant 0 : i32
    %dma_start3A_727 = arith.constant 0 : i32
    %dma_start3A_728 = tpu.memref_slice %arg7[%dma_start3A_720, %dma_start3A_726, %dma_start3A_727] : memref<64x8x128xf32, #tpu.memory_space<vmem>> -> memref<1x8x128xf32, #tpu.memory_space<vmem>>
    %dma_start3A_729 = tpu.memref_squeeze %dma_start3A_728 : memref<1x8x128xf32, #tpu.memory_space<vmem>> -> memref<8x128xf32, #tpu.memory_space<vmem>>
    %dma_start3A_730 = tpu.memref_slice %arg2[%multiple_of3A_719, %multiple_of3A_716] : memref<1024x100000xf32, #tpu.memory_space<hbm>> -> memref<8x128xf32, #tpu.memory_space<hbm>>
    tpu.enqueue_dma source(%dma_start3A_730 : memref<8x128xf32, #tpu.memory_space<hbm>>) target(%dma_start3A_729 : memref<8x128xf32, #tpu.memory_space<vmem>>) target_semaphore(%arg10 : memref<!tpu.dma_semaphore, #tpu.memory_space<semaphore_mem>>)
    %slice3A_731 = vector.extract_strided_slice %shift_left3A_560 {offsets = [10], sizes = [1], strides = [1]} : vector<16xi32> to vector<1xi32>
    %squeeze3A_732 = vector.extract %slice3A_731[0] : i32 from vector<1xi32>
    %multiple_of3A_733 = tpu.assume_multiple %squeeze3A_732, 128 : i32
    %add3A_734 = arith.constant 40 : i32
    %add3A_735 = arith.addi %mul3A_0, %add3A_734 : i32
    %multiple_of3A_736 = tpu.assume_multiple %add3A_735, 8 : i32
    %dma_start3A_737 = arith.constant 42 : i32
    %dma_start3A_738 = arith.constant 0 : i32
    %dma_start3A_739 = arith.constant 0 : i32
    %dma_start3A_740 = tpu.memref_slice %arg7[%dma_start3A_737, %dma_start3A_738, %dma_start3A_739] : memref<64x8x128xf32, #tpu.memory_space<vmem>> -> memref<1x8x128xf32, #tpu.memory_space<vmem>>
    %dma_start3A_741 = tpu.memref_squeeze %dma_start3A_740 : memref<1x8x128xf32, #tpu.memory_space<vmem>> -> memref<8x128xf32, #tpu.memory_space<vmem>>
    %dma_start3A_742 = tpu.memref_slice %arg2[%multiple_of3A_736, %multiple_of3A_733] : memref<1024x100000xf32, #tpu.memory_space<hbm>> -> memref<8x128xf32, #tpu.memory_space<hbm>>
    %dma_start3A_743 = arith.constant 0 : i32
    %dma_start3A_744 = arith.constant 0 : i32
    %dma_start3A_745 = tpu.memref_slice %arg7[%dma_start3A_737, %dma_start3A_743, %dma_start3A_744] : memref<64x8x128xf32, #tpu.memory_space<vmem>> -> memref<1x8x128xf32, #tpu.memory_space<vmem>>
    %dma_start3A_746 = tpu.memref_squeeze %dma_start3A_745 : memref<1x8x128xf32, #tpu.memory_space<vmem>> -> memref<8x128xf32, #tpu.memory_space<vmem>>
    %dma_start3A_747 = tpu.memref_slice %arg2[%multiple_of3A_736, %multiple_of3A_733] : memref<1024x100000xf32, #tpu.memory_space<hbm>> -> memref<8x128xf32, #tpu.memory_space<hbm>>
    tpu.enqueue_dma source(%dma_start3A_747 : memref<8x128xf32, #tpu.memory_space<hbm>>) target(%dma_start3A_746 : memref<8x128xf32, #tpu.memory_space<vmem>>) target_semaphore(%arg10 : memref<!tpu.dma_semaphore, #tpu.memory_space<semaphore_mem>>)
    %slice3A_748 = vector.extract_strided_slice %shift_left3A_560 {offsets = [11], sizes = [1], strides = [1]} : vector<16xi32> to vector<1xi32>
    %squeeze3A_749 = vector.extract %slice3A_748[0] : i32 from vector<1xi32>
    %multiple_of3A_750 = tpu.assume_multiple %squeeze3A_749, 128 : i32
    %add3A_751 = arith.constant 40 : i32
    %add3A_752 = arith.addi %mul3A_0, %add3A_751 : i32
    %multiple_of3A_753 = tpu.assume_multiple %add3A_752, 8 : i32
    %dma_start3A_754 = arith.constant 43 : i32
    %dma_start3A_755 = arith.constant 0 : i32
    %dma_start3A_756 = arith.constant 0 : i32
    %dma_start3A_757 = tpu.memref_slice %arg7[%dma_start3A_754, %dma_start3A_755, %dma_start3A_756] : memref<64x8x128xf32, #tpu.memory_space<vmem>> -> memref<1x8x128xf32, #tpu.memory_space<vmem>>
    %dma_start3A_758 = tpu.memref_squeeze %dma_start3A_757 : memref<1x8x128xf32, #tpu.memory_space<vmem>> -> memref<8x128xf32, #tpu.memory_space<vmem>>
    %dma_start3A_759 = tpu.memref_slice %arg2[%multiple_of3A_753, %multiple_of3A_750] : memref<1024x100000xf32, #tpu.memory_space<hbm>> -> memref<8x128xf32, #tpu.memory_space<hbm>>
    %dma_start3A_760 = arith.constant 0 : i32
    %dma_start3A_761 = arith.constant 0 : i32
    %dma_start3A_762 = tpu.memref_slice %arg7[%dma_start3A_754, %dma_start3A_760, %dma_start3A_761] : memref<64x8x128xf32, #tpu.memory_space<vmem>> -> memref<1x8x128xf32, #tpu.memory_space<vmem>>
    %dma_start3A_763 = tpu.memref_squeeze %dma_start3A_762 : memref<1x8x128xf32, #tpu.memory_space<vmem>> -> memref<8x128xf32, #tpu.memory_space<vmem>>
    %dma_start3A_764 = tpu.memref_slice %arg2[%multiple_of3A_753, %multiple_of3A_750] : memref<1024x100000xf32, #tpu.memory_space<hbm>> -> memref<8x128xf32, #tpu.memory_space<hbm>>
    tpu.enqueue_dma source(%dma_start3A_764 : memref<8x128xf32, #tpu.memory_space<hbm>>) target(%dma_start3A_763 : memref<8x128xf32, #tpu.memory_space<vmem>>) target_semaphore(%arg10 : memref<!tpu.dma_semaphore, #tpu.memory_space<semaphore_mem>>)
    %slice3A_765 = vector.extract_strided_slice %shift_left3A_560 {offsets = [12], sizes = [1], strides = [1]} : vector<16xi32> to vector<1xi32>
    %squeeze3A_766 = vector.extract %slice3A_765[0] : i32 from vector<1xi32>
    %multiple_of3A_767 = tpu.assume_multiple %squeeze3A_766, 128 : i32
    %add3A_768 = arith.constant 40 : i32
    %add3A_769 = arith.addi %mul3A_0, %add3A_768 : i32
    %multiple_of3A_770 = tpu.assume_multiple %add3A_769, 8 : i32
    %dma_start3A_771 = arith.constant 44 : i32
    %dma_start3A_772 = arith.constant 0 : i32
    %dma_start3A_773 = arith.constant 0 : i32
    %dma_start3A_774 = tpu.memref_slice %arg7[%dma_start3A_771, %dma_start3A_772, %dma_start3A_773] : memref<64x8x128xf32, #tpu.memory_space<vmem>> -> memref<1x8x128xf32, #tpu.memory_space<vmem>>
    %dma_start3A_775 = tpu.memref_squeeze %dma_start3A_774 : memref<1x8x128xf32, #tpu.memory_space<vmem>> -> memref<8x128xf32, #tpu.memory_space<vmem>>
    %dma_start3A_776 = tpu.memref_slice %arg2[%multiple_of3A_770, %multiple_of3A_767] : memref<1024x100000xf32, #tpu.memory_space<hbm>> -> memref<8x128xf32, #tpu.memory_space<hbm>>
    %dma_start3A_777 = arith.constant 0 : i32
    %dma_start3A_778 = arith.constant 0 : i32
    %dma_start3A_779 = tpu.memref_slice %arg7[%dma_start3A_771, %dma_start3A_777, %dma_start3A_778] : memref<64x8x128xf32, #tpu.memory_space<vmem>> -> memref<1x8x128xf32, #tpu.memory_space<vmem>>
    %dma_start3A_780 = tpu.memref_squeeze %dma_start3A_779 : memref<1x8x128xf32, #tpu.memory_space<vmem>> -> memref<8x128xf32, #tpu.memory_space<vmem>>
    %dma_start3A_781 = tpu.memref_slice %arg2[%multiple_of3A_770, %multiple_of3A_767] : memref<1024x100000xf32, #tpu.memory_space<hbm>> -> memref<8x128xf32, #tpu.memory_space<hbm>>
    tpu.enqueue_dma source(%dma_start3A_781 : memref<8x128xf32, #tpu.memory_space<hbm>>) target(%dma_start3A_780 : memref<8x128xf32, #tpu.memory_space<vmem>>) target_semaphore(%arg10 : memref<!tpu.dma_semaphore, #tpu.memory_space<semaphore_mem>>)
    %slice3A_782 = vector.extract_strided_slice %shift_left3A_560 {offsets = [13], sizes = [1], strides = [1]} : vector<16xi32> to vector<1xi32>
    %squeeze3A_783 = vector.extract %slice3A_782[0] : i32 from vector<1xi32>
    %multiple_of3A_784 = tpu.assume_multiple %squeeze3A_783, 128 : i32
    %add3A_785 = arith.constant 40 : i32
    %add3A_786 = arith.addi %mul3A_0, %add3A_785 : i32
    %multiple_of3A_787 = tpu.assume_multiple %add3A_786, 8 : i32
    %dma_start3A_788 = arith.constant 45 : i32
    %dma_start3A_789 = arith.constant 0 : i32
    %dma_start3A_790 = arith.constant 0 : i32
    %dma_start3A_791 = tpu.memref_slice %arg7[%dma_start3A_788, %dma_start3A_789, %dma_start3A_790] : memref<64x8x128xf32, #tpu.memory_space<vmem>> -> memref<1x8x128xf32, #tpu.memory_space<vmem>>
    %dma_start3A_792 = tpu.memref_squeeze %dma_start3A_791 : memref<1x8x128xf32, #tpu.memory_space<vmem>> -> memref<8x128xf32, #tpu.memory_space<vmem>>
    %dma_start3A_793 = tpu.memref_slice %arg2[%multiple_of3A_787, %multiple_of3A_784] : memref<1024x100000xf32, #tpu.memory_space<hbm>> -> memref<8x128xf32, #tpu.memory_space<hbm>>
    %dma_start3A_794 = arith.constant 0 : i32
    %dma_start3A_795 = arith.constant 0 : i32
    %dma_start3A_796 = tpu.memref_slice %arg7[%dma_start3A_788, %dma_start3A_794, %dma_start3A_795] : memref<64x8x128xf32, #tpu.memory_space<vmem>> -> memref<1x8x128xf32, #tpu.memory_space<vmem>>
    %dma_start3A_797 = tpu.memref_squeeze %dma_start3A_796 : memref<1x8x128xf32, #tpu.memory_space<vmem>> -> memref<8x128xf32, #tpu.memory_space<vmem>>
    %dma_start3A_798 = tpu.memref_slice %arg2[%multiple_of3A_787, %multiple_of3A_784] : memref<1024x100000xf32, #tpu.memory_space<hbm>> -> memref<8x128xf32, #tpu.memory_space<hbm>>
    tpu.enqueue_dma source(%dma_start3A_798 : memref<8x128xf32, #tpu.memory_space<hbm>>) target(%dma_start3A_797 : memref<8x128xf32, #tpu.memory_space<vmem>>) target_semaphore(%arg10 : memref<!tpu.dma_semaphore, #tpu.memory_space<semaphore_mem>>)
    %slice3A_799 = vector.extract_strided_slice %shift_left3A_560 {offsets = [14], sizes = [1], strides = [1]} : vector<16xi32> to vector<1xi32>
    %squeeze3A_800 = vector.extract %slice3A_799[0] : i32 from vector<1xi32>
    %multiple_of3A_801 = tpu.assume_multiple %squeeze3A_800, 128 : i32
    %add3A_802 = arith.constant 40 : i32
    %add3A_803 = arith.addi %mul3A_0, %add3A_802 : i32
    %multiple_of3A_804 = tpu.assume_multiple %add3A_803, 8 : i32
    %dma_start3A_805 = arith.constant 46 : i32
    %dma_start3A_806 = arith.constant 0 : i32
    %dma_start3A_807 = arith.constant 0 : i32
    %dma_start3A_808 = tpu.memref_slice %arg7[%dma_start3A_805, %dma_start3A_806, %dma_start3A_807] : memref<64x8x128xf32, #tpu.memory_space<vmem>> -> memref<1x8x128xf32, #tpu.memory_space<vmem>>
    %dma_start3A_809 = tpu.memref_squeeze %dma_start3A_808 : memref<1x8x128xf32, #tpu.memory_space<vmem>> -> memref<8x128xf32, #tpu.memory_space<vmem>>
    %dma_start3A_810 = tpu.memref_slice %arg2[%multiple_of3A_804, %multiple_of3A_801] : memref<1024x100000xf32, #tpu.memory_space<hbm>> -> memref<8x128xf32, #tpu.memory_space<hbm>>
    %dma_start3A_811 = arith.constant 0 : i32
    %dma_start3A_812 = arith.constant 0 : i32
    %dma_start3A_813 = tpu.memref_slice %arg7[%dma_start3A_805, %dma_start3A_811, %dma_start3A_812] : memref<64x8x128xf32, #tpu.memory_space<vmem>> -> memref<1x8x128xf32, #tpu.memory_space<vmem>>
    %dma_start3A_814 = tpu.memref_squeeze %dma_start3A_813 : memref<1x8x128xf32, #tpu.memory_space<vmem>> -> memref<8x128xf32, #tpu.memory_space<vmem>>
    %dma_start3A_815 = tpu.memref_slice %arg2[%multiple_of3A_804, %multiple_of3A_801] : memref<1024x100000xf32, #tpu.memory_space<hbm>> -> memref<8x128xf32, #tpu.memory_space<hbm>>
    tpu.enqueue_dma source(%dma_start3A_815 : memref<8x128xf32, #tpu.memory_space<hbm>>) target(%dma_start3A_814 : memref<8x128xf32, #tpu.memory_space<vmem>>) target_semaphore(%arg10 : memref<!tpu.dma_semaphore, #tpu.memory_space<semaphore_mem>>)
    %slice3A_816 = vector.extract_strided_slice %shift_left3A_560 {offsets = [15], sizes = [1], strides = [1]} : vector<16xi32> to vector<1xi32>
    %squeeze3A_817 = vector.extract %slice3A_816[0] : i32 from vector<1xi32>
    %multiple_of3A_818 = tpu.assume_multiple %squeeze3A_817, 128 : i32
    %add3A_819 = arith.constant 40 : i32
    %add3A_820 = arith.addi %mul3A_0, %add3A_819 : i32
    %multiple_of3A_821 = tpu.assume_multiple %add3A_820, 8 : i32
    %dma_start3A_822 = arith.constant 47 : i32
    %dma_start3A_823 = arith.constant 0 : i32
    %dma_start3A_824 = arith.constant 0 : i32
    %dma_start3A_825 = tpu.memref_slice %arg7[%dma_start3A_822, %dma_start3A_823, %dma_start3A_824] : memref<64x8x128xf32, #tpu.memory_space<vmem>> -> memref<1x8x128xf32, #tpu.memory_space<vmem>>
    %dma_start3A_826 = tpu.memref_squeeze %dma_start3A_825 : memref<1x8x128xf32, #tpu.memory_space<vmem>> -> memref<8x128xf32, #tpu.memory_space<vmem>>
    %dma_start3A_827 = tpu.memref_slice %arg2[%multiple_of3A_821, %multiple_of3A_818] : memref<1024x100000xf32, #tpu.memory_space<hbm>> -> memref<8x128xf32, #tpu.memory_space<hbm>>
    %dma_start3A_828 = arith.constant 0 : i32
    %dma_start3A_829 = arith.constant 0 : i32
    %dma_start3A_830 = tpu.memref_slice %arg7[%dma_start3A_822, %dma_start3A_828, %dma_start3A_829] : memref<64x8x128xf32, #tpu.memory_space<vmem>> -> memref<1x8x128xf32, #tpu.memory_space<vmem>>
    %dma_start3A_831 = tpu.memref_squeeze %dma_start3A_830 : memref<1x8x128xf32, #tpu.memory_space<vmem>> -> memref<8x128xf32, #tpu.memory_space<vmem>>
    %dma_start3A_832 = tpu.memref_slice %arg2[%multiple_of3A_821, %multiple_of3A_818] : memref<1024x100000xf32, #tpu.memory_space<hbm>> -> memref<8x128xf32, #tpu.memory_space<hbm>>
    tpu.enqueue_dma source(%dma_start3A_832 : memref<8x128xf32, #tpu.memory_space<hbm>>) target(%dma_start3A_831 : memref<8x128xf32, #tpu.memory_space<vmem>>) target_semaphore(%arg10 : memref<!tpu.dma_semaphore, #tpu.memory_space<semaphore_mem>>)
    %get3A_833 = arith.constant 48 : index
    %get3A_834 = tpu.vector_load %arg6[%get3A_833] {strides = array<i32>} : memref<64xi32, #tpu.memory_space<vmem>>, vector<16xi32>,
    %shift_right_logical3A_835 = arith.constant 7 : i32
    %shift_right_logical3A_836 = vector.broadcast %shift_right_logical3A_835 : i32 to vector<16xi32>
    %shift_right_logical3A_837 = arith.shrui %get3A_834, %shift_right_logical3A_836 : vector<16xi32>
    %shift_left3A_838 = arith.constant 7 : i32
    %shift_left3A_839 = vector.broadcast %shift_left3A_838 : i32 to vector<16xi32>
    %shift_left3A_840 = arith.shli %shift_right_logical3A_837, %shift_left3A_839 : vector<16xi32>
    %slice3A_841 = vector.extract_strided_slice %shift_left3A_840 {offsets = [0], sizes = [1], strides = [1]} : vector<16xi32> to vector<1xi32>
    %squeeze3A_842 = vector.extract %slice3A_841[0] : i32 from vector<1xi32>
    %multiple_of3A_843 = tpu.assume_multiple %squeeze3A_842, 128 : i32
    %add3A_844 = arith.constant 48 : i32
    %add3A_845 = arith.addi %mul3A_0, %add3A_844 : i32
    %multiple_of3A_846 = tpu.assume_multiple %add3A_845, 8 : i32
    %dma_start3A_847 = arith.constant 48 : i32
    %dma_start3A_848 = arith.constant 0 : i32
    %dma_start3A_849 = arith.constant 0 : i32
    %dma_start3A_850 = tpu.memref_slice %arg7[%dma_start3A_847, %dma_start3A_848, %dma_start3A_849] : memref<64x8x128xf32, #tpu.memory_space<vmem>> -> memref<1x8x128xf32, #tpu.memory_space<vmem>>
    %dma_start3A_851 = tpu.memref_squeeze %dma_start3A_850 : memref<1x8x128xf32, #tpu.memory_space<vmem>> -> memref<8x128xf32, #tpu.memory_space<vmem>>
    %dma_start3A_852 = tpu.memref_slice %arg2[%multiple_of3A_846, %multiple_of3A_843] : memref<1024x100000xf32, #tpu.memory_space<hbm>> -> memref<8x128xf32, #tpu.memory_space<hbm>>
    %dma_start3A_853 = arith.constant 0 : i32
    %dma_start3A_854 = arith.constant 0 : i32
    %dma_start3A_855 = tpu.memref_slice %arg7[%dma_start3A_847, %dma_start3A_853, %dma_start3A_854] : memref<64x8x128xf32, #tpu.memory_space<vmem>> -> memref<1x8x128xf32, #tpu.memory_space<vmem>>
    %dma_start3A_856 = tpu.memref_squeeze %dma_start3A_855 : memref<1x8x128xf32, #tpu.memory_space<vmem>> -> memref<8x128xf32, #tpu.memory_space<vmem>>
    %dma_start3A_857 = tpu.memref_slice %arg2[%multiple_of3A_846, %multiple_of3A_843] : memref<1024x100000xf32, #tpu.memory_space<hbm>> -> memref<8x128xf32, #tpu.memory_space<hbm>>
    tpu.enqueue_dma source(%dma_start3A_857 : memref<8x128xf32, #tpu.memory_space<hbm>>) target(%dma_start3A_856 : memref<8x128xf32, #tpu.memory_space<vmem>>) target_semaphore(%arg10 : memref<!tpu.dma_semaphore, #tpu.memory_space<semaphore_mem>>)
    %slice3A_858 = vector.extract_strided_slice %shift_left3A_840 {offsets = [1], sizes = [1], strides = [1]} : vector<16xi32> to vector<1xi32>
    %squeeze3A_859 = vector.extract %slice3A_858[0] : i32 from vector<1xi32>
    %multiple_of3A_860 = tpu.assume_multiple %squeeze3A_859, 128 : i32
    %add3A_861 = arith.constant 48 : i32
    %add3A_862 = arith.addi %mul3A_0, %add3A_861 : i32
    %multiple_of3A_863 = tpu.assume_multiple %add3A_862, 8 : i32
    %dma_start3A_864 = arith.constant 49 : i32
    %dma_start3A_865 = arith.constant 0 : i32
    %dma_start3A_866 = arith.constant 0 : i32
    %dma_start3A_867 = tpu.memref_slice %arg7[%dma_start3A_864, %dma_start3A_865, %dma_start3A_866] : memref<64x8x128xf32, #tpu.memory_space<vmem>> -> memref<1x8x128xf32, #tpu.memory_space<vmem>>
    %dma_start3A_868 = tpu.memref_squeeze %dma_start3A_867 : memref<1x8x128xf32, #tpu.memory_space<vmem>> -> memref<8x128xf32, #tpu.memory_space<vmem>>
    %dma_start3A_869 = tpu.memref_slice %arg2[%multiple_of3A_863, %multiple_of3A_860] : memref<1024x100000xf32, #tpu.memory_space<hbm>> -> memref<8x128xf32, #tpu.memory_space<hbm>>
    %dma_start3A_870 = arith.constant 0 : i32
    %dma_start3A_871 = arith.constant 0 : i32
    %dma_start3A_872 = tpu.memref_slice %arg7[%dma_start3A_864, %dma_start3A_870, %dma_start3A_871] : memref<64x8x128xf32, #tpu.memory_space<vmem>> -> memref<1x8x128xf32, #tpu.memory_space<vmem>>
    %dma_start3A_873 = tpu.memref_squeeze %dma_start3A_872 : memref<1x8x128xf32, #tpu.memory_space<vmem>> -> memref<8x128xf32, #tpu.memory_space<vmem>>
    %dma_start3A_874 = tpu.memref_slice %arg2[%multiple_of3A_863, %multiple_of3A_860] : memref<1024x100000xf32, #tpu.memory_space<hbm>> -> memref<8x128xf32, #tpu.memory_space<hbm>>
    tpu.enqueue_dma source(%dma_start3A_874 : memref<8x128xf32, #tpu.memory_space<hbm>>) target(%dma_start3A_873 : memref<8x128xf32, #tpu.memory_space<vmem>>) target_semaphore(%arg10 : memref<!tpu.dma_semaphore, #tpu.memory_space<semaphore_mem>>)
    %slice3A_875 = vector.extract_strided_slice %shift_left3A_840 {offsets = [2], sizes = [1], strides = [1]} : vector<16xi32> to vector<1xi32>
    %squeeze3A_876 = vector.extract %slice3A_875[0] : i32 from vector<1xi32>
    %multiple_of3A_877 = tpu.assume_multiple %squeeze3A_876, 128 : i32
    %add3A_878 = arith.constant 48 : i32
    %add3A_879 = arith.addi %mul3A_0, %add3A_878 : i32
    %multiple_of3A_880 = tpu.assume_multiple %add3A_879, 8 : i32
    %dma_start3A_881 = arith.constant 50 : i32
    %dma_start3A_882 = arith.constant 0 : i32
    %dma_start3A_883 = arith.constant 0 : i32
    %dma_start3A_884 = tpu.memref_slice %arg7[%dma_start3A_881, %dma_start3A_882, %dma_start3A_883] : memref<64x8x128xf32, #tpu.memory_space<vmem>> -> memref<1x8x128xf32, #tpu.memory_space<vmem>>
    %dma_start3A_885 = tpu.memref_squeeze %dma_start3A_884 : memref<1x8x128xf32, #tpu.memory_space<vmem>> -> memref<8x128xf32, #tpu.memory_space<vmem>>
    %dma_start3A_886 = tpu.memref_slice %arg2[%multiple_of3A_880, %multiple_of3A_877] : memref<1024x100000xf32, #tpu.memory_space<hbm>> -> memref<8x128xf32, #tpu.memory_space<hbm>>
    %dma_start3A_887 = arith.constant 0 : i32
    %dma_start3A_888 = arith.constant 0 : i32
    %dma_start3A_889 = tpu.memref_slice %arg7[%dma_start3A_881, %dma_start3A_887, %dma_start3A_888] : memref<64x8x128xf32, #tpu.memory_space<vmem>> -> memref<1x8x128xf32, #tpu.memory_space<vmem>>
    %dma_start3A_890 = tpu.memref_squeeze %dma_start3A_889 : memref<1x8x128xf32, #tpu.memory_space<vmem>> -> memref<8x128xf32, #tpu.memory_space<vmem>>
    %dma_start3A_891 = tpu.memref_slice %arg2[%multiple_of3A_880, %multiple_of3A_877] : memref<1024x100000xf32, #tpu.memory_space<hbm>> -> memref<8x128xf32, #tpu.memory_space<hbm>>
    tpu.enqueue_dma source(%dma_start3A_891 : memref<8x128xf32, #tpu.memory_space<hbm>>) target(%dma_start3A_890 : memref<8x128xf32, #tpu.memory_space<vmem>>) target_semaphore(%arg10 : memref<!tpu.dma_semaphore, #tpu.memory_space<semaphore_mem>>)
    %slice3A_892 = vector.extract_strided_slice %shift_left3A_840 {offsets = [3], sizes = [1], strides = [1]} : vector<16xi32> to vector<1xi32>
    %squeeze3A_893 = vector.extract %slice3A_892[0] : i32 from vector<1xi32>
    %multiple_of3A_894 = tpu.assume_multiple %squeeze3A_893, 128 : i32
    %add3A_895 = arith.constant 48 : i32
    %add3A_896 = arith.addi %mul3A_0, %add3A_895 : i32
    %multiple_of3A_897 = tpu.assume_multiple %add3A_896, 8 : i32
    %dma_start3A_898 = arith.constant 51 : i32
    %dma_start3A_899 = arith.constant 0 : i32
    %dma_start3A_900 = arith.constant 0 : i32
    %dma_start3A_901 = tpu.memref_slice %arg7[%dma_start3A_898, %dma_start3A_899, %dma_start3A_900] : memref<64x8x128xf32, #tpu.memory_space<vmem>> -> memref<1x8x128xf32, #tpu.memory_space<vmem>>
    %dma_start3A_902 = tpu.memref_squeeze %dma_start3A_901 : memref<1x8x128xf32, #tpu.memory_space<vmem>> -> memref<8x128xf32, #tpu.memory_space<vmem>>
    %dma_start3A_903 = tpu.memref_slice %arg2[%multiple_of3A_897, %multiple_of3A_894] : memref<1024x100000xf32, #tpu.memory_space<hbm>> -> memref<8x128xf32, #tpu.memory_space<hbm>>
    %dma_start3A_904 = arith.constant 0 : i32
    %dma_start3A_905 = arith.constant 0 : i32
    %dma_start3A_906 = tpu.memref_slice %arg7[%dma_start3A_898, %dma_start3A_904, %dma_start3A_905] : memref<64x8x128xf32, #tpu.memory_space<vmem>> -> memref<1x8x128xf32, #tpu.memory_space<vmem>>
    %dma_start3A_907 = tpu.memref_squeeze %dma_start3A_906 : memref<1x8x128xf32, #tpu.memory_space<vmem>> -> memref<8x128xf32, #tpu.memory_space<vmem>>
    %dma_start3A_908 = tpu.memref_slice %arg2[%multiple_of3A_897, %multiple_of3A_894] : memref<1024x100000xf32, #tpu.memory_space<hbm>> -> memref<8x128xf32, #tpu.memory_space<hbm>>
    tpu.enqueue_dma source(%dma_start3A_908 : memref<8x128xf32, #tpu.memory_space<hbm>>) target(%dma_start3A_907 : memref<8x128xf32, #tpu.memory_space<vmem>>) target_semaphore(%arg10 : memref<!tpu.dma_semaphore, #tpu.memory_space<semaphore_mem>>)
    %slice3A_909 = vector.extract_strided_slice %shift_left3A_840 {offsets = [4], sizes = [1], strides = [1]} : vector<16xi32> to vector<1xi32>
    %squeeze3A_910 = vector.extract %slice3A_909[0] : i32 from vector<1xi32>
    %multiple_of3A_911 = tpu.assume_multiple %squeeze3A_910, 128 : i32
    %add3A_912 = arith.constant 48 : i32
    %add3A_913 = arith.addi %mul3A_0, %add3A_912 : i32
    %multiple_of3A_914 = tpu.assume_multiple %add3A_913, 8 : i32
    %dma_start3A_915 = arith.constant 52 : i32
    %dma_start3A_916 = arith.constant 0 : i32
    %dma_start3A_917 = arith.constant 0 : i32
    %dma_start3A_918 = tpu.memref_slice %arg7[%dma_start3A_915, %dma_start3A_916, %dma_start3A_917] : memref<64x8x128xf32, #tpu.memory_space<vmem>> -> memref<1x8x128xf32, #tpu.memory_space<vmem>>
    %dma_start3A_919 = tpu.memref_squeeze %dma_start3A_918 : memref<1x8x128xf32, #tpu.memory_space<vmem>> -> memref<8x128xf32, #tpu.memory_space<vmem>>
    %dma_start3A_920 = tpu.memref_slice %arg2[%multiple_of3A_914, %multiple_of3A_911] : memref<1024x100000xf32, #tpu.memory_space<hbm>> -> memref<8x128xf32, #tpu.memory_space<hbm>>
    %dma_start3A_921 = arith.constant 0 : i32
    %dma_start3A_922 = arith.constant 0 : i32
    %dma_start3A_923 = tpu.memref_slice %arg7[%dma_start3A_915, %dma_start3A_921, %dma_start3A_922] : memref<64x8x128xf32, #tpu.memory_space<vmem>> -> memref<1x8x128xf32, #tpu.memory_space<vmem>>
    %dma_start3A_924 = tpu.memref_squeeze %dma_start3A_923 : memref<1x8x128xf32, #tpu.memory_space<vmem>> -> memref<8x128xf32, #tpu.memory_space<vmem>>
    %dma_start3A_925 = tpu.memref_slice %arg2[%multiple_of3A_914, %multiple_of3A_911] : memref<1024x100000xf32, #tpu.memory_space<hbm>> -> memref<8x128xf32, #tpu.memory_space<hbm>>
    tpu.enqueue_dma source(%dma_start3A_925 : memref<8x128xf32, #tpu.memory_space<hbm>>) target(%dma_start3A_924 : memref<8x128xf32, #tpu.memory_space<vmem>>) target_semaphore(%arg10 : memref<!tpu.dma_semaphore, #tpu.memory_space<semaphore_mem>>)
    %slice3A_926 = vector.extract_strided_slice %shift_left3A_840 {offsets = [5], sizes = [1], strides = [1]} : vector<16xi32> to vector<1xi32>
    %squeeze3A_927 = vector.extract %slice3A_926[0] : i32 from vector<1xi32>
    %multiple_of3A_928 = tpu.assume_multiple %squeeze3A_927, 128 : i32
    %add3A_929 = arith.constant 48 : i32
    %add3A_930 = arith.addi %mul3A_0, %add3A_929 : i32
    %multiple_of3A_931 = tpu.assume_multiple %add3A_930, 8 : i32
    %dma_start3A_932 = arith.constant 53 : i32
    %dma_start3A_933 = arith.constant 0 : i32
    %dma_start3A_934 = arith.constant 0 : i32
    %dma_start3A_935 = tpu.memref_slice %arg7[%dma_start3A_932, %dma_start3A_933, %dma_start3A_934] : memref<64x8x128xf32, #tpu.memory_space<vmem>> -> memref<1x8x128xf32, #tpu.memory_space<vmem>>
    %dma_start3A_936 = tpu.memref_squeeze %dma_start3A_935 : memref<1x8x128xf32, #tpu.memory_space<vmem>> -> memref<8x128xf32, #tpu.memory_space<vmem>>
    %dma_start3A_937 = tpu.memref_slice %arg2[%multiple_of3A_931, %multiple_of3A_928] : memref<1024x100000xf32, #tpu.memory_space<hbm>> -> memref<8x128xf32, #tpu.memory_space<hbm>>
    %dma_start3A_938 = arith.constant 0 : i32
    %dma_start3A_939 = arith.constant 0 : i32
    %dma_start3A_940 = tpu.memref_slice %arg7[%dma_start3A_932, %dma_start3A_938, %dma_start3A_939] : memref<64x8x128xf32, #tpu.memory_space<vmem>> -> memref<1x8x128xf32, #tpu.memory_space<vmem>>
    %dma_start3A_941 = tpu.memref_squeeze %dma_start3A_940 : memref<1x8x128xf32, #tpu.memory_space<vmem>> -> memref<8x128xf32, #tpu.memory_space<vmem>>
    %dma_start3A_942 = tpu.memref_slice %arg2[%multiple_of3A_931, %multiple_of3A_928] : memref<1024x100000xf32, #tpu.memory_space<hbm>> -> memref<8x128xf32, #tpu.memory_space<hbm>>
    tpu.enqueue_dma source(%dma_start3A_942 : memref<8x128xf32, #tpu.memory_space<hbm>>) target(%dma_start3A_941 : memref<8x128xf32, #tpu.memory_space<vmem>>) target_semaphore(%arg10 : memref<!tpu.dma_semaphore, #tpu.memory_space<semaphore_mem>>)
    %slice3A_943 = vector.extract_strided_slice %shift_left3A_840 {offsets = [6], sizes = [1], strides = [1]} : vector<16xi32> to vector<1xi32>
    %squeeze3A_944 = vector.extract %slice3A_943[0] : i32 from vector<1xi32>
    %multiple_of3A_945 = tpu.assume_multiple %squeeze3A_944, 128 : i32
    %add3A_946 = arith.constant 48 : i32
    %add3A_947 = arith.addi %mul3A_0, %add3A_946 : i32
    %multiple_of3A_948 = tpu.assume_multiple %add3A_947, 8 : i32
    %dma_start3A_949 = arith.constant 54 : i32
    %dma_start3A_950 = arith.constant 0 : i32
    %dma_start3A_951 = arith.constant 0 : i32
    %dma_start3A_952 = tpu.memref_slice %arg7[%dma_start3A_949, %dma_start3A_950, %dma_start3A_951] : memref<64x8x128xf32, #tpu.memory_space<vmem>> -> memref<1x8x128xf32, #tpu.memory_space<vmem>>
    %dma_start3A_953 = tpu.memref_squeeze %dma_start3A_952 : memref<1x8x128xf32, #tpu.memory_space<vmem>> -> memref<8x128xf32, #tpu.memory_space<vmem>>
    %dma_start3A_954 = tpu.memref_slice %arg2[%multiple_of3A_948, %multiple_of3A_945] : memref<1024x100000xf32, #tpu.memory_space<hbm>> -> memref<8x128xf32, #tpu.memory_space<hbm>>
    %dma_start3A_955 = arith.constant 0 : i32
    %dma_start3A_956 = arith.constant 0 : i32
    %dma_start3A_957 = tpu.memref_slice %arg7[%dma_start3A_949, %dma_start3A_955, %dma_start3A_956] : memref<64x8x128xf32, #tpu.memory_space<vmem>> -> memref<1x8x128xf32, #tpu.memory_space<vmem>>
    %dma_start3A_958 = tpu.memref_squeeze %dma_start3A_957 : memref<1x8x128xf32, #tpu.memory_space<vmem>> -> memref<8x128xf32, #tpu.memory_space<vmem>>
    %dma_start3A_959 = tpu.memref_slice %arg2[%multiple_of3A_948, %multiple_of3A_945] : memref<1024x100000xf32, #tpu.memory_space<hbm>> -> memref<8x128xf32, #tpu.memory_space<hbm>>
    tpu.enqueue_dma source(%dma_start3A_959 : memref<8x128xf32, #tpu.memory_space<hbm>>) target(%dma_start3A_958 : memref<8x128xf32, #tpu.memory_space<vmem>>) target_semaphore(%arg10 : memref<!tpu.dma_semaphore, #tpu.memory_space<semaphore_mem>>)
    %slice3A_960 = vector.extract_strided_slice %shift_left3A_840 {offsets = [7], sizes = [1], strides = [1]} : vector<16xi32> to vector<1xi32>
    %squeeze3A_961 = vector.extract %slice3A_960[0] : i32 from vector<1xi32>
    %multiple_of3A_962 = tpu.assume_multiple %squeeze3A_961, 128 : i32
    %add3A_963 = arith.constant 48 : i32
    %add3A_964 = arith.addi %mul3A_0, %add3A_963 : i32
    %multiple_of3A_965 = tpu.assume_multiple %add3A_964, 8 : i32
    %dma_start3A_966 = arith.constant 55 : i32
    %dma_start3A_967 = arith.constant 0 : i32
    %dma_start3A_968 = arith.constant 0 : i32
    %dma_start3A_969 = tpu.memref_slice %arg7[%dma_start3A_966, %dma_start3A_967, %dma_start3A_968] : memref<64x8x128xf32, #tpu.memory_space<vmem>> -> memref<1x8x128xf32, #tpu.memory_space<vmem>>
    %dma_start3A_970 = tpu.memref_squeeze %dma_start3A_969 : memref<1x8x128xf32, #tpu.memory_space<vmem>> -> memref<8x128xf32, #tpu.memory_space<vmem>>
    %dma_start3A_971 = tpu.memref_slice %arg2[%multiple_of3A_965, %multiple_of3A_962] : memref<1024x100000xf32, #tpu.memory_space<hbm>> -> memref<8x128xf32, #tpu.memory_space<hbm>>
    %dma_start3A_972 = arith.constant 0 : i32
    %dma_start3A_973 = arith.constant 0 : i32
    %dma_start3A_974 = tpu.memref_slice %arg7[%dma_start3A_966, %dma_start3A_972, %dma_start3A_973] : memref<64x8x128xf32, #tpu.memory_space<vmem>> -> memref<1x8x128xf32, #tpu.memory_space<vmem>>
    %dma_start3A_975 = tpu.memref_squeeze %dma_start3A_974 : memref<1x8x128xf32, #tpu.memory_space<vmem>> -> memref<8x128xf32, #tpu.memory_space<vmem>>
    %dma_start3A_976 = tpu.memref_slice %arg2[%multiple_of3A_965, %multiple_of3A_962] : memref<1024x100000xf32, #tpu.memory_space<hbm>> -> memref<8x128xf32, #tpu.memory_space<hbm>>
    tpu.enqueue_dma source(%dma_start3A_976 : memref<8x128xf32, #tpu.memory_space<hbm>>) target(%dma_start3A_975 : memref<8x128xf32, #tpu.memory_space<vmem>>) target_semaphore(%arg10 : memref<!tpu.dma_semaphore, #tpu.memory_space<semaphore_mem>>)
    %slice3A_977 = vector.extract_strided_slice %shift_left3A_840 {offsets = [8], sizes = [1], strides = [1]} : vector<16xi32> to vector<1xi32>
    %squeeze3A_978 = vector.extract %slice3A_977[0] : i32 from vector<1xi32>
    %multiple_of3A_979 = tpu.assume_multiple %squeeze3A_978, 128 : i32
    %add3A_980 = arith.constant 56 : i32
    %add3A_981 = arith.addi %mul3A_0, %add3A_980 : i32
    %multiple_of3A_982 = tpu.assume_multiple %add3A_981, 8 : i32
    %dma_start3A_983 = arith.constant 56 : i32
    %dma_start3A_984 = arith.constant 0 : i32
    %dma_start3A_985 = arith.constant 0 : i32
    %dma_start3A_986 = tpu.memref_slice %arg7[%dma_start3A_983, %dma_start3A_984, %dma_start3A_985] : memref<64x8x128xf32, #tpu.memory_space<vmem>> -> memref<1x8x128xf32, #tpu.memory_space<vmem>>
    %dma_start3A_987 = tpu.memref_squeeze %dma_start3A_986 : memref<1x8x128xf32, #tpu.memory_space<vmem>> -> memref<8x128xf32, #tpu.memory_space<vmem>>
    %dma_start3A_988 = tpu.memref_slice %arg2[%multiple_of3A_982, %multiple_of3A_979] : memref<1024x100000xf32, #tpu.memory_space<hbm>> -> memref<8x128xf32, #tpu.memory_space<hbm>>
    %dma_start3A_989 = arith.constant 0 : i32
    %dma_start3A_990 = arith.constant 0 : i32
    %dma_start3A_991 = tpu.memref_slice %arg7[%dma_start3A_983, %dma_start3A_989, %dma_start3A_990] : memref<64x8x128xf32, #tpu.memory_space<vmem>> -> memref<1x8x128xf32, #tpu.memory_space<vmem>>
    %dma_start3A_992 = tpu.memref_squeeze %dma_start3A_991 : memref<1x8x128xf32, #tpu.memory_space<vmem>> -> memref<8x128xf32, #tpu.memory_space<vmem>>
    %dma_start3A_993 = tpu.memref_slice %arg2[%multiple_of3A_982, %multiple_of3A_979] : memref<1024x100000xf32, #tpu.memory_space<hbm>> -> memref<8x128xf32, #tpu.memory_space<hbm>>
    tpu.enqueue_dma source(%dma_start3A_993 : memref<8x128xf32, #tpu.memory_space<hbm>>) target(%dma_start3A_992 : memref<8x128xf32, #tpu.memory_space<vmem>>) target_semaphore(%arg10 : memref<!tpu.dma_semaphore, #tpu.memory_space<semaphore_mem>>)
    %slice3A_994 = vector.extract_strided_slice %shift_left3A_840 {offsets = [9], sizes = [1], strides = [1]} : vector<16xi32> to vector<1xi32>
    %squeeze3A_995 = vector.extract %slice3A_994[0] : i32 from vector<1xi32>
    %multiple_of3A_996 = tpu.assume_multiple %squeeze3A_995, 128 : i32
    %add3A_997 = arith.constant 56 : i32
    %add3A_998 = arith.addi %mul3A_0, %add3A_997 : i32
    %multiple_of3A_999 = tpu.assume_multiple %add3A_998, 8 : i32
    %dma_start3A_1000 = arith.constant 57 : i32
    %dma_start3A_1001 = arith.constant 0 : i32
    %dma_start3A_1002 = arith.constant 0 : i32
    %dma_start3A_1003 = tpu.memref_slice %arg7[%dma_start3A_1000, %dma_start3A_1001, %dma_start3A_1002] : memref<64x8x128xf32, #tpu.memory_space<vmem>> -> memref<1x8x128xf32, #tpu.memory_space<vmem>>
    %dma_start3A_1004 = tpu.memref_squeeze %dma_start3A_1003 : memref<1x8x128xf32, #tpu.memory_space<vmem>> -> memref<8x128xf32, #tpu.memory_space<vmem>>
    %dma_start3A_1005 = tpu.memref_slice %arg2[%multiple_of3A_999, %multiple_of3A_996] : memref<1024x100000xf32, #tpu.memory_space<hbm>> -> memref<8x128xf32, #tpu.memory_space<hbm>>
    %dma_start3A_1006 = arith.constant 0 : i32
    %dma_start3A_1007 = arith.constant 0 : i32
    %dma_start3A_1008 = tpu.memref_slice %arg7[%dma_start3A_1000, %dma_start3A_1006, %dma_start3A_1007] : memref<64x8x128xf32, #tpu.memory_space<vmem>> -> memref<1x8x128xf32, #tpu.memory_space<vmem>>
    %dma_start3A_1009 = tpu.memref_squeeze %dma_start3A_1008 : memref<1x8x128xf32, #tpu.memory_space<vmem>> -> memref<8x128xf32, #tpu.memory_space<vmem>>
    %dma_start3A_1010 = tpu.memref_slice %arg2[%multiple_of3A_999, %multiple_of3A_996] : memref<1024x100000xf32, #tpu.memory_space<hbm>> -> memref<8x128xf32, #tpu.memory_space<hbm>>
    tpu.enqueue_dma source(%dma_start3A_1010 : memref<8x128xf32, #tpu.memory_space<hbm>>) target(%dma_start3A_1009 : memref<8x128xf32, #tpu.memory_space<vmem>>) target_semaphore(%arg10 : memref<!tpu.dma_semaphore, #tpu.memory_space<semaphore_mem>>)
    %slice3A_1011 = vector.extract_strided_slice %shift_left3A_840 {offsets = [10], sizes = [1], strides = [1]} : vector<16xi32> to vector<1xi32>
    %squeeze3A_1012 = vector.extract %slice3A_1011[0] : i32 from vector<1xi32>
    %multiple_of3A_1013 = tpu.assume_multiple %squeeze3A_1012, 128 : i32
    %add3A_1014 = arith.constant 56 : i32
    %add3A_1015 = arith.addi %mul3A_0, %add3A_1014 : i32
    %multiple_of3A_1016 = tpu.assume_multiple %add3A_1015, 8 : i32
    %dma_start3A_1017 = arith.constant 58 : i32
    %dma_start3A_1018 = arith.constant 0 : i32
    %dma_start3A_1019 = arith.constant 0 : i32
    %dma_start3A_1020 = tpu.memref_slice %arg7[%dma_start3A_1017, %dma_start3A_1018, %dma_start3A_1019] : memref<64x8x128xf32, #tpu.memory_space<vmem>> -> memref<1x8x128xf32, #tpu.memory_space<vmem>>
    %dma_start3A_1021 = tpu.memref_squeeze %dma_start3A_1020 : memref<1x8x128xf32, #tpu.memory_space<vmem>> -> memref<8x128xf32, #tpu.memory_space<vmem>>
    %dma_start3A_1022 = tpu.memref_slice %arg2[%multiple_of3A_1016, %multiple_of3A_1013] : memref<1024x100000xf32, #tpu.memory_space<hbm>> -> memref<8x128xf32, #tpu.memory_space<hbm>>
    %dma_start3A_1023 = arith.constant 0 : i32
    %dma_start3A_1024 = arith.constant 0 : i32
    %dma_start3A_1025 = tpu.memref_slice %arg7[%dma_start3A_1017, %dma_start3A_1023, %dma_start3A_1024] : memref<64x8x128xf32, #tpu.memory_space<vmem>> -> memref<1x8x128xf32, #tpu.memory_space<vmem>>
    %dma_start3A_1026 = tpu.memref_squeeze %dma_start3A_1025 : memref<1x8x128xf32, #tpu.memory_space<vmem>> -> memref<8x128xf32, #tpu.memory_space<vmem>>
    %dma_start3A_1027 = tpu.memref_slice %arg2[%multiple_of3A_1016, %multiple_of3A_1013] : memref<1024x100000xf32, #tpu.memory_space<hbm>> -> memref<8x128xf32, #tpu.memory_space<hbm>>
    tpu.enqueue_dma source(%dma_start3A_1027 : memref<8x128xf32, #tpu.memory_space<hbm>>) target(%dma_start3A_1026 : memref<8x128xf32, #tpu.memory_space<vmem>>) target_semaphore(%arg10 : memref<!tpu.dma_semaphore, #tpu.memory_space<semaphore_mem>>)
    %slice3A_1028 = vector.extract_strided_slice %shift_left3A_840 {offsets = [11], sizes = [1], strides = [1]} : vector<16xi32> to vector<1xi32>
    %squeeze3A_1029 = vector.extract %slice3A_1028[0] : i32 from vector<1xi32>
    %multiple_of3A_1030 = tpu.assume_multiple %squeeze3A_1029, 128 : i32
    %add3A_1031 = arith.constant 56 : i32
    %add3A_1032 = arith.addi %mul3A_0, %add3A_1031 : i32
    %multiple_of3A_1033 = tpu.assume_multiple %add3A_1032, 8 : i32
    %dma_start3A_1034 = arith.constant 59 : i32
    %dma_start3A_1035 = arith.constant 0 : i32
    %dma_start3A_1036 = arith.constant 0 : i32
    %dma_start3A_1037 = tpu.memref_slice %arg7[%dma_start3A_1034, %dma_start3A_1035, %dma_start3A_1036] : memref<64x8x128xf32, #tpu.memory_space<vmem>> -> memref<1x8x128xf32, #tpu.memory_space<vmem>>
    %dma_start3A_1038 = tpu.memref_squeeze %dma_start3A_1037 : memref<1x8x128xf32, #tpu.memory_space<vmem>> -> memref<8x128xf32, #tpu.memory_space<vmem>>
    %dma_start3A_1039 = tpu.memref_slice %arg2[%multiple_of3A_1033, %multiple_of3A_1030] : memref<1024x100000xf32, #tpu.memory_space<hbm>> -> memref<8x128xf32, #tpu.memory_space<hbm>>
    %dma_start3A_1040 = arith.constant 0 : i32
    %dma_start3A_1041 = arith.constant 0 : i32
    %dma_start3A_1042 = tpu.memref_slice %arg7[%dma_start3A_1034, %dma_start3A_1040, %dma_start3A_1041] : memref<64x8x128xf32, #tpu.memory_space<vmem>> -> memref<1x8x128xf32, #tpu.memory_space<vmem>>
    %dma_start3A_1043 = tpu.memref_squeeze %dma_start3A_1042 : memref<1x8x128xf32, #tpu.memory_space<vmem>> -> memref<8x128xf32, #tpu.memory_space<vmem>>
    %dma_start3A_1044 = tpu.memref_slice %arg2[%multiple_of3A_1033, %multiple_of3A_1030] : memref<1024x100000xf32, #tpu.memory_space<hbm>> -> memref<8x128xf32, #tpu.memory_space<hbm>>
    tpu.enqueue_dma source(%dma_start3A_1044 : memref<8x128xf32, #tpu.memory_space<hbm>>) target(%dma_start3A_1043 : memref<8x128xf32, #tpu.memory_space<vmem>>) target_semaphore(%arg10 : memref<!tpu.dma_semaphore, #tpu.memory_space<semaphore_mem>>)
    %slice3A_1045 = vector.extract_strided_slice %shift_left3A_840 {offsets = [12], sizes = [1], strides = [1]} : vector<16xi32> to vector<1xi32>
    %squeeze3A_1046 = vector.extract %slice3A_1045[0] : i32 from vector<1xi32>
    %multiple_of3A_1047 = tpu.assume_multiple %squeeze3A_1046, 128 : i32
    %add3A_1048 = arith.constant 56 : i32
    %add3A_1049 = arith.addi %mul3A_0, %add3A_1048 : i32
    %multiple_of3A_1050 = tpu.assume_multiple %add3A_1049, 8 : i32
    %dma_start3A_1051 = arith.constant 60 : i32
    %dma_start3A_1052 = arith.constant 0 : i32
    %dma_start3A_1053 = arith.constant 0 : i32
    %dma_start3A_1054 = tpu.memref_slice %arg7[%dma_start3A_1051, %dma_start3A_1052, %dma_start3A_1053] : memref<64x8x128xf32, #tpu.memory_space<vmem>> -> memref<1x8x128xf32, #tpu.memory_space<vmem>>
    %dma_start3A_1055 = tpu.memref_squeeze %dma_start3A_1054 : memref<1x8x128xf32, #tpu.memory_space<vmem>> -> memref<8x128xf32, #tpu.memory_space<vmem>>
    %dma_start3A_1056 = tpu.memref_slice %arg2[%multiple_of3A_1050, %multiple_of3A_1047] : memref<1024x100000xf32, #tpu.memory_space<hbm>> -> memref<8x128xf32, #tpu.memory_space<hbm>>
    %dma_start3A_1057 = arith.constant 0 : i32
    %dma_start3A_1058 = arith.constant 0 : i32
    %dma_start3A_1059 = tpu.memref_slice %arg7[%dma_start3A_1051, %dma_start3A_1057, %dma_start3A_1058] : memref<64x8x128xf32, #tpu.memory_space<vmem>> -> memref<1x8x128xf32, #tpu.memory_space<vmem>>
    %dma_start3A_1060 = tpu.memref_squeeze %dma_start3A_1059 : memref<1x8x128xf32, #tpu.memory_space<vmem>> -> memref<8x128xf32, #tpu.memory_space<vmem>>
    %dma_start3A_1061 = tpu.memref_slice %arg2[%multiple_of3A_1050, %multiple_of3A_1047] : memref<1024x100000xf32, #tpu.memory_space<hbm>> -> memref<8x128xf32, #tpu.memory_space<hbm>>
    tpu.enqueue_dma source(%dma_start3A_1061 : memref<8x128xf32, #tpu.memory_space<hbm>>) target(%dma_start3A_1060 : memref<8x128xf32, #tpu.memory_space<vmem>>) target_semaphore(%arg10 : memref<!tpu.dma_semaphore, #tpu.memory_space<semaphore_mem>>)
    %slice3A_1062 = vector.extract_strided_slice %shift_left3A_840 {offsets = [13], sizes = [1], strides = [1]} : vector<16xi32> to vector<1xi32>
    %squeeze3A_1063 = vector.extract %slice3A_1062[0] : i32 from vector<1xi32>
    %multiple_of3A_1064 = tpu.assume_multiple %squeeze3A_1063, 128 : i32
    %add3A_1065 = arith.constant 56 : i32
    %add3A_1066 = arith.addi %mul3A_0, %add3A_1065 : i32
    %multiple_of3A_1067 = tpu.assume_multiple %add3A_1066, 8 : i32
    %dma_start3A_1068 = arith.constant 61 : i32
    %dma_start3A_1069 = arith.constant 0 : i32
    %dma_start3A_1070 = arith.constant 0 : i32
    %dma_start3A_1071 = tpu.memref_slice %arg7[%dma_start3A_1068, %dma_start3A_1069, %dma_start3A_1070] : memref<64x8x128xf32, #tpu.memory_space<vmem>> -> memref<1x8x128xf32, #tpu.memory_space<vmem>>
    %dma_start3A_1072 = tpu.memref_squeeze %dma_start3A_1071 : memref<1x8x128xf32, #tpu.memory_space<vmem>> -> memref<8x128xf32, #tpu.memory_space<vmem>>
    %dma_start3A_1073 = tpu.memref_slice %arg2[%multiple_of3A_1067, %multiple_of3A_1064] : memref<1024x100000xf32, #tpu.memory_space<hbm>> -> memref<8x128xf32, #tpu.memory_space<hbm>>
    %dma_start3A_1074 = arith.constant 0 : i32
    %dma_start3A_1075 = arith.constant 0 : i32
    %dma_start3A_1076 = tpu.memref_slice %arg7[%dma_start3A_1068, %dma_start3A_1074, %dma_start3A_1075] : memref<64x8x128xf32, #tpu.memory_space<vmem>> -> memref<1x8x128xf32, #tpu.memory_space<vmem>>
    %dma_start3A_1077 = tpu.memref_squeeze %dma_start3A_1076 : memref<1x8x128xf32, #tpu.memory_space<vmem>> -> memref<8x128xf32, #tpu.memory_space<vmem>>
    %dma_start3A_1078 = tpu.memref_slice %arg2[%multiple_of3A_1067, %multiple_of3A_1064] : memref<1024x100000xf32, #tpu.memory_space<hbm>> -> memref<8x128xf32, #tpu.memory_space<hbm>>
    tpu.enqueue_dma source(%dma_start3A_1078 : memref<8x128xf32, #tpu.memory_space<hbm>>) target(%dma_start3A_1077 : memref<8x128xf32, #tpu.memory_space<vmem>>) target_semaphore(%arg10 : memref<!tpu.dma_semaphore, #tpu.memory_space<semaphore_mem>>)
    %slice3A_1079 = vector.extract_strided_slice %shift_left3A_840 {offsets = [14], sizes = [1], strides = [1]} : vector<16xi32> to vector<1xi32>
    %squeeze3A_1080 = vector.extract %slice3A_1079[0] : i32 from vector<1xi32>
    %multiple_of3A_1081 = tpu.assume_multiple %squeeze3A_1080, 128 : i32
    %add3A_1082 = arith.constant 56 : i32
    %add3A_1083 = arith.addi %mul3A_0, %add3A_1082 : i32
    %multiple_of3A_1084 = tpu.assume_multiple %add3A_1083, 8 : i32
    %dma_start3A_1085 = arith.constant 62 : i32
    %dma_start3A_1086 = arith.constant 0 : i32
    %dma_start3A_1087 = arith.constant 0 : i32
    %dma_start3A_1088 = tpu.memref_slice %arg7[%dma_start3A_1085, %dma_start3A_1086, %dma_start3A_1087] : memref<64x8x128xf32, #tpu.memory_space<vmem>> -> memref<1x8x128xf32, #tpu.memory_space<vmem>>
    %dma_start3A_1089 = tpu.memref_squeeze %dma_start3A_1088 : memref<1x8x128xf32, #tpu.memory_space<vmem>> -> memref<8x128xf32, #tpu.memory_space<vmem>>
    %dma_start3A_1090 = tpu.memref_slice %arg2[%multiple_of3A_1084, %multiple_of3A_1081] : memref<1024x100000xf32, #tpu.memory_space<hbm>> -> memref<8x128xf32, #tpu.memory_space<hbm>>
    %dma_start3A_1091 = arith.constant 0 : i32
    %dma_start3A_1092 = arith.constant 0 : i32
    %dma_start3A_1093 = tpu.memref_slice %arg7[%dma_start3A_1085, %dma_start3A_1091, %dma_start3A_1092] : memref<64x8x128xf32, #tpu.memory_space<vmem>> -> memref<1x8x128xf32, #tpu.memory_space<vmem>>
    %dma_start3A_1094 = tpu.memref_squeeze %dma_start3A_1093 : memref<1x8x128xf32, #tpu.memory_space<vmem>> -> memref<8x128xf32, #tpu.memory_space<vmem>>
    %dma_start3A_1095 = tpu.memref_slice %arg2[%multiple_of3A_1084, %multiple_of3A_1081] : memref<1024x100000xf32, #tpu.memory_space<hbm>> -> memref<8x128xf32, #tpu.memory_space<hbm>>
    tpu.enqueue_dma source(%dma_start3A_1095 : memref<8x128xf32, #tpu.memory_space<hbm>>) target(%dma_start3A_1094 : memref<8x128xf32, #tpu.memory_space<vmem>>) target_semaphore(%arg10 : memref<!tpu.dma_semaphore, #tpu.memory_space<semaphore_mem>>)
    %slice3A_1096 = vector.extract_strided_slice %shift_left3A_840 {offsets = [15], sizes = [1], strides = [1]} : vector<16xi32> to vector<1xi32>
    %squeeze3A_1097 = vector.extract %slice3A_1096[0] : i32 from vector<1xi32>
    %multiple_of3A_1098 = tpu.assume_multiple %squeeze3A_1097, 128 : i32
    %add3A_1099 = arith.constant 56 : i32
    %add3A_1100 = arith.addi %mul3A_0, %add3A_1099 : i32
    %multiple_of3A_1101 = tpu.assume_multiple %add3A_1100, 8 : i32
    %dma_start3A_1102 = arith.constant 63 : i32
    %dma_start3A_1103 = arith.constant 0 : i32
    %dma_start3A_1104 = arith.constant 0 : i32
    %dma_start3A_1105 = tpu.memref_slice %arg7[%dma_start3A_1102, %dma_start3A_1103, %dma_start3A_1104] : memref<64x8x128xf32, #tpu.memory_space<vmem>> -> memref<1x8x128xf32, #tpu.memory_space<vmem>>
    %dma_start3A_1106 = tpu.memref_squeeze %dma_start3A_1105 : memref<1x8x128xf32, #tpu.memory_space<vmem>> -> memref<8x128xf32, #tpu.memory_space<vmem>>
    %dma_start3A_1107 = tpu.memref_slice %arg2[%multiple_of3A_1101, %multiple_of3A_1098] : memref<1024x100000xf32, #tpu.memory_space<hbm>> -> memref<8x128xf32, #tpu.memory_space<hbm>>
    %dma_start3A_1108 = arith.constant 0 : i32
    %dma_start3A_1109 = arith.constant 0 : i32
    %dma_start3A_1110 = tpu.memref_slice %arg7[%dma_start3A_1102, %dma_start3A_1108, %dma_start3A_1109] : memref<64x8x128xf32, #tpu.memory_space<vmem>> -> memref<1x8x128xf32, #tpu.memory_space<vmem>>
    %dma_start3A_1111 = tpu.memref_squeeze %dma_start3A_1110 : memref<1x8x128xf32, #tpu.memory_space<vmem>> -> memref<8x128xf32, #tpu.memory_space<vmem>>
    %dma_start3A_1112 = tpu.memref_slice %arg2[%multiple_of3A_1101, %multiple_of3A_1098] : memref<1024x100000xf32, #tpu.memory_space<hbm>> -> memref<8x128xf32, #tpu.memory_space<hbm>>
    tpu.enqueue_dma source(%dma_start3A_1112 : memref<8x128xf32, #tpu.memory_space<hbm>>) target(%dma_start3A_1111 : memref<8x128xf32, #tpu.memory_space<vmem>>) target_semaphore(%arg10 : memref<!tpu.dma_semaphore, #tpu.memory_space<semaphore_mem>>)
    %dma_wait3A = arith.constant 0 : i32
    %dma_wait3A_1113 = arith.constant 0 : i32
    %dma_wait3A_1114 = arith.constant 0 : i32
    %dma_wait3A_1115 = tpu.memref_slice %arg7[%dma_wait3A, %dma_wait3A_1113, %dma_wait3A_1114] : memref<64x8x128xf32, #tpu.memory_space<vmem>> -> memref<1x8x128xf32, #tpu.memory_space<vmem>>
    %dma_wait3A_1116 = tpu.memref_squeeze %dma_wait3A_1115 : memref<1x8x128xf32, #tpu.memory_space<vmem>> -> memref<8x128xf32, #tpu.memory_space<vmem>>
    %dma_wait3A_1117 = tpu.memref_slice %arg2[%multiple_of3A_7, %multiple_of3A] : memref<1024x100000xf32, #tpu.memory_space<hbm>> -> memref<8x128xf32, #tpu.memory_space<hbm>>
    %dma_wait3A_1118 = arith.constant 0 : i32
    %dma_wait3A_1119 = arith.constant 0 : i32
    %dma_wait3A_1120 = tpu.memref_slice %arg7[%dma_wait3A, %dma_wait3A_1118, %dma_wait3A_1119] : memref<64x8x128xf32, #tpu.memory_space<vmem>> -> memref<1x8x128xf32, #tpu.memory_space<vmem>>
    %dma_wait3A_1121 = tpu.memref_squeeze %dma_wait3A_1120 : memref<1x8x128xf32, #tpu.memory_space<vmem>> -> memref<8x128xf32, #tpu.memory_space<vmem>>
    %dma_wait3A_1122 = tpu.memref_slice %arg2[%multiple_of3A_7, %multiple_of3A] : memref<1024x100000xf32, #tpu.memory_space<hbm>> -> memref<8x128xf32, #tpu.memory_space<hbm>>
    tpu.wait_dma2 semaphore(%arg10 : memref<!tpu.dma_semaphore, #tpu.memory_space<semaphore_mem>>) src(%dma_wait3A_1122 : memref<8x128xf32, #tpu.memory_space<hbm>>) dst(%dma_wait3A_1121 : memref<8x128xf32, #tpu.memory_space<vmem>>)
    %dma_wait3A_1123 = arith.constant 1 : i32
    %dma_wait3A_1124 = arith.constant 0 : i32
    %dma_wait3A_1125 = arith.constant 0 : i32
    %dma_wait3A_1126 = tpu.memref_slice %arg7[%dma_wait3A_1123, %dma_wait3A_1124, %dma_wait3A_1125] : memref<64x8x128xf32, #tpu.memory_space<vmem>> -> memref<1x8x128xf32, #tpu.memory_space<vmem>>
    %dma_wait3A_1127 = tpu.memref_squeeze %dma_wait3A_1126 : memref<1x8x128xf32, #tpu.memory_space<vmem>> -> memref<8x128xf32, #tpu.memory_space<vmem>>
    %dma_wait3A_1128 = tpu.memref_slice %arg2[%multiple_of3A_23, %multiple_of3A_20] : memref<1024x100000xf32, #tpu.memory_space<hbm>> -> memref<8x128xf32, #tpu.memory_space<hbm>>
    %dma_wait3A_1129 = arith.constant 0 : i32
    %dma_wait3A_1130 = arith.constant 0 : i32
    %dma_wait3A_1131 = tpu.memref_slice %arg7[%dma_wait3A_1123, %dma_wait3A_1129, %dma_wait3A_1130] : memref<64x8x128xf32, #tpu.memory_space<vmem>> -> memref<1x8x128xf32, #tpu.memory_space<vmem>>
    %dma_wait3A_1132 = tpu.memref_squeeze %dma_wait3A_1131 : memref<1x8x128xf32, #tpu.memory_space<vmem>> -> memref<8x128xf32, #tpu.memory_space<vmem>>
    %dma_wait3A_1133 = tpu.memref_slice %arg2[%multiple_of3A_23, %multiple_of3A_20] : memref<1024x100000xf32, #tpu.memory_space<hbm>> -> memref<8x128xf32, #tpu.memory_space<hbm>>
    tpu.wait_dma2 semaphore(%arg10 : memref<!tpu.dma_semaphore, #tpu.memory_space<semaphore_mem>>) src(%dma_wait3A_1133 : memref<8x128xf32, #tpu.memory_space<hbm>>) dst(%dma_wait3A_1132 : memref<8x128xf32, #tpu.memory_space<vmem>>)
    %dma_wait3A_1134 = arith.constant 2 : i32
    %dma_wait3A_1135 = arith.constant 0 : i32
    %dma_wait3A_1136 = arith.constant 0 : i32
    %dma_wait3A_1137 = tpu.memref_slice %arg7[%dma_wait3A_1134, %dma_wait3A_1135, %dma_wait3A_1136] : memref<64x8x128xf32, #tpu.memory_space<vmem>> -> memref<1x8x128xf32, #tpu.memory_space<vmem>>
    %dma_wait3A_1138 = tpu.memref_squeeze %dma_wait3A_1137 : memref<1x8x128xf32, #tpu.memory_space<vmem>> -> memref<8x128xf32, #tpu.memory_space<vmem>>
    %dma_wait3A_1139 = tpu.memref_slice %arg2[%multiple_of3A_40, %multiple_of3A_37] : memref<1024x100000xf32, #tpu.memory_space<hbm>> -> memref<8x128xf32, #tpu.memory_space<hbm>>
    %dma_wait3A_1140 = arith.constant 0 : i32
    %dma_wait3A_1141 = arith.constant 0 : i32
    %dma_wait3A_1142 = tpu.memref_slice %arg7[%dma_wait3A_1134, %dma_wait3A_1140, %dma_wait3A_1141] : memref<64x8x128xf32, #tpu.memory_space<vmem>> -> memref<1x8x128xf32, #tpu.memory_space<vmem>>
    %dma_wait3A_1143 = tpu.memref_squeeze %dma_wait3A_1142 : memref<1x8x128xf32, #tpu.memory_space<vmem>> -> memref<8x128xf32, #tpu.memory_space<vmem>>
    %dma_wait3A_1144 = tpu.memref_slice %arg2[%multiple_of3A_40, %multiple_of3A_37] : memref<1024x100000xf32, #tpu.memory_space<hbm>> -> memref<8x128xf32, #tpu.memory_space<hbm>>
    tpu.wait_dma2 semaphore(%arg10 : memref<!tpu.dma_semaphore, #tpu.memory_space<semaphore_mem>>) src(%dma_wait3A_1144 : memref<8x128xf32, #tpu.memory_space<hbm>>) dst(%dma_wait3A_1143 : memref<8x128xf32, #tpu.memory_space<vmem>>)
    %dma_wait3A_1145 = arith.constant 3 : i32
    %dma_wait3A_1146 = arith.constant 0 : i32
    %dma_wait3A_1147 = arith.constant 0 : i32
    %dma_wait3A_1148 = tpu.memref_slice %arg7[%dma_wait3A_1145, %dma_wait3A_1146, %dma_wait3A_1147] : memref<64x8x128xf32, #tpu.memory_space<vmem>> -> memref<1x8x128xf32, #tpu.memory_space<vmem>>
    %dma_wait3A_1149 = tpu.memref_squeeze %dma_wait3A_1148 : memref<1x8x128xf32, #tpu.memory_space<vmem>> -> memref<8x128xf32, #tpu.memory_space<vmem>>
    %dma_wait3A_1150 = tpu.memref_slice %arg2[%multiple_of3A_57, %multiple_of3A_54] : memref<1024x100000xf32, #tpu.memory_space<hbm>> -> memref<8x128xf32, #tpu.memory_space<hbm>>
    %dma_wait3A_1151 = arith.constant 0 : i32
    %dma_wait3A_1152 = arith.constant 0 : i32
    %dma_wait3A_1153 = tpu.memref_slice %arg7[%dma_wait3A_1145, %dma_wait3A_1151, %dma_wait3A_1152] : memref<64x8x128xf32, #tpu.memory_space<vmem>> -> memref<1x8x128xf32, #tpu.memory_space<vmem>>
    %dma_wait3A_1154 = tpu.memref_squeeze %dma_wait3A_1153 : memref<1x8x128xf32, #tpu.memory_space<vmem>> -> memref<8x128xf32, #tpu.memory_space<vmem>>
    %dma_wait3A_1155 = tpu.memref_slice %arg2[%multiple_of3A_57, %multiple_of3A_54] : memref<1024x100000xf32, #tpu.memory_space<hbm>> -> memref<8x128xf32, #tpu.memory_space<hbm>>
    tpu.wait_dma2 semaphore(%arg10 : memref<!tpu.dma_semaphore, #tpu.memory_space<semaphore_mem>>) src(%dma_wait3A_1155 : memref<8x128xf32, #tpu.memory_space<hbm>>) dst(%dma_wait3A_1154 : memref<8x128xf32, #tpu.memory_space<vmem>>)
    %dma_wait3A_1156 = arith.constant 4 : i32
    %dma_wait3A_1157 = arith.constant 0 : i32
    %dma_wait3A_1158 = arith.constant 0 : i32
    %dma_wait3A_1159 = tpu.memref_slice %arg7[%dma_wait3A_1156, %dma_wait3A_1157, %dma_wait3A_1158] : memref<64x8x128xf32, #tpu.memory_space<vmem>> -> memref<1x8x128xf32, #tpu.memory_space<vmem>>
    %dma_wait3A_1160 = tpu.memref_squeeze %dma_wait3A_1159 : memref<1x8x128xf32, #tpu.memory_space<vmem>> -> memref<8x128xf32, #tpu.memory_space<vmem>>
    %dma_wait3A_1161 = tpu.memref_slice %arg2[%multiple_of3A_74, %multiple_of3A_71] : memref<1024x100000xf32, #tpu.memory_space<hbm>> -> memref<8x128xf32, #tpu.memory_space<hbm>>
    %dma_wait3A_1162 = arith.constant 0 : i32
    %dma_wait3A_1163 = arith.constant 0 : i32
    %dma_wait3A_1164 = tpu.memref_slice %arg7[%dma_wait3A_1156, %dma_wait3A_1162, %dma_wait3A_1163] : memref<64x8x128xf32, #tpu.memory_space<vmem>> -> memref<1x8x128xf32, #tpu.memory_space<vmem>>
    %dma_wait3A_1165 = tpu.memref_squeeze %dma_wait3A_1164 : memref<1x8x128xf32, #tpu.memory_space<vmem>> -> memref<8x128xf32, #tpu.memory_space<vmem>>
    %dma_wait3A_1166 = tpu.memref_slice %arg2[%multiple_of3A_74, %multiple_of3A_71] : memref<1024x100000xf32, #tpu.memory_space<hbm>> -> memref<8x128xf32, #tpu.memory_space<hbm>>
    tpu.wait_dma2 semaphore(%arg10 : memref<!tpu.dma_semaphore, #tpu.memory_space<semaphore_mem>>) src(%dma_wait3A_1166 : memref<8x128xf32, #tpu.memory_space<hbm>>) dst(%dma_wait3A_1165 : memref<8x128xf32, #tpu.memory_space<vmem>>)
    %dma_wait3A_1167 = arith.constant 5 : i32
    %dma_wait3A_1168 = arith.constant 0 : i32
    %dma_wait3A_1169 = arith.constant 0 : i32
    %dma_wait3A_1170 = tpu.memref_slice %arg7[%dma_wait3A_1167, %dma_wait3A_1168, %dma_wait3A_1169] : memref<64x8x128xf32, #tpu.memory_space<vmem>> -> memref<1x8x128xf32, #tpu.memory_space<vmem>>
    %dma_wait3A_1171 = tpu.memref_squeeze %dma_wait3A_1170 : memref<1x8x128xf32, #tpu.memory_space<vmem>> -> memref<8x128xf32, #tpu.memory_space<vmem>>
    %dma_wait3A_1172 = tpu.memref_slice %arg2[%multiple_of3A_91, %multiple_of3A_88] : memref<1024x100000xf32, #tpu.memory_space<hbm>> -> memref<8x128xf32, #tpu.memory_space<hbm>>
    %dma_wait3A_1173 = arith.constant 0 : i32
    %dma_wait3A_1174 = arith.constant 0 : i32
    %dma_wait3A_1175 = tpu.memref_slice %arg7[%dma_wait3A_1167, %dma_wait3A_1173, %dma_wait3A_1174] : memref<64x8x128xf32, #tpu.memory_space<vmem>> -> memref<1x8x128xf32, #tpu.memory_space<vmem>>
    %dma_wait3A_1176 = tpu.memref_squeeze %dma_wait3A_1175 : memref<1x8x128xf32, #tpu.memory_space<vmem>> -> memref<8x128xf32, #tpu.memory_space<vmem>>
    %dma_wait3A_1177 = tpu.memref_slice %arg2[%multiple_of3A_91, %multiple_of3A_88] : memref<1024x100000xf32, #tpu.memory_space<hbm>> -> memref<8x128xf32, #tpu.memory_space<hbm>>
    tpu.wait_dma2 semaphore(%arg10 : memref<!tpu.dma_semaphore, #tpu.memory_space<semaphore_mem>>) src(%dma_wait3A_1177 : memref<8x128xf32, #tpu.memory_space<hbm>>) dst(%dma_wait3A_1176 : memref<8x128xf32, #tpu.memory_space<vmem>>)
    %dma_wait3A_1178 = arith.constant 6 : i32
    %dma_wait3A_1179 = arith.constant 0 : i32
    %dma_wait3A_1180 = arith.constant 0 : i32
    %dma_wait3A_1181 = tpu.memref_slice %arg7[%dma_wait3A_1178, %dma_wait3A_1179, %dma_wait3A_1180] : memref<64x8x128xf32, #tpu.memory_space<vmem>> -> memref<1x8x128xf32, #tpu.memory_space<vmem>>
    %dma_wait3A_1182 = tpu.memref_squeeze %dma_wait3A_1181 : memref<1x8x128xf32, #tpu.memory_space<vmem>> -> memref<8x128xf32, #tpu.memory_space<vmem>>
    %dma_wait3A_1183 = tpu.memref_slice %arg2[%multiple_of3A_108, %multiple_of3A_105] : memref<1024x100000xf32, #tpu.memory_space<hbm>> -> memref<8x128xf32, #tpu.memory_space<hbm>>
    %dma_wait3A_1184 = arith.constant 0 : i32
    %dma_wait3A_1185 = arith.constant 0 : i32
    %dma_wait3A_1186 = tpu.memref_slice %arg7[%dma_wait3A_1178, %dma_wait3A_1184, %dma_wait3A_1185] : memref<64x8x128xf32, #tpu.memory_space<vmem>> -> memref<1x8x128xf32, #tpu.memory_space<vmem>>
    %dma_wait3A_1187 = tpu.memref_squeeze %dma_wait3A_1186 : memref<1x8x128xf32, #tpu.memory_space<vmem>> -> memref<8x128xf32, #tpu.memory_space<vmem>>
    %dma_wait3A_1188 = tpu.memref_slice %arg2[%multiple_of3A_108, %multiple_of3A_105] : memref<1024x100000xf32, #tpu.memory_space<hbm>> -> memref<8x128xf32, #tpu.memory_space<hbm>>
    tpu.wait_dma2 semaphore(%arg10 : memref<!tpu.dma_semaphore, #tpu.memory_space<semaphore_mem>>) src(%dma_wait3A_1188 : memref<8x128xf32, #tpu.memory_space<hbm>>) dst(%dma_wait3A_1187 : memref<8x128xf32, #tpu.memory_space<vmem>>)
    %dma_wait3A_1189 = arith.constant 7 : i32
    %dma_wait3A_1190 = arith.constant 0 : i32
    %dma_wait3A_1191 = arith.constant 0 : i32
    %dma_wait3A_1192 = tpu.memref_slice %arg7[%dma_wait3A_1189, %dma_wait3A_1190, %dma_wait3A_1191] : memref<64x8x128xf32, #tpu.memory_space<vmem>> -> memref<1x8x128xf32, #tpu.memory_space<vmem>>
    %dma_wait3A_1193 = tpu.memref_squeeze %dma_wait3A_1192 : memref<1x8x128xf32, #tpu.memory_space<vmem>> -> memref<8x128xf32, #tpu.memory_space<vmem>>
    %dma_wait3A_1194 = tpu.memref_slice %arg2[%multiple_of3A_125, %multiple_of3A_122] : memref<1024x100000xf32, #tpu.memory_space<hbm>> -> memref<8x128xf32, #tpu.memory_space<hbm>>
    %dma_wait3A_1195 = arith.constant 0 : i32
    %dma_wait3A_1196 = arith.constant 0 : i32
    %dma_wait3A_1197 = tpu.memref_slice %arg7[%dma_wait3A_1189, %dma_wait3A_1195, %dma_wait3A_1196] : memref<64x8x128xf32, #tpu.memory_space<vmem>> -> memref<1x8x128xf32, #tpu.memory_space<vmem>>
    %dma_wait3A_1198 = tpu.memref_squeeze %dma_wait3A_1197 : memref<1x8x128xf32, #tpu.memory_space<vmem>> -> memref<8x128xf32, #tpu.memory_space<vmem>>
    %dma_wait3A_1199 = tpu.memref_slice %arg2[%multiple_of3A_125, %multiple_of3A_122] : memref<1024x100000xf32, #tpu.memory_space<hbm>> -> memref<8x128xf32, #tpu.memory_space<hbm>>
    tpu.wait_dma2 semaphore(%arg10 : memref<!tpu.dma_semaphore, #tpu.memory_space<semaphore_mem>>) src(%dma_wait3A_1199 : memref<8x128xf32, #tpu.memory_space<hbm>>) dst(%dma_wait3A_1198 : memref<8x128xf32, #tpu.memory_space<vmem>>)
    %dma_wait3A_1200 = arith.constant 8 : i32
    %dma_wait3A_1201 = arith.constant 0 : i32
    %dma_wait3A_1202 = arith.constant 0 : i32
    %dma_wait3A_1203 = tpu.memref_slice %arg7[%dma_wait3A_1200, %dma_wait3A_1201, %dma_wait3A_1202] : memref<64x8x128xf32, #tpu.memory_space<vmem>> -> memref<1x8x128xf32, #tpu.memory_space<vmem>>
    %dma_wait3A_1204 = tpu.memref_squeeze %dma_wait3A_1203 : memref<1x8x128xf32, #tpu.memory_space<vmem>> -> memref<8x128xf32, #tpu.memory_space<vmem>>
    %dma_wait3A_1205 = tpu.memref_slice %arg2[%multiple_of3A_142, %multiple_of3A_139] : memref<1024x100000xf32, #tpu.memory_space<hbm>> -> memref<8x128xf32, #tpu.memory_space<hbm>>
    %dma_wait3A_1206 = arith.constant 0 : i32
    %dma_wait3A_1207 = arith.constant 0 : i32
    %dma_wait3A_1208 = tpu.memref_slice %arg7[%dma_wait3A_1200, %dma_wait3A_1206, %dma_wait3A_1207] : memref<64x8x128xf32, #tpu.memory_space<vmem>> -> memref<1x8x128xf32, #tpu.memory_space<vmem>>
    %dma_wait3A_1209 = tpu.memref_squeeze %dma_wait3A_1208 : memref<1x8x128xf32, #tpu.memory_space<vmem>> -> memref<8x128xf32, #tpu.memory_space<vmem>>
    %dma_wait3A_1210 = tpu.memref_slice %arg2[%multiple_of3A_142, %multiple_of3A_139] : memref<1024x100000xf32, #tpu.memory_space<hbm>> -> memref<8x128xf32, #tpu.memory_space<hbm>>
    tpu.wait_dma2 semaphore(%arg10 : memref<!tpu.dma_semaphore, #tpu.memory_space<semaphore_mem>>) src(%dma_wait3A_1210 : memref<8x128xf32, #tpu.memory_space<hbm>>) dst(%dma_wait3A_1209 : memref<8x128xf32, #tpu.memory_space<vmem>>)
    %dma_wait3A_1211 = arith.constant 9 : i32
    %dma_wait3A_1212 = arith.constant 0 : i32
    %dma_wait3A_1213 = arith.constant 0 : i32
    %dma_wait3A_1214 = tpu.memref_slice %arg7[%dma_wait3A_1211, %dma_wait3A_1212, %dma_wait3A_1213] : memref<64x8x128xf32, #tpu.memory_space<vmem>> -> memref<1x8x128xf32, #tpu.memory_space<vmem>>
    %dma_wait3A_1215 = tpu.memref_squeeze %dma_wait3A_1214 : memref<1x8x128xf32, #tpu.memory_space<vmem>> -> memref<8x128xf32, #tpu.memory_space<vmem>>
    %dma_wait3A_1216 = tpu.memref_slice %arg2[%multiple_of3A_159, %multiple_of3A_156] : memref<1024x100000xf32, #tpu.memory_space<hbm>> -> memref<8x128xf32, #tpu.memory_space<hbm>>
    %dma_wait3A_1217 = arith.constant 0 : i32
    %dma_wait3A_1218 = arith.constant 0 : i32
    %dma_wait3A_1219 = tpu.memref_slice %arg7[%dma_wait3A_1211, %dma_wait3A_1217, %dma_wait3A_1218] : memref<64x8x128xf32, #tpu.memory_space<vmem>> -> memref<1x8x128xf32, #tpu.memory_space<vmem>>
    %dma_wait3A_1220 = tpu.memref_squeeze %dma_wait3A_1219 : memref<1x8x128xf32, #tpu.memory_space<vmem>> -> memref<8x128xf32, #tpu.memory_space<vmem>>
    %dma_wait3A_1221 = tpu.memref_slice %arg2[%multiple_of3A_159, %multiple_of3A_156] : memref<1024x100000xf32, #tpu.memory_space<hbm>> -> memref<8x128xf32, #tpu.memory_space<hbm>>
    tpu.wait_dma2 semaphore(%arg10 : memref<!tpu.dma_semaphore, #tpu.memory_space<semaphore_mem>>) src(%dma_wait3A_1221 : memref<8x128xf32, #tpu.memory_space<hbm>>) dst(%dma_wait3A_1220 : memref<8x128xf32, #tpu.memory_space<vmem>>)
    %dma_wait3A_1222 = arith.constant 10 : i32
    %dma_wait3A_1223 = arith.constant 0 : i32
    %dma_wait3A_1224 = arith.constant 0 : i32
    %dma_wait3A_1225 = tpu.memref_slice %arg7[%dma_wait3A_1222, %dma_wait3A_1223, %dma_wait3A_1224] : memref<64x8x128xf32, #tpu.memory_space<vmem>> -> memref<1x8x128xf32, #tpu.memory_space<vmem>>
    %dma_wait3A_1226 = tpu.memref_squeeze %dma_wait3A_1225 : memref<1x8x128xf32, #tpu.memory_space<vmem>> -> memref<8x128xf32, #tpu.memory_space<vmem>>
    %dma_wait3A_1227 = tpu.memref_slice %arg2[%multiple_of3A_176, %multiple_of3A_173] : memref<1024x100000xf32, #tpu.memory_space<hbm>> -> memref<8x128xf32, #tpu.memory_space<hbm>>
    %dma_wait3A_1228 = arith.constant 0 : i32
    %dma_wait3A_1229 = arith.constant 0 : i32
    %dma_wait3A_1230 = tpu.memref_slice %arg7[%dma_wait3A_1222, %dma_wait3A_1228, %dma_wait3A_1229] : memref<64x8x128xf32, #tpu.memory_space<vmem>> -> memref<1x8x128xf32, #tpu.memory_space<vmem>>
    %dma_wait3A_1231 = tpu.memref_squeeze %dma_wait3A_1230 : memref<1x8x128xf32, #tpu.memory_space<vmem>> -> memref<8x128xf32, #tpu.memory_space<vmem>>
    %dma_wait3A_1232 = tpu.memref_slice %arg2[%multiple_of3A_176, %multiple_of3A_173] : memref<1024x100000xf32, #tpu.memory_space<hbm>> -> memref<8x128xf32, #tpu.memory_space<hbm>>
    tpu.wait_dma2 semaphore(%arg10 : memref<!tpu.dma_semaphore, #tpu.memory_space<semaphore_mem>>) src(%dma_wait3A_1232 : memref<8x128xf32, #tpu.memory_space<hbm>>) dst(%dma_wait3A_1231 : memref<8x128xf32, #tpu.memory_space<vmem>>)
    %dma_wait3A_1233 = arith.constant 11 : i32
    %dma_wait3A_1234 = arith.constant 0 : i32
    %dma_wait3A_1235 = arith.constant 0 : i32
    %dma_wait3A_1236 = tpu.memref_slice %arg7[%dma_wait3A_1233, %dma_wait3A_1234, %dma_wait3A_1235] : memref<64x8x128xf32, #tpu.memory_space<vmem>> -> memref<1x8x128xf32, #tpu.memory_space<vmem>>
    %dma_wait3A_1237 = tpu.memref_squeeze %dma_wait3A_1236 : memref<1x8x128xf32, #tpu.memory_space<vmem>> -> memref<8x128xf32, #tpu.memory_space<vmem>>
    %dma_wait3A_1238 = tpu.memref_slice %arg2[%multiple_of3A_193, %multiple_of3A_190] : memref<1024x100000xf32, #tpu.memory_space<hbm>> -> memref<8x128xf32, #tpu.memory_space<hbm>>
    %dma_wait3A_1239 = arith.constant 0 : i32
    %dma_wait3A_1240 = arith.constant 0 : i32
    %dma_wait3A_1241 = tpu.memref_slice %arg7[%dma_wait3A_1233, %dma_wait3A_1239, %dma_wait3A_1240] : memref<64x8x128xf32, #tpu.memory_space<vmem>> -> memref<1x8x128xf32, #tpu.memory_space<vmem>>
    %dma_wait3A_1242 = tpu.memref_squeeze %dma_wait3A_1241 : memref<1x8x128xf32, #tpu.memory_space<vmem>> -> memref<8x128xf32, #tpu.memory_space<vmem>>
    %dma_wait3A_1243 = tpu.memref_slice %arg2[%multiple_of3A_193, %multiple_of3A_190] : memref<1024x100000xf32, #tpu.memory_space<hbm>> -> memref<8x128xf32, #tpu.memory_space<hbm>>
    tpu.wait_dma2 semaphore(%arg10 : memref<!tpu.dma_semaphore, #tpu.memory_space<semaphore_mem>>) src(%dma_wait3A_1243 : memref<8x128xf32, #tpu.memory_space<hbm>>) dst(%dma_wait3A_1242 : memref<8x128xf32, #tpu.memory_space<vmem>>)
    %dma_wait3A_1244 = arith.constant 12 : i32
    %dma_wait3A_1245 = arith.constant 0 : i32
    %dma_wait3A_1246 = arith.constant 0 : i32
    %dma_wait3A_1247 = tpu.memref_slice %arg7[%dma_wait3A_1244, %dma_wait3A_1245, %dma_wait3A_1246] : memref<64x8x128xf32, #tpu.memory_space<vmem>> -> memref<1x8x128xf32, #tpu.memory_space<vmem>>
    %dma_wait3A_1248 = tpu.memref_squeeze %dma_wait3A_1247 : memref<1x8x128xf32, #tpu.memory_space<vmem>> -> memref<8x128xf32, #tpu.memory_space<vmem>>
    %dma_wait3A_1249 = tpu.memref_slice %arg2[%multiple_of3A_210, %multiple_of3A_207] : memref<1024x100000xf32, #tpu.memory_space<hbm>> -> memref<8x128xf32, #tpu.memory_space<hbm>>
    %dma_wait3A_1250 = arith.constant 0 : i32
    %dma_wait3A_1251 = arith.constant 0 : i32
    %dma_wait3A_1252 = tpu.memref_slice %arg7[%dma_wait3A_1244, %dma_wait3A_1250, %dma_wait3A_1251] : memref<64x8x128xf32, #tpu.memory_space<vmem>> -> memref<1x8x128xf32, #tpu.memory_space<vmem>>
    %dma_wait3A_1253 = tpu.memref_squeeze %dma_wait3A_1252 : memref<1x8x128xf32, #tpu.memory_space<vmem>> -> memref<8x128xf32, #tpu.memory_space<vmem>>
    %dma_wait3A_1254 = tpu.memref_slice %arg2[%multiple_of3A_210, %multiple_of3A_207] : memref<1024x100000xf32, #tpu.memory_space<hbm>> -> memref<8x128xf32, #tpu.memory_space<hbm>>
    tpu.wait_dma2 semaphore(%arg10 : memref<!tpu.dma_semaphore, #tpu.memory_space<semaphore_mem>>) src(%dma_wait3A_1254 : memref<8x128xf32, #tpu.memory_space<hbm>>) dst(%dma_wait3A_1253 : memref<8x128xf32, #tpu.memory_space<vmem>>)
    %dma_wait3A_1255 = arith.constant 13 : i32
    %dma_wait3A_1256 = arith.constant 0 : i32
    %dma_wait3A_1257 = arith.constant 0 : i32
    %dma_wait3A_1258 = tpu.memref_slice %arg7[%dma_wait3A_1255, %dma_wait3A_1256, %dma_wait3A_1257] : memref<64x8x128xf32, #tpu.memory_space<vmem>> -> memref<1x8x128xf32, #tpu.memory_space<vmem>>
    %dma_wait3A_1259 = tpu.memref_squeeze %dma_wait3A_1258 : memref<1x8x128xf32, #tpu.memory_space<vmem>> -> memref<8x128xf32, #tpu.memory_space<vmem>>
    %dma_wait3A_1260 = tpu.memref_slice %arg2[%multiple_of3A_227, %multiple_of3A_224] : memref<1024x100000xf32, #tpu.memory_space<hbm>> -> memref<8x128xf32, #tpu.memory_space<hbm>>
    %dma_wait3A_1261 = arith.constant 0 : i32
    %dma_wait3A_1262 = arith.constant 0 : i32
    %dma_wait3A_1263 = tpu.memref_slice %arg7[%dma_wait3A_1255, %dma_wait3A_1261, %dma_wait3A_1262] : memref<64x8x128xf32, #tpu.memory_space<vmem>> -> memref<1x8x128xf32, #tpu.memory_space<vmem>>
    %dma_wait3A_1264 = tpu.memref_squeeze %dma_wait3A_1263 : memref<1x8x128xf32, #tpu.memory_space<vmem>> -> memref<8x128xf32, #tpu.memory_space<vmem>>
    %dma_wait3A_1265 = tpu.memref_slice %arg2[%multiple_of3A_227, %multiple_of3A_224] : memref<1024x100000xf32, #tpu.memory_space<hbm>> -> memref<8x128xf32, #tpu.memory_space<hbm>>
    tpu.wait_dma2 semaphore(%arg10 : memref<!tpu.dma_semaphore, #tpu.memory_space<semaphore_mem>>) src(%dma_wait3A_1265 : memref<8x128xf32, #tpu.memory_space<hbm>>) dst(%dma_wait3A_1264 : memref<8x128xf32, #tpu.memory_space<vmem>>)
    %dma_wait3A_1266 = arith.constant 14 : i32
    %dma_wait3A_1267 = arith.constant 0 : i32
    %dma_wait3A_1268 = arith.constant 0 : i32
    %dma_wait3A_1269 = tpu.memref_slice %arg7[%dma_wait3A_1266, %dma_wait3A_1267, %dma_wait3A_1268] : memref<64x8x128xf32, #tpu.memory_space<vmem>> -> memref<1x8x128xf32, #tpu.memory_space<vmem>>
    %dma_wait3A_1270 = tpu.memref_squeeze %dma_wait3A_1269 : memref<1x8x128xf32, #tpu.memory_space<vmem>> -> memref<8x128xf32, #tpu.memory_space<vmem>>
    %dma_wait3A_1271 = tpu.memref_slice %arg2[%multiple_of3A_244, %multiple_of3A_241] : memref<1024x100000xf32, #tpu.memory_space<hbm>> -> memref<8x128xf32, #tpu.memory_space<hbm>>
    %dma_wait3A_1272 = arith.constant 0 : i32
    %dma_wait3A_1273 = arith.constant 0 : i32
    %dma_wait3A_1274 = tpu.memref_slice %arg7[%dma_wait3A_1266, %dma_wait3A_1272, %dma_wait3A_1273] : memref<64x8x128xf32, #tpu.memory_space<vmem>> -> memref<1x8x128xf32, #tpu.memory_space<vmem>>
    %dma_wait3A_1275 = tpu.memref_squeeze %dma_wait3A_1274 : memref<1x8x128xf32, #tpu.memory_space<vmem>> -> memref<8x128xf32, #tpu.memory_space<vmem>>
    %dma_wait3A_1276 = tpu.memref_slice %arg2[%multiple_of3A_244, %multiple_of3A_241] : memref<1024x100000xf32, #tpu.memory_space<hbm>> -> memref<8x128xf32, #tpu.memory_space<hbm>>
    tpu.wait_dma2 semaphore(%arg10 : memref<!tpu.dma_semaphore, #tpu.memory_space<semaphore_mem>>) src(%dma_wait3A_1276 : memref<8x128xf32, #tpu.memory_space<hbm>>) dst(%dma_wait3A_1275 : memref<8x128xf32, #tpu.memory_space<vmem>>)
    %dma_wait3A_1277 = arith.constant 15 : i32
    %dma_wait3A_1278 = arith.constant 0 : i32
    %dma_wait3A_1279 = arith.constant 0 : i32
    %dma_wait3A_1280 = tpu.memref_slice %arg7[%dma_wait3A_1277, %dma_wait3A_1278, %dma_wait3A_1279] : memref<64x8x128xf32, #tpu.memory_space<vmem>> -> memref<1x8x128xf32, #tpu.memory_space<vmem>>
    %dma_wait3A_1281 = tpu.memref_squeeze %dma_wait3A_1280 : memref<1x8x128xf32, #tpu.memory_space<vmem>> -> memref<8x128xf32, #tpu.memory_space<vmem>>
    %dma_wait3A_1282 = tpu.memref_slice %arg2[%multiple_of3A_261, %multiple_of3A_258] : memref<1024x100000xf32, #tpu.memory_space<hbm>> -> memref<8x128xf32, #tpu.memory_space<hbm>>
    %dma_wait3A_1283 = arith.constant 0 : i32
    %dma_wait3A_1284 = arith.constant 0 : i32
    %dma_wait3A_1285 = tpu.memref_slice %arg7[%dma_wait3A_1277, %dma_wait3A_1283, %dma_wait3A_1284] : memref<64x8x128xf32, #tpu.memory_space<vmem>> -> memref<1x8x128xf32, #tpu.memory_space<vmem>>
    %dma_wait3A_1286 = tpu.memref_squeeze %dma_wait3A_1285 : memref<1x8x128xf32, #tpu.memory_space<vmem>> -> memref<8x128xf32, #tpu.memory_space<vmem>>
    %dma_wait3A_1287 = tpu.memref_slice %arg2[%multiple_of3A_261, %multiple_of3A_258] : memref<1024x100000xf32, #tpu.memory_space<hbm>> -> memref<8x128xf32, #tpu.memory_space<hbm>>
    tpu.wait_dma2 semaphore(%arg10 : memref<!tpu.dma_semaphore, #tpu.memory_space<semaphore_mem>>) src(%dma_wait3A_1287 : memref<8x128xf32, #tpu.memory_space<hbm>>) dst(%dma_wait3A_1286 : memref<8x128xf32, #tpu.memory_space<vmem>>)
    %dma_wait3A_1288 = arith.constant 16 : i32
    %dma_wait3A_1289 = arith.constant 0 : i32
    %dma_wait3A_1290 = arith.constant 0 : i32
    %dma_wait3A_1291 = tpu.memref_slice %arg7[%dma_wait3A_1288, %dma_wait3A_1289, %dma_wait3A_1290] : memref<64x8x128xf32, #tpu.memory_space<vmem>> -> memref<1x8x128xf32, #tpu.memory_space<vmem>>
    %dma_wait3A_1292 = tpu.memref_squeeze %dma_wait3A_1291 : memref<1x8x128xf32, #tpu.memory_space<vmem>> -> memref<8x128xf32, #tpu.memory_space<vmem>>
    %dma_wait3A_1293 = tpu.memref_slice %arg2[%multiple_of3A_286, %multiple_of3A_283] : memref<1024x100000xf32, #tpu.memory_space<hbm>> -> memref<8x128xf32, #tpu.memory_space<hbm>>
    %dma_wait3A_1294 = arith.constant 0 : i32
    %dma_wait3A_1295 = arith.constant 0 : i32
    %dma_wait3A_1296 = tpu.memref_slice %arg7[%dma_wait3A_1288, %dma_wait3A_1294, %dma_wait3A_1295] : memref<64x8x128xf32, #tpu.memory_space<vmem>> -> memref<1x8x128xf32, #tpu.memory_space<vmem>>
    %dma_wait3A_1297 = tpu.memref_squeeze %dma_wait3A_1296 : memref<1x8x128xf32, #tpu.memory_space<vmem>> -> memref<8x128xf32, #tpu.memory_space<vmem>>
    %dma_wait3A_1298 = tpu.memref_slice %arg2[%multiple_of3A_286, %multiple_of3A_283] : memref<1024x100000xf32, #tpu.memory_space<hbm>> -> memref<8x128xf32, #tpu.memory_space<hbm>>
    tpu.wait_dma2 semaphore(%arg10 : memref<!tpu.dma_semaphore, #tpu.memory_space<semaphore_mem>>) src(%dma_wait3A_1298 : memref<8x128xf32, #tpu.memory_space<hbm>>) dst(%dma_wait3A_1297 : memref<8x128xf32, #tpu.memory_space<vmem>>)
    %dma_wait3A_1299 = arith.constant 17 : i32
    %dma_wait3A_1300 = arith.constant 0 : i32
    %dma_wait3A_1301 = arith.constant 0 : i32
    %dma_wait3A_1302 = tpu.memref_slice %arg7[%dma_wait3A_1299, %dma_wait3A_1300, %dma_wait3A_1301] : memref<64x8x128xf32, #tpu.memory_space<vmem>> -> memref<1x8x128xf32, #tpu.memory_space<vmem>>
    %dma_wait3A_1303 = tpu.memref_squeeze %dma_wait3A_1302 : memref<1x8x128xf32, #tpu.memory_space<vmem>> -> memref<8x128xf32, #tpu.memory_space<vmem>>
    %dma_wait3A_1304 = tpu.memref_slice %arg2[%multiple_of3A_303, %multiple_of3A_300] : memref<1024x100000xf32, #tpu.memory_space<hbm>> -> memref<8x128xf32, #tpu.memory_space<hbm>>
    %dma_wait3A_1305 = arith.constant 0 : i32
    %dma_wait3A_1306 = arith.constant 0 : i32
    %dma_wait3A_1307 = tpu.memref_slice %arg7[%dma_wait3A_1299, %dma_wait3A_1305, %dma_wait3A_1306] : memref<64x8x128xf32, #tpu.memory_space<vmem>> -> memref<1x8x128xf32, #tpu.memory_space<vmem>>
    %dma_wait3A_1308 = tpu.memref_squeeze %dma_wait3A_1307 : memref<1x8x128xf32, #tpu.memory_space<vmem>> -> memref<8x128xf32, #tpu.memory_space<vmem>>
    %dma_wait3A_1309 = tpu.memref_slice %arg2[%multiple_of3A_303, %multiple_of3A_300] : memref<1024x100000xf32, #tpu.memory_space<hbm>> -> memref<8x128xf32, #tpu.memory_space<hbm>>
    tpu.wait_dma2 semaphore(%arg10 : memref<!tpu.dma_semaphore, #tpu.memory_space<semaphore_mem>>) src(%dma_wait3A_1309 : memref<8x128xf32, #tpu.memory_space<hbm>>) dst(%dma_wait3A_1308 : memref<8x128xf32, #tpu.memory_space<vmem>>)
    %dma_wait3A_1310 = arith.constant 18 : i32
    %dma_wait3A_1311 = arith.constant 0 : i32
    %dma_wait3A_1312 = arith.constant 0 : i32
    %dma_wait3A_1313 = tpu.memref_slice %arg7[%dma_wait3A_1310, %dma_wait3A_1311, %dma_wait3A_1312] : memref<64x8x128xf32, #tpu.memory_space<vmem>> -> memref<1x8x128xf32, #tpu.memory_space<vmem>>
    %dma_wait3A_1314 = tpu.memref_squeeze %dma_wait3A_1313 : memref<1x8x128xf32, #tpu.memory_space<vmem>> -> memref<8x128xf32, #tpu.memory_space<vmem>>
    %dma_wait3A_1315 = tpu.memref_slice %arg2[%multiple_of3A_320, %multiple_of3A_317] : memref<1024x100000xf32, #tpu.memory_space<hbm>> -> memref<8x128xf32, #tpu.memory_space<hbm>>
    %dma_wait3A_1316 = arith.constant 0 : i32
    %dma_wait3A_1317 = arith.constant 0 : i32
    %dma_wait3A_1318 = tpu.memref_slice %arg7[%dma_wait3A_1310, %dma_wait3A_1316, %dma_wait3A_1317] : memref<64x8x128xf32, #tpu.memory_space<vmem>> -> memref<1x8x128xf32, #tpu.memory_space<vmem>>
    %dma_wait3A_1319 = tpu.memref_squeeze %dma_wait3A_1318 : memref<1x8x128xf32, #tpu.memory_space<vmem>> -> memref<8x128xf32, #tpu.memory_space<vmem>>
    %dma_wait3A_1320 = tpu.memref_slice %arg2[%multiple_of3A_320, %multiple_of3A_317] : memref<1024x100000xf32, #tpu.memory_space<hbm>> -> memref<8x128xf32, #tpu.memory_space<hbm>>
    tpu.wait_dma2 semaphore(%arg10 : memref<!tpu.dma_semaphore, #tpu.memory_space<semaphore_mem>>) src(%dma_wait3A_1320 : memref<8x128xf32, #tpu.memory_space<hbm>>) dst(%dma_wait3A_1319 : memref<8x128xf32, #tpu.memory_space<vmem>>)
    %dma_wait3A_1321 = arith.constant 19 : i32
    %dma_wait3A_1322 = arith.constant 0 : i32
    %dma_wait3A_1323 = arith.constant 0 : i32
    %dma_wait3A_1324 = tpu.memref_slice %arg7[%dma_wait3A_1321, %dma_wait3A_1322, %dma_wait3A_1323] : memref<64x8x128xf32, #tpu.memory_space<vmem>> -> memref<1x8x128xf32, #tpu.memory_space<vmem>>
    %dma_wait3A_1325 = tpu.memref_squeeze %dma_wait3A_1324 : memref<1x8x128xf32, #tpu.memory_space<vmem>> -> memref<8x128xf32, #tpu.memory_space<vmem>>
    %dma_wait3A_1326 = tpu.memref_slice %arg2[%multiple_of3A_337, %multiple_of3A_334] : memref<1024x100000xf32, #tpu.memory_space<hbm>> -> memref<8x128xf32, #tpu.memory_space<hbm>>
    %dma_wait3A_1327 = arith.constant 0 : i32
    %dma_wait3A_1328 = arith.constant 0 : i32
    %dma_wait3A_1329 = tpu.memref_slice %arg7[%dma_wait3A_1321, %dma_wait3A_1327, %dma_wait3A_1328] : memref<64x8x128xf32, #tpu.memory_space<vmem>> -> memref<1x8x128xf32, #tpu.memory_space<vmem>>
    %dma_wait3A_1330 = tpu.memref_squeeze %dma_wait3A_1329 : memref<1x8x128xf32, #tpu.memory_space<vmem>> -> memref<8x128xf32, #tpu.memory_space<vmem>>
    %dma_wait3A_1331 = tpu.memref_slice %arg2[%multiple_of3A_337, %multiple_of3A_334] : memref<1024x100000xf32, #tpu.memory_space<hbm>> -> memref<8x128xf32, #tpu.memory_space<hbm>>
    tpu.wait_dma2 semaphore(%arg10 : memref<!tpu.dma_semaphore, #tpu.memory_space<semaphore_mem>>) src(%dma_wait3A_1331 : memref<8x128xf32, #tpu.memory_space<hbm>>) dst(%dma_wait3A_1330 : memref<8x128xf32, #tpu.memory_space<vmem>>)
    %dma_wait3A_1332 = arith.constant 20 : i32
    %dma_wait3A_1333 = arith.constant 0 : i32
    %dma_wait3A_1334 = arith.constant 0 : i32
    %dma_wait3A_1335 = tpu.memref_slice %arg7[%dma_wait3A_1332, %dma_wait3A_1333, %dma_wait3A_1334] : memref<64x8x128xf32, #tpu.memory_space<vmem>> -> memref<1x8x128xf32, #tpu.memory_space<vmem>>
    %dma_wait3A_1336 = tpu.memref_squeeze %dma_wait3A_1335 : memref<1x8x128xf32, #tpu.memory_space<vmem>> -> memref<8x128xf32, #tpu.memory_space<vmem>>
    %dma_wait3A_1337 = tpu.memref_slice %arg2[%multiple_of3A_354, %multiple_of3A_351] : memref<1024x100000xf32, #tpu.memory_space<hbm>> -> memref<8x128xf32, #tpu.memory_space<hbm>>
    %dma_wait3A_1338 = arith.constant 0 : i32
    %dma_wait3A_1339 = arith.constant 0 : i32
    %dma_wait3A_1340 = tpu.memref_slice %arg7[%dma_wait3A_1332, %dma_wait3A_1338, %dma_wait3A_1339] : memref<64x8x128xf32, #tpu.memory_space<vmem>> -> memref<1x8x128xf32, #tpu.memory_space<vmem>>
    %dma_wait3A_1341 = tpu.memref_squeeze %dma_wait3A_1340 : memref<1x8x128xf32, #tpu.memory_space<vmem>> -> memref<8x128xf32, #tpu.memory_space<vmem>>
    %dma_wait3A_1342 = tpu.memref_slice %arg2[%multiple_of3A_354, %multiple_of3A_351] : memref<1024x100000xf32, #tpu.memory_space<hbm>> -> memref<8x128xf32, #tpu.memory_space<hbm>>
    tpu.wait_dma2 semaphore(%arg10 : memref<!tpu.dma_semaphore, #tpu.memory_space<semaphore_mem>>) src(%dma_wait3A_1342 : memref<8x128xf32, #tpu.memory_space<hbm>>) dst(%dma_wait3A_1341 : memref<8x128xf32, #tpu.memory_space<vmem>>)
    %dma_wait3A_1343 = arith.constant 21 : i32
    %dma_wait3A_1344 = arith.constant 0 : i32
    %dma_wait3A_1345 = arith.constant 0 : i32
    %dma_wait3A_1346 = tpu.memref_slice %arg7[%dma_wait3A_1343, %dma_wait3A_1344, %dma_wait3A_1345] : memref<64x8x128xf32, #tpu.memory_space<vmem>> -> memref<1x8x128xf32, #tpu.memory_space<vmem>>
    %dma_wait3A_1347 = tpu.memref_squeeze %dma_wait3A_1346 : memref<1x8x128xf32, #tpu.memory_space<vmem>> -> memref<8x128xf32, #tpu.memory_space<vmem>>
    %dma_wait3A_1348 = tpu.memref_slice %arg2[%multiple_of3A_371, %multiple_of3A_368] : memref<1024x100000xf32, #tpu.memory_space<hbm>> -> memref<8x128xf32, #tpu.memory_space<hbm>>
    %dma_wait3A_1349 = arith.constant 0 : i32
    %dma_wait3A_1350 = arith.constant 0 : i32
    %dma_wait3A_1351 = tpu.memref_slice %arg7[%dma_wait3A_1343, %dma_wait3A_1349, %dma_wait3A_1350] : memref<64x8x128xf32, #tpu.memory_space<vmem>> -> memref<1x8x128xf32, #tpu.memory_space<vmem>>
    %dma_wait3A_1352 = tpu.memref_squeeze %dma_wait3A_1351 : memref<1x8x128xf32, #tpu.memory_space<vmem>> -> memref<8x128xf32, #tpu.memory_space<vmem>>
    %dma_wait3A_1353 = tpu.memref_slice %arg2[%multiple_of3A_371, %multiple_of3A_368] : memref<1024x100000xf32, #tpu.memory_space<hbm>> -> memref<8x128xf32, #tpu.memory_space<hbm>>
    tpu.wait_dma2 semaphore(%arg10 : memref<!tpu.dma_semaphore, #tpu.memory_space<semaphore_mem>>) src(%dma_wait3A_1353 : memref<8x128xf32, #tpu.memory_space<hbm>>) dst(%dma_wait3A_1352 : memref<8x128xf32, #tpu.memory_space<vmem>>)
    %dma_wait3A_1354 = arith.constant 22 : i32
    %dma_wait3A_1355 = arith.constant 0 : i32
    %dma_wait3A_1356 = arith.constant 0 : i32
    %dma_wait3A_1357 = tpu.memref_slice %arg7[%dma_wait3A_1354, %dma_wait3A_1355, %dma_wait3A_1356] : memref<64x8x128xf32, #tpu.memory_space<vmem>> -> memref<1x8x128xf32, #tpu.memory_space<vmem>>
    %dma_wait3A_1358 = tpu.memref_squeeze %dma_wait3A_1357 : memref<1x8x128xf32, #tpu.memory_space<vmem>> -> memref<8x128xf32, #tpu.memory_space<vmem>>
    %dma_wait3A_1359 = tpu.memref_slice %arg2[%multiple_of3A_388, %multiple_of3A_385] : memref<1024x100000xf32, #tpu.memory_space<hbm>> -> memref<8x128xf32, #tpu.memory_space<hbm>>
    %dma_wait3A_1360 = arith.constant 0 : i32
    %dma_wait3A_1361 = arith.constant 0 : i32
    %dma_wait3A_1362 = tpu.memref_slice %arg7[%dma_wait3A_1354, %dma_wait3A_1360, %dma_wait3A_1361] : memref<64x8x128xf32, #tpu.memory_space<vmem>> -> memref<1x8x128xf32, #tpu.memory_space<vmem>>
    %dma_wait3A_1363 = tpu.memref_squeeze %dma_wait3A_1362 : memref<1x8x128xf32, #tpu.memory_space<vmem>> -> memref<8x128xf32, #tpu.memory_space<vmem>>
    %dma_wait3A_1364 = tpu.memref_slice %arg2[%multiple_of3A_388, %multiple_of3A_385] : memref<1024x100000xf32, #tpu.memory_space<hbm>> -> memref<8x128xf32, #tpu.memory_space<hbm>>
    tpu.wait_dma2 semaphore(%arg10 : memref<!tpu.dma_semaphore, #tpu.memory_space<semaphore_mem>>) src(%dma_wait3A_1364 : memref<8x128xf32, #tpu.memory_space<hbm>>) dst(%dma_wait3A_1363 : memref<8x128xf32, #tpu.memory_space<vmem>>)
    %dma_wait3A_1365 = arith.constant 23 : i32
    %dma_wait3A_1366 = arith.constant 0 : i32
    %dma_wait3A_1367 = arith.constant 0 : i32
    %dma_wait3A_1368 = tpu.memref_slice %arg7[%dma_wait3A_1365, %dma_wait3A_1366, %dma_wait3A_1367] : memref<64x8x128xf32, #tpu.memory_space<vmem>> -> memref<1x8x128xf32, #tpu.memory_space<vmem>>
    %dma_wait3A_1369 = tpu.memref_squeeze %dma_wait3A_1368 : memref<1x8x128xf32, #tpu.memory_space<vmem>> -> memref<8x128xf32, #tpu.memory_space<vmem>>
    %dma_wait3A_1370 = tpu.memref_slice %arg2[%multiple_of3A_405, %multiple_of3A_402] : memref<1024x100000xf32, #tpu.memory_space<hbm>> -> memref<8x128xf32, #tpu.memory_space<hbm>>
    %dma_wait3A_1371 = arith.constant 0 : i32
    %dma_wait3A_1372 = arith.constant 0 : i32
    %dma_wait3A_1373 = tpu.memref_slice %arg7[%dma_wait3A_1365, %dma_wait3A_1371, %dma_wait3A_1372] : memref<64x8x128xf32, #tpu.memory_space<vmem>> -> memref<1x8x128xf32, #tpu.memory_space<vmem>>
    %dma_wait3A_1374 = tpu.memref_squeeze %dma_wait3A_1373 : memref<1x8x128xf32, #tpu.memory_space<vmem>> -> memref<8x128xf32, #tpu.memory_space<vmem>>
    %dma_wait3A_1375 = tpu.memref_slice %arg2[%multiple_of3A_405, %multiple_of3A_402] : memref<1024x100000xf32, #tpu.memory_space<hbm>> -> memref<8x128xf32, #tpu.memory_space<hbm>>
    tpu.wait_dma2 semaphore(%arg10 : memref<!tpu.dma_semaphore, #tpu.memory_space<semaphore_mem>>) src(%dma_wait3A_1375 : memref<8x128xf32, #tpu.memory_space<hbm>>) dst(%dma_wait3A_1374 : memref<8x128xf32, #tpu.memory_space<vmem>>)
    %dma_wait3A_1376 = arith.constant 24 : i32
    %dma_wait3A_1377 = arith.constant 0 : i32
    %dma_wait3A_1378 = arith.constant 0 : i32
    %dma_wait3A_1379 = tpu.memref_slice %arg7[%dma_wait3A_1376, %dma_wait3A_1377, %dma_wait3A_1378] : memref<64x8x128xf32, #tpu.memory_space<vmem>> -> memref<1x8x128xf32, #tpu.memory_space<vmem>>
    %dma_wait3A_1380 = tpu.memref_squeeze %dma_wait3A_1379 : memref<1x8x128xf32, #tpu.memory_space<vmem>> -> memref<8x128xf32, #tpu.memory_space<vmem>>
    %dma_wait3A_1381 = tpu.memref_slice %arg2[%multiple_of3A_422, %multiple_of3A_419] : memref<1024x100000xf32, #tpu.memory_space<hbm>> -> memref<8x128xf32, #tpu.memory_space<hbm>>
    %dma_wait3A_1382 = arith.constant 0 : i32
    %dma_wait3A_1383 = arith.constant 0 : i32
    %dma_wait3A_1384 = tpu.memref_slice %arg7[%dma_wait3A_1376, %dma_wait3A_1382, %dma_wait3A_1383] : memref<64x8x128xf32, #tpu.memory_space<vmem>> -> memref<1x8x128xf32, #tpu.memory_space<vmem>>
    %dma_wait3A_1385 = tpu.memref_squeeze %dma_wait3A_1384 : memref<1x8x128xf32, #tpu.memory_space<vmem>> -> memref<8x128xf32, #tpu.memory_space<vmem>>
    %dma_wait3A_1386 = tpu.memref_slice %arg2[%multiple_of3A_422, %multiple_of3A_419] : memref<1024x100000xf32, #tpu.memory_space<hbm>> -> memref<8x128xf32, #tpu.memory_space<hbm>>
    tpu.wait_dma2 semaphore(%arg10 : memref<!tpu.dma_semaphore, #tpu.memory_space<semaphore_mem>>) src(%dma_wait3A_1386 : memref<8x128xf32, #tpu.memory_space<hbm>>) dst(%dma_wait3A_1385 : memref<8x128xf32, #tpu.memory_space<vmem>>)
    %dma_wait3A_1387 = arith.constant 25 : i32
    %dma_wait3A_1388 = arith.constant 0 : i32
    %dma_wait3A_1389 = arith.constant 0 : i32
    %dma_wait3A_1390 = tpu.memref_slice %arg7[%dma_wait3A_1387, %dma_wait3A_1388, %dma_wait3A_1389] : memref<64x8x128xf32, #tpu.memory_space<vmem>> -> memref<1x8x128xf32, #tpu.memory_space<vmem>>
    %dma_wait3A_1391 = tpu.memref_squeeze %dma_wait3A_1390 : memref<1x8x128xf32, #tpu.memory_space<vmem>> -> memref<8x128xf32, #tpu.memory_space<vmem>>
    %dma_wait3A_1392 = tpu.memref_slice %arg2[%multiple_of3A_439, %multiple_of3A_436] : memref<1024x100000xf32, #tpu.memory_space<hbm>> -> memref<8x128xf32, #tpu.memory_space<hbm>>
    %dma_wait3A_1393 = arith.constant 0 : i32
    %dma_wait3A_1394 = arith.constant 0 : i32
    %dma_wait3A_1395 = tpu.memref_slice %arg7[%dma_wait3A_1387, %dma_wait3A_1393, %dma_wait3A_1394] : memref<64x8x128xf32, #tpu.memory_space<vmem>> -> memref<1x8x128xf32, #tpu.memory_space<vmem>>
    %dma_wait3A_1396 = tpu.memref_squeeze %dma_wait3A_1395 : memref<1x8x128xf32, #tpu.memory_space<vmem>> -> memref<8x128xf32, #tpu.memory_space<vmem>>
    %dma_wait3A_1397 = tpu.memref_slice %arg2[%multiple_of3A_439, %multiple_of3A_436] : memref<1024x100000xf32, #tpu.memory_space<hbm>> -> memref<8x128xf32, #tpu.memory_space<hbm>>
    tpu.wait_dma2 semaphore(%arg10 : memref<!tpu.dma_semaphore, #tpu.memory_space<semaphore_mem>>) src(%dma_wait3A_1397 : memref<8x128xf32, #tpu.memory_space<hbm>>) dst(%dma_wait3A_1396 : memref<8x128xf32, #tpu.memory_space<vmem>>)
    %dma_wait3A_1398 = arith.constant 26 : i32
    %dma_wait3A_1399 = arith.constant 0 : i32
    %dma_wait3A_1400 = arith.constant 0 : i32
    %dma_wait3A_1401 = tpu.memref_slice %arg7[%dma_wait3A_1398, %dma_wait3A_1399, %dma_wait3A_1400] : memref<64x8x128xf32, #tpu.memory_space<vmem>> -> memref<1x8x128xf32, #tpu.memory_space<vmem>>
    %dma_wait3A_1402 = tpu.memref_squeeze %dma_wait3A_1401 : memref<1x8x128xf32, #tpu.memory_space<vmem>> -> memref<8x128xf32, #tpu.memory_space<vmem>>
    %dma_wait3A_1403 = tpu.memref_slice %arg2[%multiple_of3A_456, %multiple_of3A_453] : memref<1024x100000xf32, #tpu.memory_space<hbm>> -> memref<8x128xf32, #tpu.memory_space<hbm>>
    %dma_wait3A_1404 = arith.constant 0 : i32
    %dma_wait3A_1405 = arith.constant 0 : i32
    %dma_wait3A_1406 = tpu.memref_slice %arg7[%dma_wait3A_1398, %dma_wait3A_1404, %dma_wait3A_1405] : memref<64x8x128xf32, #tpu.memory_space<vmem>> -> memref<1x8x128xf32, #tpu.memory_space<vmem>>
    %dma_wait3A_1407 = tpu.memref_squeeze %dma_wait3A_1406 : memref<1x8x128xf32, #tpu.memory_space<vmem>> -> memref<8x128xf32, #tpu.memory_space<vmem>>
    %dma_wait3A_1408 = tpu.memref_slice %arg2[%multiple_of3A_456, %multiple_of3A_453] : memref<1024x100000xf32, #tpu.memory_space<hbm>> -> memref<8x128xf32, #tpu.memory_space<hbm>>
    tpu.wait_dma2 semaphore(%arg10 : memref<!tpu.dma_semaphore, #tpu.memory_space<semaphore_mem>>) src(%dma_wait3A_1408 : memref<8x128xf32, #tpu.memory_space<hbm>>) dst(%dma_wait3A_1407 : memref<8x128xf32, #tpu.memory_space<vmem>>)
    %dma_wait3A_1409 = arith.constant 27 : i32
    %dma_wait3A_1410 = arith.constant 0 : i32
    %dma_wait3A_1411 = arith.constant 0 : i32
    %dma_wait3A_1412 = tpu.memref_slice %arg7[%dma_wait3A_1409, %dma_wait3A_1410, %dma_wait3A_1411] : memref<64x8x128xf32, #tpu.memory_space<vmem>> -> memref<1x8x128xf32, #tpu.memory_space<vmem>>
    %dma_wait3A_1413 = tpu.memref_squeeze %dma_wait3A_1412 : memref<1x8x128xf32, #tpu.memory_space<vmem>> -> memref<8x128xf32, #tpu.memory_space<vmem>>
    %dma_wait3A_1414 = tpu.memref_slice %arg2[%multiple_of3A_473, %multiple_of3A_470] : memref<1024x100000xf32, #tpu.memory_space<hbm>> -> memref<8x128xf32, #tpu.memory_space<hbm>>
    %dma_wait3A_1415 = arith.constant 0 : i32
    %dma_wait3A_1416 = arith.constant 0 : i32
    %dma_wait3A_1417 = tpu.memref_slice %arg7[%dma_wait3A_1409, %dma_wait3A_1415, %dma_wait3A_1416] : memref<64x8x128xf32, #tpu.memory_space<vmem>> -> memref<1x8x128xf32, #tpu.memory_space<vmem>>
    %dma_wait3A_1418 = tpu.memref_squeeze %dma_wait3A_1417 : memref<1x8x128xf32, #tpu.memory_space<vmem>> -> memref<8x128xf32, #tpu.memory_space<vmem>>
    %dma_wait3A_1419 = tpu.memref_slice %arg2[%multiple_of3A_473, %multiple_of3A_470] : memref<1024x100000xf32, #tpu.memory_space<hbm>> -> memref<8x128xf32, #tpu.memory_space<hbm>>
    tpu.wait_dma2 semaphore(%arg10 : memref<!tpu.dma_semaphore, #tpu.memory_space<semaphore_mem>>) src(%dma_wait3A_1419 : memref<8x128xf32, #tpu.memory_space<hbm>>) dst(%dma_wait3A_1418 : memref<8x128xf32, #tpu.memory_space<vmem>>)
    %dma_wait3A_1420 = arith.constant 28 : i32
    %dma_wait3A_1421 = arith.constant 0 : i32
    %dma_wait3A_1422 = arith.constant 0 : i32
    %dma_wait3A_1423 = tpu.memref_slice %arg7[%dma_wait3A_1420, %dma_wait3A_1421, %dma_wait3A_1422] : memref<64x8x128xf32, #tpu.memory_space<vmem>> -> memref<1x8x128xf32, #tpu.memory_space<vmem>>
    %dma_wait3A_1424 = tpu.memref_squeeze %dma_wait3A_1423 : memref<1x8x128xf32, #tpu.memory_space<vmem>> -> memref<8x128xf32, #tpu.memory_space<vmem>>
    %dma_wait3A_1425 = tpu.memref_slice %arg2[%multiple_of3A_490, %multiple_of3A_487] : memref<1024x100000xf32, #tpu.memory_space<hbm>> -> memref<8x128xf32, #tpu.memory_space<hbm>>
    %dma_wait3A_1426 = arith.constant 0 : i32
    %dma_wait3A_1427 = arith.constant 0 : i32
    %dma_wait3A_1428 = tpu.memref_slice %arg7[%dma_wait3A_1420, %dma_wait3A_1426, %dma_wait3A_1427] : memref<64x8x128xf32, #tpu.memory_space<vmem>> -> memref<1x8x128xf32, #tpu.memory_space<vmem>>
    %dma_wait3A_1429 = tpu.memref_squeeze %dma_wait3A_1428 : memref<1x8x128xf32, #tpu.memory_space<vmem>> -> memref<8x128xf32, #tpu.memory_space<vmem>>
    %dma_wait3A_1430 = tpu.memref_slice %arg2[%multiple_of3A_490, %multiple_of3A_487] : memref<1024x100000xf32, #tpu.memory_space<hbm>> -> memref<8x128xf32, #tpu.memory_space<hbm>>
    tpu.wait_dma2 semaphore(%arg10 : memref<!tpu.dma_semaphore, #tpu.memory_space<semaphore_mem>>) src(%dma_wait3A_1430 : memref<8x128xf32, #tpu.memory_space<hbm>>) dst(%dma_wait3A_1429 : memref<8x128xf32, #tpu.memory_space<vmem>>)
    %dma_wait3A_1431 = arith.constant 29 : i32
    %dma_wait3A_1432 = arith.constant 0 : i32
    %dma_wait3A_1433 = arith.constant 0 : i32
    %dma_wait3A_1434 = tpu.memref_slice %arg7[%dma_wait3A_1431, %dma_wait3A_1432, %dma_wait3A_1433] : memref<64x8x128xf32, #tpu.memory_space<vmem>> -> memref<1x8x128xf32, #tpu.memory_space<vmem>>
    %dma_wait3A_1435 = tpu.memref_squeeze %dma_wait3A_1434 : memref<1x8x128xf32, #tpu.memory_space<vmem>> -> memref<8x128xf32, #tpu.memory_space<vmem>>
    %dma_wait3A_1436 = tpu.memref_slice %arg2[%multiple_of3A_507, %multiple_of3A_504] : memref<1024x100000xf32, #tpu.memory_space<hbm>> -> memref<8x128xf32, #tpu.memory_space<hbm>>
    %dma_wait3A_1437 = arith.constant 0 : i32
    %dma_wait3A_1438 = arith.constant 0 : i32
    %dma_wait3A_1439 = tpu.memref_slice %arg7[%dma_wait3A_1431, %dma_wait3A_1437, %dma_wait3A_1438] : memref<64x8x128xf32, #tpu.memory_space<vmem>> -> memref<1x8x128xf32, #tpu.memory_space<vmem>>
    %dma_wait3A_1440 = tpu.memref_squeeze %dma_wait3A_1439 : memref<1x8x128xf32, #tpu.memory_space<vmem>> -> memref<8x128xf32, #tpu.memory_space<vmem>>
    %dma_wait3A_1441 = tpu.memref_slice %arg2[%multiple_of3A_507, %multiple_of3A_504] : memref<1024x100000xf32, #tpu.memory_space<hbm>> -> memref<8x128xf32, #tpu.memory_space<hbm>>
    tpu.wait_dma2 semaphore(%arg10 : memref<!tpu.dma_semaphore, #tpu.memory_space<semaphore_mem>>) src(%dma_wait3A_1441 : memref<8x128xf32, #tpu.memory_space<hbm>>) dst(%dma_wait3A_1440 : memref<8x128xf32, #tpu.memory_space<vmem>>)
    %dma_wait3A_1442 = arith.constant 30 : i32
    %dma_wait3A_1443 = arith.constant 0 : i32
    %dma_wait3A_1444 = arith.constant 0 : i32
    %dma_wait3A_1445 = tpu.memref_slice %arg7[%dma_wait3A_1442, %dma_wait3A_1443, %dma_wait3A_1444] : memref<64x8x128xf32, #tpu.memory_space<vmem>> -> memref<1x8x128xf32, #tpu.memory_space<vmem>>
    %dma_wait3A_1446 = tpu.memref_squeeze %dma_wait3A_1445 : memref<1x8x128xf32, #tpu.memory_space<vmem>> -> memref<8x128xf32, #tpu.memory_space<vmem>>
    %dma_wait3A_1447 = tpu.memref_slice %arg2[%multiple_of3A_524, %multiple_of3A_521] : memref<1024x100000xf32, #tpu.memory_space<hbm>> -> memref<8x128xf32, #tpu.memory_space<hbm>>
    %dma_wait3A_1448 = arith.constant 0 : i32
    %dma_wait3A_1449 = arith.constant 0 : i32
    %dma_wait3A_1450 = tpu.memref_slice %arg7[%dma_wait3A_1442, %dma_wait3A_1448, %dma_wait3A_1449] : memref<64x8x128xf32, #tpu.memory_space<vmem>> -> memref<1x8x128xf32, #tpu.memory_space<vmem>>
    %dma_wait3A_1451 = tpu.memref_squeeze %dma_wait3A_1450 : memref<1x8x128xf32, #tpu.memory_space<vmem>> -> memref<8x128xf32, #tpu.memory_space<vmem>>
    %dma_wait3A_1452 = tpu.memref_slice %arg2[%multiple_of3A_524, %multiple_of3A_521] : memref<1024x100000xf32, #tpu.memory_space<hbm>> -> memref<8x128xf32, #tpu.memory_space<hbm>>
    tpu.wait_dma2 semaphore(%arg10 : memref<!tpu.dma_semaphore, #tpu.memory_space<semaphore_mem>>) src(%dma_wait3A_1452 : memref<8x128xf32, #tpu.memory_space<hbm>>) dst(%dma_wait3A_1451 : memref<8x128xf32, #tpu.memory_space<vmem>>)
    %dma_wait3A_1453 = arith.constant 31 : i32
    %dma_wait3A_1454 = arith.constant 0 : i32
    %dma_wait3A_1455 = arith.constant 0 : i32
    %dma_wait3A_1456 = tpu.memref_slice %arg7[%dma_wait3A_1453, %dma_wait3A_1454, %dma_wait3A_1455] : memref<64x8x128xf32, #tpu.memory_space<vmem>> -> memref<1x8x128xf32, #tpu.memory_space<vmem>>
    %dma_wait3A_1457 = tpu.memref_squeeze %dma_wait3A_1456 : memref<1x8x128xf32, #tpu.memory_space<vmem>> -> memref<8x128xf32, #tpu.memory_space<vmem>>
    %dma_wait3A_1458 = tpu.memref_slice %arg2[%multiple_of3A_541, %multiple_of3A_538] : memref<1024x100000xf32, #tpu.memory_space<hbm>> -> memref<8x128xf32, #tpu.memory_space<hbm>>
    %dma_wait3A_1459 = arith.constant 0 : i32
    %dma_wait3A_1460 = arith.constant 0 : i32
    %dma_wait3A_1461 = tpu.memref_slice %arg7[%dma_wait3A_1453, %dma_wait3A_1459, %dma_wait3A_1460] : memref<64x8x128xf32, #tpu.memory_space<vmem>> -> memref<1x8x128xf32, #tpu.memory_space<vmem>>
    %dma_wait3A_1462 = tpu.memref_squeeze %dma_wait3A_1461 : memref<1x8x128xf32, #tpu.memory_space<vmem>> -> memref<8x128xf32, #tpu.memory_space<vmem>>
    %dma_wait3A_1463 = tpu.memref_slice %arg2[%multiple_of3A_541, %multiple_of3A_538] : memref<1024x100000xf32, #tpu.memory_space<hbm>> -> memref<8x128xf32, #tpu.memory_space<hbm>>
    tpu.wait_dma2 semaphore(%arg10 : memref<!tpu.dma_semaphore, #tpu.memory_space<semaphore_mem>>) src(%dma_wait3A_1463 : memref<8x128xf32, #tpu.memory_space<hbm>>) dst(%dma_wait3A_1462 : memref<8x128xf32, #tpu.memory_space<vmem>>)
    %dma_wait3A_1464 = arith.constant 32 : i32
    %dma_wait3A_1465 = arith.constant 0 : i32
    %dma_wait3A_1466 = arith.constant 0 : i32
    %dma_wait3A_1467 = tpu.memref_slice %arg7[%dma_wait3A_1464, %dma_wait3A_1465, %dma_wait3A_1466] : memref<64x8x128xf32, #tpu.memory_space<vmem>> -> memref<1x8x128xf32, #tpu.memory_space<vmem>>
    %dma_wait3A_1468 = tpu.memref_squeeze %dma_wait3A_1467 : memref<1x8x128xf32, #tpu.memory_space<vmem>> -> memref<8x128xf32, #tpu.memory_space<vmem>>
    %dma_wait3A_1469 = tpu.memref_slice %arg2[%multiple_of3A_566, %multiple_of3A_563] : memref<1024x100000xf32, #tpu.memory_space<hbm>> -> memref<8x128xf32, #tpu.memory_space<hbm>>
    %dma_wait3A_1470 = arith.constant 0 : i32
    %dma_wait3A_1471 = arith.constant 0 : i32
    %dma_wait3A_1472 = tpu.memref_slice %arg7[%dma_wait3A_1464, %dma_wait3A_1470, %dma_wait3A_1471] : memref<64x8x128xf32, #tpu.memory_space<vmem>> -> memref<1x8x128xf32, #tpu.memory_space<vmem>>
    %dma_wait3A_1473 = tpu.memref_squeeze %dma_wait3A_1472 : memref<1x8x128xf32, #tpu.memory_space<vmem>> -> memref<8x128xf32, #tpu.memory_space<vmem>>
    %dma_wait3A_1474 = tpu.memref_slice %arg2[%multiple_of3A_566, %multiple_of3A_563] : memref<1024x100000xf32, #tpu.memory_space<hbm>> -> memref<8x128xf32, #tpu.memory_space<hbm>>
    tpu.wait_dma2 semaphore(%arg10 : memref<!tpu.dma_semaphore, #tpu.memory_space<semaphore_mem>>) src(%dma_wait3A_1474 : memref<8x128xf32, #tpu.memory_space<hbm>>) dst(%dma_wait3A_1473 : memref<8x128xf32, #tpu.memory_space<vmem>>)
    %dma_wait3A_1475 = arith.constant 33 : i32
    %dma_wait3A_1476 = arith.constant 0 : i32
    %dma_wait3A_1477 = arith.constant 0 : i32
    %dma_wait3A_1478 = tpu.memref_slice %arg7[%dma_wait3A_1475, %dma_wait3A_1476, %dma_wait3A_1477] : memref<64x8x128xf32, #tpu.memory_space<vmem>> -> memref<1x8x128xf32, #tpu.memory_space<vmem>>
    %dma_wait3A_1479 = tpu.memref_squeeze %dma_wait3A_1478 : memref<1x8x128xf32, #tpu.memory_space<vmem>> -> memref<8x128xf32, #tpu.memory_space<vmem>>
    %dma_wait3A_1480 = tpu.memref_slice %arg2[%multiple_of3A_583, %multiple_of3A_580] : memref<1024x100000xf32, #tpu.memory_space<hbm>> -> memref<8x128xf32, #tpu.memory_space<hbm>>
    %dma_wait3A_1481 = arith.constant 0 : i32
    %dma_wait3A_1482 = arith.constant 0 : i32
    %dma_wait3A_1483 = tpu.memref_slice %arg7[%dma_wait3A_1475, %dma_wait3A_1481, %dma_wait3A_1482] : memref<64x8x128xf32, #tpu.memory_space<vmem>> -> memref<1x8x128xf32, #tpu.memory_space<vmem>>
    %dma_wait3A_1484 = tpu.memref_squeeze %dma_wait3A_1483 : memref<1x8x128xf32, #tpu.memory_space<vmem>> -> memref<8x128xf32, #tpu.memory_space<vmem>>
    %dma_wait3A_1485 = tpu.memref_slice %arg2[%multiple_of3A_583, %multiple_of3A_580] : memref<1024x100000xf32, #tpu.memory_space<hbm>> -> memref<8x128xf32, #tpu.memory_space<hbm>>
    tpu.wait_dma2 semaphore(%arg10 : memref<!tpu.dma_semaphore, #tpu.memory_space<semaphore_mem>>) src(%dma_wait3A_1485 : memref<8x128xf32, #tpu.memory_space<hbm>>) dst(%dma_wait3A_1484 : memref<8x128xf32, #tpu.memory_space<vmem>>)
    %dma_wait3A_1486 = arith.constant 34 : i32
    %dma_wait3A_1487 = arith.constant 0 : i32
    %dma_wait3A_1488 = arith.constant 0 : i32
    %dma_wait3A_1489 = tpu.memref_slice %arg7[%dma_wait3A_1486, %dma_wait3A_1487, %dma_wait3A_1488] : memref<64x8x128xf32, #tpu.memory_space<vmem>> -> memref<1x8x128xf32, #tpu.memory_space<vmem>>
    %dma_wait3A_1490 = tpu.memref_squeeze %dma_wait3A_1489 : memref<1x8x128xf32, #tpu.memory_space<vmem>> -> memref<8x128xf32, #tpu.memory_space<vmem>>
    %dma_wait3A_1491 = tpu.memref_slice %arg2[%multiple_of3A_600, %multiple_of3A_597] : memref<1024x100000xf32, #tpu.memory_space<hbm>> -> memref<8x128xf32, #tpu.memory_space<hbm>>
    %dma_wait3A_1492 = arith.constant 0 : i32
    %dma_wait3A_1493 = arith.constant 0 : i32
    %dma_wait3A_1494 = tpu.memref_slice %arg7[%dma_wait3A_1486, %dma_wait3A_1492, %dma_wait3A_1493] : memref<64x8x128xf32, #tpu.memory_space<vmem>> -> memref<1x8x128xf32, #tpu.memory_space<vmem>>
    %dma_wait3A_1495 = tpu.memref_squeeze %dma_wait3A_1494 : memref<1x8x128xf32, #tpu.memory_space<vmem>> -> memref<8x128xf32, #tpu.memory_space<vmem>>
    %dma_wait3A_1496 = tpu.memref_slice %arg2[%multiple_of3A_600, %multiple_of3A_597] : memref<1024x100000xf32, #tpu.memory_space<hbm>> -> memref<8x128xf32, #tpu.memory_space<hbm>>
    tpu.wait_dma2 semaphore(%arg10 : memref<!tpu.dma_semaphore, #tpu.memory_space<semaphore_mem>>) src(%dma_wait3A_1496 : memref<8x128xf32, #tpu.memory_space<hbm>>) dst(%dma_wait3A_1495 : memref<8x128xf32, #tpu.memory_space<vmem>>)
    %dma_wait3A_1497 = arith.constant 35 : i32
    %dma_wait3A_1498 = arith.constant 0 : i32
    %dma_wait3A_1499 = arith.constant 0 : i32
    %dma_wait3A_1500 = tpu.memref_slice %arg7[%dma_wait3A_1497, %dma_wait3A_1498, %dma_wait3A_1499] : memref<64x8x128xf32, #tpu.memory_space<vmem>> -> memref<1x8x128xf32, #tpu.memory_space<vmem>>
    %dma_wait3A_1501 = tpu.memref_squeeze %dma_wait3A_1500 : memref<1x8x128xf32, #tpu.memory_space<vmem>> -> memref<8x128xf32, #tpu.memory_space<vmem>>
    %dma_wait3A_1502 = tpu.memref_slice %arg2[%multiple_of3A_617, %multiple_of3A_614] : memref<1024x100000xf32, #tpu.memory_space<hbm>> -> memref<8x128xf32, #tpu.memory_space<hbm>>
    %dma_wait3A_1503 = arith.constant 0 : i32
    %dma_wait3A_1504 = arith.constant 0 : i32
    %dma_wait3A_1505 = tpu.memref_slice %arg7[%dma_wait3A_1497, %dma_wait3A_1503, %dma_wait3A_1504] : memref<64x8x128xf32, #tpu.memory_space<vmem>> -> memref<1x8x128xf32, #tpu.memory_space<vmem>>
    %dma_wait3A_1506 = tpu.memref_squeeze %dma_wait3A_1505 : memref<1x8x128xf32, #tpu.memory_space<vmem>> -> memref<8x128xf32, #tpu.memory_space<vmem>>
    %dma_wait3A_1507 = tpu.memref_slice %arg2[%multiple_of3A_617, %multiple_of3A_614] : memref<1024x100000xf32, #tpu.memory_space<hbm>> -> memref<8x128xf32, #tpu.memory_space<hbm>>
    tpu.wait_dma2 semaphore(%arg10 : memref<!tpu.dma_semaphore, #tpu.memory_space<semaphore_mem>>) src(%dma_wait3A_1507 : memref<8x128xf32, #tpu.memory_space<hbm>>) dst(%dma_wait3A_1506 : memref<8x128xf32, #tpu.memory_space<vmem>>)
    %dma_wait3A_1508 = arith.constant 36 : i32
    %dma_wait3A_1509 = arith.constant 0 : i32
    %dma_wait3A_1510 = arith.constant 0 : i32
    %dma_wait3A_1511 = tpu.memref_slice %arg7[%dma_wait3A_1508, %dma_wait3A_1509, %dma_wait3A_1510] : memref<64x8x128xf32, #tpu.memory_space<vmem>> -> memref<1x8x128xf32, #tpu.memory_space<vmem>>
    %dma_wait3A_1512 = tpu.memref_squeeze %dma_wait3A_1511 : memref<1x8x128xf32, #tpu.memory_space<vmem>> -> memref<8x128xf32, #tpu.memory_space<vmem>>
    %dma_wait3A_1513 = tpu.memref_slice %arg2[%multiple_of3A_634, %multiple_of3A_631] : memref<1024x100000xf32, #tpu.memory_space<hbm>> -> memref<8x128xf32, #tpu.memory_space<hbm>>
    %dma_wait3A_1514 = arith.constant 0 : i32
    %dma_wait3A_1515 = arith.constant 0 : i32
    %dma_wait3A_1516 = tpu.memref_slice %arg7[%dma_wait3A_1508, %dma_wait3A_1514, %dma_wait3A_1515] : memref<64x8x128xf32, #tpu.memory_space<vmem>> -> memref<1x8x128xf32, #tpu.memory_space<vmem>>
    %dma_wait3A_1517 = tpu.memref_squeeze %dma_wait3A_1516 : memref<1x8x128xf32, #tpu.memory_space<vmem>> -> memref<8x128xf32, #tpu.memory_space<vmem>>
    %dma_wait3A_1518 = tpu.memref_slice %arg2[%multiple_of3A_634, %multiple_of3A_631] : memref<1024x100000xf32, #tpu.memory_space<hbm>> -> memref<8x128xf32, #tpu.memory_space<hbm>>
    tpu.wait_dma2 semaphore(%arg10 : memref<!tpu.dma_semaphore, #tpu.memory_space<semaphore_mem>>) src(%dma_wait3A_1518 : memref<8x128xf32, #tpu.memory_space<hbm>>) dst(%dma_wait3A_1517 : memref<8x128xf32, #tpu.memory_space<vmem>>)
    %dma_wait3A_1519 = arith.constant 37 : i32
    %dma_wait3A_1520 = arith.constant 0 : i32
    %dma_wait3A_1521 = arith.constant 0 : i32
    %dma_wait3A_1522 = tpu.memref_slice %arg7[%dma_wait3A_1519, %dma_wait3A_1520, %dma_wait3A_1521] : memref<64x8x128xf32, #tpu.memory_space<vmem>> -> memref<1x8x128xf32, #tpu.memory_space<vmem>>
    %dma_wait3A_1523 = tpu.memref_squeeze %dma_wait3A_1522 : memref<1x8x128xf32, #tpu.memory_space<vmem>> -> memref<8x128xf32, #tpu.memory_space<vmem>>
    %dma_wait3A_1524 = tpu.memref_slice %arg2[%multiple_of3A_651, %multiple_of3A_648] : memref<1024x100000xf32, #tpu.memory_space<hbm>> -> memref<8x128xf32, #tpu.memory_space<hbm>>
    %dma_wait3A_1525 = arith.constant 0 : i32
    %dma_wait3A_1526 = arith.constant 0 : i32
    %dma_wait3A_1527 = tpu.memref_slice %arg7[%dma_wait3A_1519, %dma_wait3A_1525, %dma_wait3A_1526] : memref<64x8x128xf32, #tpu.memory_space<vmem>> -> memref<1x8x128xf32, #tpu.memory_space<vmem>>
    %dma_wait3A_1528 = tpu.memref_squeeze %dma_wait3A_1527 : memref<1x8x128xf32, #tpu.memory_space<vmem>> -> memref<8x128xf32, #tpu.memory_space<vmem>>
    %dma_wait3A_1529 = tpu.memref_slice %arg2[%multiple_of3A_651, %multiple_of3A_648] : memref<1024x100000xf32, #tpu.memory_space<hbm>> -> memref<8x128xf32, #tpu.memory_space<hbm>>
    tpu.wait_dma2 semaphore(%arg10 : memref<!tpu.dma_semaphore, #tpu.memory_space<semaphore_mem>>) src(%dma_wait3A_1529 : memref<8x128xf32, #tpu.memory_space<hbm>>) dst(%dma_wait3A_1528 : memref<8x128xf32, #tpu.memory_space<vmem>>)
    %dma_wait3A_1530 = arith.constant 38 : i32
    %dma_wait3A_1531 = arith.constant 0 : i32
    %dma_wait3A_1532 = arith.constant 0 : i32
    %dma_wait3A_1533 = tpu.memref_slice %arg7[%dma_wait3A_1530, %dma_wait3A_1531, %dma_wait3A_1532] : memref<64x8x128xf32, #tpu.memory_space<vmem>> -> memref<1x8x128xf32, #tpu.memory_space<vmem>>
    %dma_wait3A_1534 = tpu.memref_squeeze %dma_wait3A_1533 : memref<1x8x128xf32, #tpu.memory_space<vmem>> -> memref<8x128xf32, #tpu.memory_space<vmem>>
    %dma_wait3A_1535 = tpu.memref_slice %arg2[%multiple_of3A_668, %multiple_of3A_665] : memref<1024x100000xf32, #tpu.memory_space<hbm>> -> memref<8x128xf32, #tpu.memory_space<hbm>>
    %dma_wait3A_1536 = arith.constant 0 : i32
    %dma_wait3A_1537 = arith.constant 0 : i32
    %dma_wait3A_1538 = tpu.memref_slice %arg7[%dma_wait3A_1530, %dma_wait3A_1536, %dma_wait3A_1537] : memref<64x8x128xf32, #tpu.memory_space<vmem>> -> memref<1x8x128xf32, #tpu.memory_space<vmem>>
    %dma_wait3A_1539 = tpu.memref_squeeze %dma_wait3A_1538 : memref<1x8x128xf32, #tpu.memory_space<vmem>> -> memref<8x128xf32, #tpu.memory_space<vmem>>
    %dma_wait3A_1540 = tpu.memref_slice %arg2[%multiple_of3A_668, %multiple_of3A_665] : memref<1024x100000xf32, #tpu.memory_space<hbm>> -> memref<8x128xf32, #tpu.memory_space<hbm>>
    tpu.wait_dma2 semaphore(%arg10 : memref<!tpu.dma_semaphore, #tpu.memory_space<semaphore_mem>>) src(%dma_wait3A_1540 : memref<8x128xf32, #tpu.memory_space<hbm>>) dst(%dma_wait3A_1539 : memref<8x128xf32, #tpu.memory_space<vmem>>)
    %dma_wait3A_1541 = arith.constant 39 : i32
    %dma_wait3A_1542 = arith.constant 0 : i32
    %dma_wait3A_1543 = arith.constant 0 : i32
    %dma_wait3A_1544 = tpu.memref_slice %arg7[%dma_wait3A_1541, %dma_wait3A_1542, %dma_wait3A_1543] : memref<64x8x128xf32, #tpu.memory_space<vmem>> -> memref<1x8x128xf32, #tpu.memory_space<vmem>>
    %dma_wait3A_1545 = tpu.memref_squeeze %dma_wait3A_1544 : memref<1x8x128xf32, #tpu.memory_space<vmem>> -> memref<8x128xf32, #tpu.memory_space<vmem>>
    %dma_wait3A_1546 = tpu.memref_slice %arg2[%multiple_of3A_685, %multiple_of3A_682] : memref<1024x100000xf32, #tpu.memory_space<hbm>> -> memref<8x128xf32, #tpu.memory_space<hbm>>
    %dma_wait3A_1547 = arith.constant 0 : i32
    %dma_wait3A_1548 = arith.constant 0 : i32
    %dma_wait3A_1549 = tpu.memref_slice %arg7[%dma_wait3A_1541, %dma_wait3A_1547, %dma_wait3A_1548] : memref<64x8x128xf32, #tpu.memory_space<vmem>> -> memref<1x8x128xf32, #tpu.memory_space<vmem>>
    %dma_wait3A_1550 = tpu.memref_squeeze %dma_wait3A_1549 : memref<1x8x128xf32, #tpu.memory_space<vmem>> -> memref<8x128xf32, #tpu.memory_space<vmem>>
    %dma_wait3A_1551 = tpu.memref_slice %arg2[%multiple_of3A_685, %multiple_of3A_682] : memref<1024x100000xf32, #tpu.memory_space<hbm>> -> memref<8x128xf32, #tpu.memory_space<hbm>>
    tpu.wait_dma2 semaphore(%arg10 : memref<!tpu.dma_semaphore, #tpu.memory_space<semaphore_mem>>) src(%dma_wait3A_1551 : memref<8x128xf32, #tpu.memory_space<hbm>>) dst(%dma_wait3A_1550 : memref<8x128xf32, #tpu.memory_space<vmem>>)
    %dma_wait3A_1552 = arith.constant 40 : i32
    %dma_wait3A_1553 = arith.constant 0 : i32
    %dma_wait3A_1554 = arith.constant 0 : i32
    %dma_wait3A_1555 = tpu.memref_slice %arg7[%dma_wait3A_1552, %dma_wait3A_1553, %dma_wait3A_1554] : memref<64x8x128xf32, #tpu.memory_space<vmem>> -> memref<1x8x128xf32, #tpu.memory_space<vmem>>
    %dma_wait3A_1556 = tpu.memref_squeeze %dma_wait3A_1555 : memref<1x8x128xf32, #tpu.memory_space<vmem>> -> memref<8x128xf32, #tpu.memory_space<vmem>>
    %dma_wait3A_1557 = tpu.memref_slice %arg2[%multiple_of3A_702, %multiple_of3A_699] : memref<1024x100000xf32, #tpu.memory_space<hbm>> -> memref<8x128xf32, #tpu.memory_space<hbm>>
    %dma_wait3A_1558 = arith.constant 0 : i32
    %dma_wait3A_1559 = arith.constant 0 : i32
    %dma_wait3A_1560 = tpu.memref_slice %arg7[%dma_wait3A_1552, %dma_wait3A_1558, %dma_wait3A_1559] : memref<64x8x128xf32, #tpu.memory_space<vmem>> -> memref<1x8x128xf32, #tpu.memory_space<vmem>>
    %dma_wait3A_1561 = tpu.memref_squeeze %dma_wait3A_1560 : memref<1x8x128xf32, #tpu.memory_space<vmem>> -> memref<8x128xf32, #tpu.memory_space<vmem>>
    %dma_wait3A_1562 = tpu.memref_slice %arg2[%multiple_of3A_702, %multiple_of3A_699] : memref<1024x100000xf32, #tpu.memory_space<hbm>> -> memref<8x128xf32, #tpu.memory_space<hbm>>
    tpu.wait_dma2 semaphore(%arg10 : memref<!tpu.dma_semaphore, #tpu.memory_space<semaphore_mem>>) src(%dma_wait3A_1562 : memref<8x128xf32, #tpu.memory_space<hbm>>) dst(%dma_wait3A_1561 : memref<8x128xf32, #tpu.memory_space<vmem>>)
    %dma_wait3A_1563 = arith.constant 41 : i32
    %dma_wait3A_1564 = arith.constant 0 : i32
    %dma_wait3A_1565 = arith.constant 0 : i32
    %dma_wait3A_1566 = tpu.memref_slice %arg7[%dma_wait3A_1563, %dma_wait3A_1564, %dma_wait3A_1565] : memref<64x8x128xf32, #tpu.memory_space<vmem>> -> memref<1x8x128xf32, #tpu.memory_space<vmem>>
    %dma_wait3A_1567 = tpu.memref_squeeze %dma_wait3A_1566 : memref<1x8x128xf32, #tpu.memory_space<vmem>> -> memref<8x128xf32, #tpu.memory_space<vmem>>
    %dma_wait3A_1568 = tpu.memref_slice %arg2[%multiple_of3A_719, %multiple_of3A_716] : memref<1024x100000xf32, #tpu.memory_space<hbm>> -> memref<8x128xf32, #tpu.memory_space<hbm>>
    %dma_wait3A_1569 = arith.constant 0 : i32
    %dma_wait3A_1570 = arith.constant 0 : i32
    %dma_wait3A_1571 = tpu.memref_slice %arg7[%dma_wait3A_1563, %dma_wait3A_1569, %dma_wait3A_1570] : memref<64x8x128xf32, #tpu.memory_space<vmem>> -> memref<1x8x128xf32, #tpu.memory_space<vmem>>
    %dma_wait3A_1572 = tpu.memref_squeeze %dma_wait3A_1571 : memref<1x8x128xf32, #tpu.memory_space<vmem>> -> memref<8x128xf32, #tpu.memory_space<vmem>>
    %dma_wait3A_1573 = tpu.memref_slice %arg2[%multiple_of3A_719, %multiple_of3A_716] : memref<1024x100000xf32, #tpu.memory_space<hbm>> -> memref<8x128xf32, #tpu.memory_space<hbm>>
    tpu.wait_dma2 semaphore(%arg10 : memref<!tpu.dma_semaphore, #tpu.memory_space<semaphore_mem>>) src(%dma_wait3A_1573 : memref<8x128xf32, #tpu.memory_space<hbm>>) dst(%dma_wait3A_1572 : memref<8x128xf32, #tpu.memory_space<vmem>>)
    %dma_wait3A_1574 = arith.constant 42 : i32
    %dma_wait3A_1575 = arith.constant 0 : i32
    %dma_wait3A_1576 = arith.constant 0 : i32
    %dma_wait3A_1577 = tpu.memref_slice %arg7[%dma_wait3A_1574, %dma_wait3A_1575, %dma_wait3A_1576] : memref<64x8x128xf32, #tpu.memory_space<vmem>> -> memref<1x8x128xf32, #tpu.memory_space<vmem>>
    %dma_wait3A_1578 = tpu.memref_squeeze %dma_wait3A_1577 : memref<1x8x128xf32, #tpu.memory_space<vmem>> -> memref<8x128xf32, #tpu.memory_space<vmem>>
    %dma_wait3A_1579 = tpu.memref_slice %arg2[%multiple_of3A_736, %multiple_of3A_733] : memref<1024x100000xf32, #tpu.memory_space<hbm>> -> memref<8x128xf32, #tpu.memory_space<hbm>>
    %dma_wait3A_1580 = arith.constant 0 : i32
    %dma_wait3A_1581 = arith.constant 0 : i32
    %dma_wait3A_1582 = tpu.memref_slice %arg7[%dma_wait3A_1574, %dma_wait3A_1580, %dma_wait3A_1581] : memref<64x8x128xf32, #tpu.memory_space<vmem>> -> memref<1x8x128xf32, #tpu.memory_space<vmem>>
    %dma_wait3A_1583 = tpu.memref_squeeze %dma_wait3A_1582 : memref<1x8x128xf32, #tpu.memory_space<vmem>> -> memref<8x128xf32, #tpu.memory_space<vmem>>
    %dma_wait3A_1584 = tpu.memref_slice %arg2[%multiple_of3A_736, %multiple_of3A_733] : memref<1024x100000xf32, #tpu.memory_space<hbm>> -> memref<8x128xf32, #tpu.memory_space<hbm>>
    tpu.wait_dma2 semaphore(%arg10 : memref<!tpu.dma_semaphore, #tpu.memory_space<semaphore_mem>>) src(%dma_wait3A_1584 : memref<8x128xf32, #tpu.memory_space<hbm>>) dst(%dma_wait3A_1583 : memref<8x128xf32, #tpu.memory_space<vmem>>)
    %dma_wait3A_1585 = arith.constant 43 : i32
    %dma_wait3A_1586 = arith.constant 0 : i32
    %dma_wait3A_1587 = arith.constant 0 : i32
    %dma_wait3A_1588 = tpu.memref_slice %arg7[%dma_wait3A_1585, %dma_wait3A_1586, %dma_wait3A_1587] : memref<64x8x128xf32, #tpu.memory_space<vmem>> -> memref<1x8x128xf32, #tpu.memory_space<vmem>>
    %dma_wait3A_1589 = tpu.memref_squeeze %dma_wait3A_1588 : memref<1x8x128xf32, #tpu.memory_space<vmem>> -> memref<8x128xf32, #tpu.memory_space<vmem>>
    %dma_wait3A_1590 = tpu.memref_slice %arg2[%multiple_of3A_753, %multiple_of3A_750] : memref<1024x100000xf32, #tpu.memory_space<hbm>> -> memref<8x128xf32, #tpu.memory_space<hbm>>
    %dma_wait3A_1591 = arith.constant 0 : i32
    %dma_wait3A_1592 = arith.constant 0 : i32
    %dma_wait3A_1593 = tpu.memref_slice %arg7[%dma_wait3A_1585, %dma_wait3A_1591, %dma_wait3A_1592] : memref<64x8x128xf32, #tpu.memory_space<vmem>> -> memref<1x8x128xf32, #tpu.memory_space<vmem>>
    %dma_wait3A_1594 = tpu.memref_squeeze %dma_wait3A_1593 : memref<1x8x128xf32, #tpu.memory_space<vmem>> -> memref<8x128xf32, #tpu.memory_space<vmem>>
    %dma_wait3A_1595 = tpu.memref_slice %arg2[%multiple_of3A_753, %multiple_of3A_750] : memref<1024x100000xf32, #tpu.memory_space<hbm>> -> memref<8x128xf32, #tpu.memory_space<hbm>>
    tpu.wait_dma2 semaphore(%arg10 : memref<!tpu.dma_semaphore, #tpu.memory_space<semaphore_mem>>) src(%dma_wait3A_1595 : memref<8x128xf32, #tpu.memory_space<hbm>>) dst(%dma_wait3A_1594 : memref<8x128xf32, #tpu.memory_space<vmem>>)
    %dma_wait3A_1596 = arith.constant 44 : i32
    %dma_wait3A_1597 = arith.constant 0 : i32
    %dma_wait3A_1598 = arith.constant 0 : i32
    %dma_wait3A_1599 = tpu.memref_slice %arg7[%dma_wait3A_1596, %dma_wait3A_1597, %dma_wait3A_1598] : memref<64x8x128xf32, #tpu.memory_space<vmem>> -> memref<1x8x128xf32, #tpu.memory_space<vmem>>
    %dma_wait3A_1600 = tpu.memref_squeeze %dma_wait3A_1599 : memref<1x8x128xf32, #tpu.memory_space<vmem>> -> memref<8x128xf32, #tpu.memory_space<vmem>>
    %dma_wait3A_1601 = tpu.memref_slice %arg2[%multiple_of3A_770, %multiple_of3A_767] : memref<1024x100000xf32, #tpu.memory_space<hbm>> -> memref<8x128xf32, #tpu.memory_space<hbm>>
    %dma_wait3A_1602 = arith.constant 0 : i32
    %dma_wait3A_1603 = arith.constant 0 : i32
    %dma_wait3A_1604 = tpu.memref_slice %arg7[%dma_wait3A_1596, %dma_wait3A_1602, %dma_wait3A_1603] : memref<64x8x128xf32, #tpu.memory_space<vmem>> -> memref<1x8x128xf32, #tpu.memory_space<vmem>>
    %dma_wait3A_1605 = tpu.memref_squeeze %dma_wait3A_1604 : memref<1x8x128xf32, #tpu.memory_space<vmem>> -> memref<8x128xf32, #tpu.memory_space<vmem>>
    %dma_wait3A_1606 = tpu.memref_slice %arg2[%multiple_of3A_770, %multiple_of3A_767] : memref<1024x100000xf32, #tpu.memory_space<hbm>> -> memref<8x128xf32, #tpu.memory_space<hbm>>
    tpu.wait_dma2 semaphore(%arg10 : memref<!tpu.dma_semaphore, #tpu.memory_space<semaphore_mem>>) src(%dma_wait3A_1606 : memref<8x128xf32, #tpu.memory_space<hbm>>) dst(%dma_wait3A_1605 : memref<8x128xf32, #tpu.memory_space<vmem>>)
    %dma_wait3A_1607 = arith.constant 45 : i32
    %dma_wait3A_1608 = arith.constant 0 : i32
    %dma_wait3A_1609 = arith.constant 0 : i32
    %dma_wait3A_1610 = tpu.memref_slice %arg7[%dma_wait3A_1607, %dma_wait3A_1608, %dma_wait3A_1609] : memref<64x8x128xf32, #tpu.memory_space<vmem>> -> memref<1x8x128xf32, #tpu.memory_space<vmem>>
    %dma_wait3A_1611 = tpu.memref_squeeze %dma_wait3A_1610 : memref<1x8x128xf32, #tpu.memory_space<vmem>> -> memref<8x128xf32, #tpu.memory_space<vmem>>
    %dma_wait3A_1612 = tpu.memref_slice %arg2[%multiple_of3A_787, %multiple_of3A_784] : memref<1024x100000xf32, #tpu.memory_space<hbm>> -> memref<8x128xf32, #tpu.memory_space<hbm>>
    %dma_wait3A_1613 = arith.constant 0 : i32
    %dma_wait3A_1614 = arith.constant 0 : i32
    %dma_wait3A_1615 = tpu.memref_slice %arg7[%dma_wait3A_1607, %dma_wait3A_1613, %dma_wait3A_1614] : memref<64x8x128xf32, #tpu.memory_space<vmem>> -> memref<1x8x128xf32, #tpu.memory_space<vmem>>
    %dma_wait3A_1616 = tpu.memref_squeeze %dma_wait3A_1615 : memref<1x8x128xf32, #tpu.memory_space<vmem>> -> memref<8x128xf32, #tpu.memory_space<vmem>>
    %dma_wait3A_1617 = tpu.memref_slice %arg2[%multiple_of3A_787, %multiple_of3A_784] : memref<1024x100000xf32, #tpu.memory_space<hbm>> -> memref<8x128xf32, #tpu.memory_space<hbm>>
    tpu.wait_dma2 semaphore(%arg10 : memref<!tpu.dma_semaphore, #tpu.memory_space<semaphore_mem>>) src(%dma_wait3A_1617 : memref<8x128xf32, #tpu.memory_space<hbm>>) dst(%dma_wait3A_1616 : memref<8x128xf32, #tpu.memory_space<vmem>>)
    %dma_wait3A_1618 = arith.constant 46 : i32
    %dma_wait3A_1619 = arith.constant 0 : i32
    %dma_wait3A_1620 = arith.constant 0 : i32
    %dma_wait3A_1621 = tpu.memref_slice %arg7[%dma_wait3A_1618, %dma_wait3A_1619, %dma_wait3A_1620] : memref<64x8x128xf32, #tpu.memory_space<vmem>> -> memref<1x8x128xf32, #tpu.memory_space<vmem>>
    %dma_wait3A_1622 = tpu.memref_squeeze %dma_wait3A_1621 : memref<1x8x128xf32, #tpu.memory_space<vmem>> -> memref<8x128xf32, #tpu.memory_space<vmem>>
    %dma_wait3A_1623 = tpu.memref_slice %arg2[%multiple_of3A_804, %multiple_of3A_801] : memref<1024x100000xf32, #tpu.memory_space<hbm>> -> memref<8x128xf32, #tpu.memory_space<hbm>>
    %dma_wait3A_1624 = arith.constant 0 : i32
    %dma_wait3A_1625 = arith.constant 0 : i32
    %dma_wait3A_1626 = tpu.memref_slice %arg7[%dma_wait3A_1618, %dma_wait3A_1624, %dma_wait3A_1625] : memref<64x8x128xf32, #tpu.memory_space<vmem>> -> memref<1x8x128xf32, #tpu.memory_space<vmem>>
    %dma_wait3A_1627 = tpu.memref_squeeze %dma_wait3A_1626 : memref<1x8x128xf32, #tpu.memory_space<vmem>> -> memref<8x128xf32, #tpu.memory_space<vmem>>
    %dma_wait3A_1628 = tpu.memref_slice %arg2[%multiple_of3A_804, %multiple_of3A_801] : memref<1024x100000xf32, #tpu.memory_space<hbm>> -> memref<8x128xf32, #tpu.memory_space<hbm>>
    tpu.wait_dma2 semaphore(%arg10 : memref<!tpu.dma_semaphore, #tpu.memory_space<semaphore_mem>>) src(%dma_wait3A_1628 : memref<8x128xf32, #tpu.memory_space<hbm>>) dst(%dma_wait3A_1627 : memref<8x128xf32, #tpu.memory_space<vmem>>)
    %dma_wait3A_1629 = arith.constant 47 : i32
    %dma_wait3A_1630 = arith.constant 0 : i32
    %dma_wait3A_1631 = arith.constant 0 : i32
    %dma_wait3A_1632 = tpu.memref_slice %arg7[%dma_wait3A_1629, %dma_wait3A_1630, %dma_wait3A_1631] : memref<64x8x128xf32, #tpu.memory_space<vmem>> -> memref<1x8x128xf32, #tpu.memory_space<vmem>>
    %dma_wait3A_1633 = tpu.memref_squeeze %dma_wait3A_1632 : memref<1x8x128xf32, #tpu.memory_space<vmem>> -> memref<8x128xf32, #tpu.memory_space<vmem>>
    %dma_wait3A_1634 = tpu.memref_slice %arg2[%multiple_of3A_821, %multiple_of3A_818] : memref<1024x100000xf32, #tpu.memory_space<hbm>> -> memref<8x128xf32, #tpu.memory_space<hbm>>
    %dma_wait3A_1635 = arith.constant 0 : i32
    %dma_wait3A_1636 = arith.constant 0 : i32
    %dma_wait3A_1637 = tpu.memref_slice %arg7[%dma_wait3A_1629, %dma_wait3A_1635, %dma_wait3A_1636] : memref<64x8x128xf32, #tpu.memory_space<vmem>> -> memref<1x8x128xf32, #tpu.memory_space<vmem>>
    %dma_wait3A_1638 = tpu.memref_squeeze %dma_wait3A_1637 : memref<1x8x128xf32, #tpu.memory_space<vmem>> -> memref<8x128xf32, #tpu.memory_space<vmem>>
    %dma_wait3A_1639 = tpu.memref_slice %arg2[%multiple_of3A_821, %multiple_of3A_818] : memref<1024x100000xf32, #tpu.memory_space<hbm>> -> memref<8x128xf32, #tpu.memory_space<hbm>>
    tpu.wait_dma2 semaphore(%arg10 : memref<!tpu.dma_semaphore, #tpu.memory_space<semaphore_mem>>) src(%dma_wait3A_1639 : memref<8x128xf32, #tpu.memory_space<hbm>>) dst(%dma_wait3A_1638 : memref<8x128xf32, #tpu.memory_space<vmem>>)
    %dma_wait3A_1640 = arith.constant 48 : i32
    %dma_wait3A_1641 = arith.constant 0 : i32
    %dma_wait3A_1642 = arith.constant 0 : i32
    %dma_wait3A_1643 = tpu.memref_slice %arg7[%dma_wait3A_1640, %dma_wait3A_1641, %dma_wait3A_1642] : memref<64x8x128xf32, #tpu.memory_space<vmem>> -> memref<1x8x128xf32, #tpu.memory_space<vmem>>
    %dma_wait3A_1644 = tpu.memref_squeeze %dma_wait3A_1643 : memref<1x8x128xf32, #tpu.memory_space<vmem>> -> memref<8x128xf32, #tpu.memory_space<vmem>>
    %dma_wait3A_1645 = tpu.memref_slice %arg2[%multiple_of3A_846, %multiple_of3A_843] : memref<1024x100000xf32, #tpu.memory_space<hbm>> -> memref<8x128xf32, #tpu.memory_space<hbm>>
    %dma_wait3A_1646 = arith.constant 0 : i32
    %dma_wait3A_1647 = arith.constant 0 : i32
    %dma_wait3A_1648 = tpu.memref_slice %arg7[%dma_wait3A_1640, %dma_wait3A_1646, %dma_wait3A_1647] : memref<64x8x128xf32, #tpu.memory_space<vmem>> -> memref<1x8x128xf32, #tpu.memory_space<vmem>>
    %dma_wait3A_1649 = tpu.memref_squeeze %dma_wait3A_1648 : memref<1x8x128xf32, #tpu.memory_space<vmem>> -> memref<8x128xf32, #tpu.memory_space<vmem>>
    %dma_wait3A_1650 = tpu.memref_slice %arg2[%multiple_of3A_846, %multiple_of3A_843] : memref<1024x100000xf32, #tpu.memory_space<hbm>> -> memref<8x128xf32, #tpu.memory_space<hbm>>
    tpu.wait_dma2 semaphore(%arg10 : memref<!tpu.dma_semaphore, #tpu.memory_space<semaphore_mem>>) src(%dma_wait3A_1650 : memref<8x128xf32, #tpu.memory_space<hbm>>) dst(%dma_wait3A_1649 : memref<8x128xf32, #tpu.memory_space<vmem>>)
    %dma_wait3A_1651 = arith.constant 49 : i32
    %dma_wait3A_1652 = arith.constant 0 : i32
    %dma_wait3A_1653 = arith.constant 0 : i32
    %dma_wait3A_1654 = tpu.memref_slice %arg7[%dma_wait3A_1651, %dma_wait3A_1652, %dma_wait3A_1653] : memref<64x8x128xf32, #tpu.memory_space<vmem>> -> memref<1x8x128xf32, #tpu.memory_space<vmem>>
    %dma_wait3A_1655 = tpu.memref_squeeze %dma_wait3A_1654 : memref<1x8x128xf32, #tpu.memory_space<vmem>> -> memref<8x128xf32, #tpu.memory_space<vmem>>
    %dma_wait3A_1656 = tpu.memref_slice %arg2[%multiple_of3A_863, %multiple_of3A_860] : memref<1024x100000xf32, #tpu.memory_space<hbm>> -> memref<8x128xf32, #tpu.memory_space<hbm>>
    %dma_wait3A_1657 = arith.constant 0 : i32
    %dma_wait3A_1658 = arith.constant 0 : i32
    %dma_wait3A_1659 = tpu.memref_slice %arg7[%dma_wait3A_1651, %dma_wait3A_1657, %dma_wait3A_1658] : memref<64x8x128xf32, #tpu.memory_space<vmem>> -> memref<1x8x128xf32, #tpu.memory_space<vmem>>
    %dma_wait3A_1660 = tpu.memref_squeeze %dma_wait3A_1659 : memref<1x8x128xf32, #tpu.memory_space<vmem>> -> memref<8x128xf32, #tpu.memory_space<vmem>>
    %dma_wait3A_1661 = tpu.memref_slice %arg2[%multiple_of3A_863, %multiple_of3A_860] : memref<1024x100000xf32, #tpu.memory_space<hbm>> -> memref<8x128xf32, #tpu.memory_space<hbm>>
    tpu.wait_dma2 semaphore(%arg10 : memref<!tpu.dma_semaphore, #tpu.memory_space<semaphore_mem>>) src(%dma_wait3A_1661 : memref<8x128xf32, #tpu.memory_space<hbm>>) dst(%dma_wait3A_1660 : memref<8x128xf32, #tpu.memory_space<vmem>>)
    %dma_wait3A_1662 = arith.constant 50 : i32
    %dma_wait3A_1663 = arith.constant 0 : i32
    %dma_wait3A_1664 = arith.constant 0 : i32
    %dma_wait3A_1665 = tpu.memref_slice %arg7[%dma_wait3A_1662, %dma_wait3A_1663, %dma_wait3A_1664] : memref<64x8x128xf32, #tpu.memory_space<vmem>> -> memref<1x8x128xf32, #tpu.memory_space<vmem>>
    %dma_wait3A_1666 = tpu.memref_squeeze %dma_wait3A_1665 : memref<1x8x128xf32, #tpu.memory_space<vmem>> -> memref<8x128xf32, #tpu.memory_space<vmem>>
    %dma_wait3A_1667 = tpu.memref_slice %arg2[%multiple_of3A_880, %multiple_of3A_877] : memref<1024x100000xf32, #tpu.memory_space<hbm>> -> memref<8x128xf32, #tpu.memory_space<hbm>>
    %dma_wait3A_1668 = arith.constant 0 : i32
    %dma_wait3A_1669 = arith.constant 0 : i32
    %dma_wait3A_1670 = tpu.memref_slice %arg7[%dma_wait3A_1662, %dma_wait3A_1668, %dma_wait3A_1669] : memref<64x8x128xf32, #tpu.memory_space<vmem>> -> memref<1x8x128xf32, #tpu.memory_space<vmem>>
    %dma_wait3A_1671 = tpu.memref_squeeze %dma_wait3A_1670 : memref<1x8x128xf32, #tpu.memory_space<vmem>> -> memref<8x128xf32, #tpu.memory_space<vmem>>
    %dma_wait3A_1672 = tpu.memref_slice %arg2[%multiple_of3A_880, %multiple_of3A_877] : memref<1024x100000xf32, #tpu.memory_space<hbm>> -> memref<8x128xf32, #tpu.memory_space<hbm>>
    tpu.wait_dma2 semaphore(%arg10 : memref<!tpu.dma_semaphore, #tpu.memory_space<semaphore_mem>>) src(%dma_wait3A_1672 : memref<8x128xf32, #tpu.memory_space<hbm>>) dst(%dma_wait3A_1671 : memref<8x128xf32, #tpu.memory_space<vmem>>)
    %dma_wait3A_1673 = arith.constant 51 : i32
    %dma_wait3A_1674 = arith.constant 0 : i32
    %dma_wait3A_1675 = arith.constant 0 : i32
    %dma_wait3A_1676 = tpu.memref_slice %arg7[%dma_wait3A_1673, %dma_wait3A_1674, %dma_wait3A_1675] : memref<64x8x128xf32, #tpu.memory_space<vmem>> -> memref<1x8x128xf32, #tpu.memory_space<vmem>>
    %dma_wait3A_1677 = tpu.memref_squeeze %dma_wait3A_1676 : memref<1x8x128xf32, #tpu.memory_space<vmem>> -> memref<8x128xf32, #tpu.memory_space<vmem>>
    %dma_wait3A_1678 = tpu.memref_slice %arg2[%multiple_of3A_897, %multiple_of3A_894] : memref<1024x100000xf32, #tpu.memory_space<hbm>> -> memref<8x128xf32, #tpu.memory_space<hbm>>
    %dma_wait3A_1679 = arith.constant 0 : i32
    %dma_wait3A_1680 = arith.constant 0 : i32
    %dma_wait3A_1681 = tpu.memref_slice %arg7[%dma_wait3A_1673, %dma_wait3A_1679, %dma_wait3A_1680] : memref<64x8x128xf32, #tpu.memory_space<vmem>> -> memref<1x8x128xf32, #tpu.memory_space<vmem>>
    %dma_wait3A_1682 = tpu.memref_squeeze %dma_wait3A_1681 : memref<1x8x128xf32, #tpu.memory_space<vmem>> -> memref<8x128xf32, #tpu.memory_space<vmem>>
    %dma_wait3A_1683 = tpu.memref_slice %arg2[%multiple_of3A_897, %multiple_of3A_894] : memref<1024x100000xf32, #tpu.memory_space<hbm>> -> memref<8x128xf32, #tpu.memory_space<hbm>>
    tpu.wait_dma2 semaphore(%arg10 : memref<!tpu.dma_semaphore, #tpu.memory_space<semaphore_mem>>) src(%dma_wait3A_1683 : memref<8x128xf32, #tpu.memory_space<hbm>>) dst(%dma_wait3A_1682 : memref<8x128xf32, #tpu.memory_space<vmem>>)
    %dma_wait3A_1684 = arith.constant 52 : i32
    %dma_wait3A_1685 = arith.constant 0 : i32
    %dma_wait3A_1686 = arith.constant 0 : i32
    %dma_wait3A_1687 = tpu.memref_slice %arg7[%dma_wait3A_1684, %dma_wait3A_1685, %dma_wait3A_1686] : memref<64x8x128xf32, #tpu.memory_space<vmem>> -> memref<1x8x128xf32, #tpu.memory_space<vmem>>
    %dma_wait3A_1688 = tpu.memref_squeeze %dma_wait3A_1687 : memref<1x8x128xf32, #tpu.memory_space<vmem>> -> memref<8x128xf32, #tpu.memory_space<vmem>>
    %dma_wait3A_1689 = tpu.memref_slice %arg2[%multiple_of3A_914, %multiple_of3A_911] : memref<1024x100000xf32, #tpu.memory_space<hbm>> -> memref<8x128xf32, #tpu.memory_space<hbm>>
    %dma_wait3A_1690 = arith.constant 0 : i32
    %dma_wait3A_1691 = arith.constant 0 : i32
    %dma_wait3A_1692 = tpu.memref_slice %arg7[%dma_wait3A_1684, %dma_wait3A_1690, %dma_wait3A_1691] : memref<64x8x128xf32, #tpu.memory_space<vmem>> -> memref<1x8x128xf32, #tpu.memory_space<vmem>>
    %dma_wait3A_1693 = tpu.memref_squeeze %dma_wait3A_1692 : memref<1x8x128xf32, #tpu.memory_space<vmem>> -> memref<8x128xf32, #tpu.memory_space<vmem>>
    %dma_wait3A_1694 = tpu.memref_slice %arg2[%multiple_of3A_914, %multiple_of3A_911] : memref<1024x100000xf32, #tpu.memory_space<hbm>> -> memref<8x128xf32, #tpu.memory_space<hbm>>
    tpu.wait_dma2 semaphore(%arg10 : memref<!tpu.dma_semaphore, #tpu.memory_space<semaphore_mem>>) src(%dma_wait3A_1694 : memref<8x128xf32, #tpu.memory_space<hbm>>) dst(%dma_wait3A_1693 : memref<8x128xf32, #tpu.memory_space<vmem>>)
    %dma_wait3A_1695 = arith.constant 53 : i32
    %dma_wait3A_1696 = arith.constant 0 : i32
    %dma_wait3A_1697 = arith.constant 0 : i32
    %dma_wait3A_1698 = tpu.memref_slice %arg7[%dma_wait3A_1695, %dma_wait3A_1696, %dma_wait3A_1697] : memref<64x8x128xf32, #tpu.memory_space<vmem>> -> memref<1x8x128xf32, #tpu.memory_space<vmem>>
    %dma_wait3A_1699 = tpu.memref_squeeze %dma_wait3A_1698 : memref<1x8x128xf32, #tpu.memory_space<vmem>> -> memref<8x128xf32, #tpu.memory_space<vmem>>
    %dma_wait3A_1700 = tpu.memref_slice %arg2[%multiple_of3A_931, %multiple_of3A_928] : memref<1024x100000xf32, #tpu.memory_space<hbm>> -> memref<8x128xf32, #tpu.memory_space<hbm>>
    %dma_wait3A_1701 = arith.constant 0 : i32
    %dma_wait3A_1702 = arith.constant 0 : i32
    %dma_wait3A_1703 = tpu.memref_slice %arg7[%dma_wait3A_1695, %dma_wait3A_1701, %dma_wait3A_1702] : memref<64x8x128xf32, #tpu.memory_space<vmem>> -> memref<1x8x128xf32, #tpu.memory_space<vmem>>
    %dma_wait3A_1704 = tpu.memref_squeeze %dma_wait3A_1703 : memref<1x8x128xf32, #tpu.memory_space<vmem>> -> memref<8x128xf32, #tpu.memory_space<vmem>>
    %dma_wait3A_1705 = tpu.memref_slice %arg2[%multiple_of3A_931, %multiple_of3A_928] : memref<1024x100000xf32, #tpu.memory_space<hbm>> -> memref<8x128xf32, #tpu.memory_space<hbm>>
    tpu.wait_dma2 semaphore(%arg10 : memref<!tpu.dma_semaphore, #tpu.memory_space<semaphore_mem>>) src(%dma_wait3A_1705 : memref<8x128xf32, #tpu.memory_space<hbm>>) dst(%dma_wait3A_1704 : memref<8x128xf32, #tpu.memory_space<vmem>>)
    %dma_wait3A_1706 = arith.constant 54 : i32
    %dma_wait3A_1707 = arith.constant 0 : i32
    %dma_wait3A_1708 = arith.constant 0 : i32
    %dma_wait3A_1709 = tpu.memref_slice %arg7[%dma_wait3A_1706, %dma_wait3A_1707, %dma_wait3A_1708] : memref<64x8x128xf32, #tpu.memory_space<vmem>> -> memref<1x8x128xf32, #tpu.memory_space<vmem>>
    %dma_wait3A_1710 = tpu.memref_squeeze %dma_wait3A_1709 : memref<1x8x128xf32, #tpu.memory_space<vmem>> -> memref<8x128xf32, #tpu.memory_space<vmem>>
    %dma_wait3A_1711 = tpu.memref_slice %arg2[%multiple_of3A_948, %multiple_of3A_945] : memref<1024x100000xf32, #tpu.memory_space<hbm>> -> memref<8x128xf32, #tpu.memory_space<hbm>>
    %dma_wait3A_1712 = arith.constant 0 : i32
    %dma_wait3A_1713 = arith.constant 0 : i32
    %dma_wait3A_1714 = tpu.memref_slice %arg7[%dma_wait3A_1706, %dma_wait3A_1712, %dma_wait3A_1713] : memref<64x8x128xf32, #tpu.memory_space<vmem>> -> memref<1x8x128xf32, #tpu.memory_space<vmem>>
    %dma_wait3A_1715 = tpu.memref_squeeze %dma_wait3A_1714 : memref<1x8x128xf32, #tpu.memory_space<vmem>> -> memref<8x128xf32, #tpu.memory_space<vmem>>
    %dma_wait3A_1716 = tpu.memref_slice %arg2[%multiple_of3A_948, %multiple_of3A_945] : memref<1024x100000xf32, #tpu.memory_space<hbm>> -> memref<8x128xf32, #tpu.memory_space<hbm>>
    tpu.wait_dma2 semaphore(%arg10 : memref<!tpu.dma_semaphore, #tpu.memory_space<semaphore_mem>>) src(%dma_wait3A_1716 : memref<8x128xf32, #tpu.memory_space<hbm>>) dst(%dma_wait3A_1715 : memref<8x128xf32, #tpu.memory_space<vmem>>)
    %dma_wait3A_1717 = arith.constant 55 : i32
    %dma_wait3A_1718 = arith.constant 0 : i32
    %dma_wait3A_1719 = arith.constant 0 : i32
    %dma_wait3A_1720 = tpu.memref_slice %arg7[%dma_wait3A_1717, %dma_wait3A_1718, %dma_wait3A_1719] : memref<64x8x128xf32, #tpu.memory_space<vmem>> -> memref<1x8x128xf32, #tpu.memory_space<vmem>>
    %dma_wait3A_1721 = tpu.memref_squeeze %dma_wait3A_1720 : memref<1x8x128xf32, #tpu.memory_space<vmem>> -> memref<8x128xf32, #tpu.memory_space<vmem>>
    %dma_wait3A_1722 = tpu.memref_slice %arg2[%multiple_of3A_965, %multiple_of3A_962] : memref<1024x100000xf32, #tpu.memory_space<hbm>> -> memref<8x128xf32, #tpu.memory_space<hbm>>
    %dma_wait3A_1723 = arith.constant 0 : i32
    %dma_wait3A_1724 = arith.constant 0 : i32
    %dma_wait3A_1725 = tpu.memref_slice %arg7[%dma_wait3A_1717, %dma_wait3A_1723, %dma_wait3A_1724] : memref<64x8x128xf32, #tpu.memory_space<vmem>> -> memref<1x8x128xf32, #tpu.memory_space<vmem>>
    %dma_wait3A_1726 = tpu.memref_squeeze %dma_wait3A_1725 : memref<1x8x128xf32, #tpu.memory_space<vmem>> -> memref<8x128xf32, #tpu.memory_space<vmem>>
    %dma_wait3A_1727 = tpu.memref_slice %arg2[%multiple_of3A_965, %multiple_of3A_962] : memref<1024x100000xf32, #tpu.memory_space<hbm>> -> memref<8x128xf32, #tpu.memory_space<hbm>>
    tpu.wait_dma2 semaphore(%arg10 : memref<!tpu.dma_semaphore, #tpu.memory_space<semaphore_mem>>) src(%dma_wait3A_1727 : memref<8x128xf32, #tpu.memory_space<hbm>>) dst(%dma_wait3A_1726 : memref<8x128xf32, #tpu.memory_space<vmem>>)
    %dma_wait3A_1728 = arith.constant 56 : i32
    %dma_wait3A_1729 = arith.constant 0 : i32
    %dma_wait3A_1730 = arith.constant 0 : i32
    %dma_wait3A_1731 = tpu.memref_slice %arg7[%dma_wait3A_1728, %dma_wait3A_1729, %dma_wait3A_1730] : memref<64x8x128xf32, #tpu.memory_space<vmem>> -> memref<1x8x128xf32, #tpu.memory_space<vmem>>
    %dma_wait3A_1732 = tpu.memref_squeeze %dma_wait3A_1731 : memref<1x8x128xf32, #tpu.memory_space<vmem>> -> memref<8x128xf32, #tpu.memory_space<vmem>>
    %dma_wait3A_1733 = tpu.memref_slice %arg2[%multiple_of3A_982, %multiple_of3A_979] : memref<1024x100000xf32, #tpu.memory_space<hbm>> -> memref<8x128xf32, #tpu.memory_space<hbm>>
    %dma_wait3A_1734 = arith.constant 0 : i32
    %dma_wait3A_1735 = arith.constant 0 : i32
    %dma_wait3A_1736 = tpu.memref_slice %arg7[%dma_wait3A_1728, %dma_wait3A_1734, %dma_wait3A_1735] : memref<64x8x128xf32, #tpu.memory_space<vmem>> -> memref<1x8x128xf32, #tpu.memory_space<vmem>>
    %dma_wait3A_1737 = tpu.memref_squeeze %dma_wait3A_1736 : memref<1x8x128xf32, #tpu.memory_space<vmem>> -> memref<8x128xf32, #tpu.memory_space<vmem>>
    %dma_wait3A_1738 = tpu.memref_slice %arg2[%multiple_of3A_982, %multiple_of3A_979] : memref<1024x100000xf32, #tpu.memory_space<hbm>> -> memref<8x128xf32, #tpu.memory_space<hbm>>
    tpu.wait_dma2 semaphore(%arg10 : memref<!tpu.dma_semaphore, #tpu.memory_space<semaphore_mem>>) src(%dma_wait3A_1738 : memref<8x128xf32, #tpu.memory_space<hbm>>) dst(%dma_wait3A_1737 : memref<8x128xf32, #tpu.memory_space<vmem>>)
    %dma_wait3A_1739 = arith.constant 57 : i32
    %dma_wait3A_1740 = arith.constant 0 : i32
    %dma_wait3A_1741 = arith.constant 0 : i32
    %dma_wait3A_1742 = tpu.memref_slice %arg7[%dma_wait3A_1739, %dma_wait3A_1740, %dma_wait3A_1741] : memref<64x8x128xf32, #tpu.memory_space<vmem>> -> memref<1x8x128xf32, #tpu.memory_space<vmem>>
    %dma_wait3A_1743 = tpu.memref_squeeze %dma_wait3A_1742 : memref<1x8x128xf32, #tpu.memory_space<vmem>> -> memref<8x128xf32, #tpu.memory_space<vmem>>
    %dma_wait3A_1744 = tpu.memref_slice %arg2[%multiple_of3A_999, %multiple_of3A_996] : memref<1024x100000xf32, #tpu.memory_space<hbm>> -> memref<8x128xf32, #tpu.memory_space<hbm>>
    %dma_wait3A_1745 = arith.constant 0 : i32
    %dma_wait3A_1746 = arith.constant 0 : i32
    %dma_wait3A_1747 = tpu.memref_slice %arg7[%dma_wait3A_1739, %dma_wait3A_1745, %dma_wait3A_1746] : memref<64x8x128xf32, #tpu.memory_space<vmem>> -> memref<1x8x128xf32, #tpu.memory_space<vmem>>
    %dma_wait3A_1748 = tpu.memref_squeeze %dma_wait3A_1747 : memref<1x8x128xf32, #tpu.memory_space<vmem>> -> memref<8x128xf32, #tpu.memory_space<vmem>>
    %dma_wait3A_1749 = tpu.memref_slice %arg2[%multiple_of3A_999, %multiple_of3A_996] : memref<1024x100000xf32, #tpu.memory_space<hbm>> -> memref<8x128xf32, #tpu.memory_space<hbm>>
    tpu.wait_dma2 semaphore(%arg10 : memref<!tpu.dma_semaphore, #tpu.memory_space<semaphore_mem>>) src(%dma_wait3A_1749 : memref<8x128xf32, #tpu.memory_space<hbm>>) dst(%dma_wait3A_1748 : memref<8x128xf32, #tpu.memory_space<vmem>>)
    %dma_wait3A_1750 = arith.constant 58 : i32
    %dma_wait3A_1751 = arith.constant 0 : i32
    %dma_wait3A_1752 = arith.constant 0 : i32
    %dma_wait3A_1753 = tpu.memref_slice %arg7[%dma_wait3A_1750, %dma_wait3A_1751, %dma_wait3A_1752] : memref<64x8x128xf32, #tpu.memory_space<vmem>> -> memref<1x8x128xf32, #tpu.memory_space<vmem>>
    %dma_wait3A_1754 = tpu.memref_squeeze %dma_wait3A_1753 : memref<1x8x128xf32, #tpu.memory_space<vmem>> -> memref<8x128xf32, #tpu.memory_space<vmem>>
    %dma_wait3A_1755 = tpu.memref_slice %arg2[%multiple_of3A_1016, %multiple_of3A_1013] : memref<1024x100000xf32, #tpu.memory_space<hbm>> -> memref<8x128xf32, #tpu.memory_space<hbm>>
    %dma_wait3A_1756 = arith.constant 0 : i32
    %dma_wait3A_1757 = arith.constant 0 : i32
    %dma_wait3A_1758 = tpu.memref_slice %arg7[%dma_wait3A_1750, %dma_wait3A_1756, %dma_wait3A_1757] : memref<64x8x128xf32, #tpu.memory_space<vmem>> -> memref<1x8x128xf32, #tpu.memory_space<vmem>>
    %dma_wait3A_1759 = tpu.memref_squeeze %dma_wait3A_1758 : memref<1x8x128xf32, #tpu.memory_space<vmem>> -> memref<8x128xf32, #tpu.memory_space<vmem>>
    %dma_wait3A_1760 = tpu.memref_slice %arg2[%multiple_of3A_1016, %multiple_of3A_1013] : memref<1024x100000xf32, #tpu.memory_space<hbm>> -> memref<8x128xf32, #tpu.memory_space<hbm>>
    tpu.wait_dma2 semaphore(%arg10 : memref<!tpu.dma_semaphore, #tpu.memory_space<semaphore_mem>>) src(%dma_wait3A_1760 : memref<8x128xf32, #tpu.memory_space<hbm>>) dst(%dma_wait3A_1759 : memref<8x128xf32, #tpu.memory_space<vmem>>)
    %dma_wait3A_1761 = arith.constant 59 : i32
    %dma_wait3A_1762 = arith.constant 0 : i32
    %dma_wait3A_1763 = arith.constant 0 : i32
    %dma_wait3A_1764 = tpu.memref_slice %arg7[%dma_wait3A_1761, %dma_wait3A_1762, %dma_wait3A_1763] : memref<64x8x128xf32, #tpu.memory_space<vmem>> -> memref<1x8x128xf32, #tpu.memory_space<vmem>>
    %dma_wait3A_1765 = tpu.memref_squeeze %dma_wait3A_1764 : memref<1x8x128xf32, #tpu.memory_space<vmem>> -> memref<8x128xf32, #tpu.memory_space<vmem>>
    %dma_wait3A_1766 = tpu.memref_slice %arg2[%multiple_of3A_1033, %multiple_of3A_1030] : memref<1024x100000xf32, #tpu.memory_space<hbm>> -> memref<8x128xf32, #tpu.memory_space<hbm>>
    %dma_wait3A_1767 = arith.constant 0 : i32
    %dma_wait3A_1768 = arith.constant 0 : i32
    %dma_wait3A_1769 = tpu.memref_slice %arg7[%dma_wait3A_1761, %dma_wait3A_1767, %dma_wait3A_1768] : memref<64x8x128xf32, #tpu.memory_space<vmem>> -> memref<1x8x128xf32, #tpu.memory_space<vmem>>
    %dma_wait3A_1770 = tpu.memref_squeeze %dma_wait3A_1769 : memref<1x8x128xf32, #tpu.memory_space<vmem>> -> memref<8x128xf32, #tpu.memory_space<vmem>>
    %dma_wait3A_1771 = tpu.memref_slice %arg2[%multiple_of3A_1033, %multiple_of3A_1030] : memref<1024x100000xf32, #tpu.memory_space<hbm>> -> memref<8x128xf32, #tpu.memory_space<hbm>>
    tpu.wait_dma2 semaphore(%arg10 : memref<!tpu.dma_semaphore, #tpu.memory_space<semaphore_mem>>) src(%dma_wait3A_1771 : memref<8x128xf32, #tpu.memory_space<hbm>>) dst(%dma_wait3A_1770 : memref<8x128xf32, #tpu.memory_space<vmem>>)
    %dma_wait3A_1772 = arith.constant 60 : i32
    %dma_wait3A_1773 = arith.constant 0 : i32
    %dma_wait3A_1774 = arith.constant 0 : i32
    %dma_wait3A_1775 = tpu.memref_slice %arg7[%dma_wait3A_1772, %dma_wait3A_1773, %dma_wait3A_1774] : memref<64x8x128xf32, #tpu.memory_space<vmem>> -> memref<1x8x128xf32, #tpu.memory_space<vmem>>
    %dma_wait3A_1776 = tpu.memref_squeeze %dma_wait3A_1775 : memref<1x8x128xf32, #tpu.memory_space<vmem>> -> memref<8x128xf32, #tpu.memory_space<vmem>>
    %dma_wait3A_1777 = tpu.memref_slice %arg2[%multiple_of3A_1050, %multiple_of3A_1047] : memref<1024x100000xf32, #tpu.memory_space<hbm>> -> memref<8x128xf32, #tpu.memory_space<hbm>>
    %dma_wait3A_1778 = arith.constant 0 : i32
    %dma_wait3A_1779 = arith.constant 0 : i32
    %dma_wait3A_1780 = tpu.memref_slice %arg7[%dma_wait3A_1772, %dma_wait3A_1778, %dma_wait3A_1779] : memref<64x8x128xf32, #tpu.memory_space<vmem>> -> memref<1x8x128xf32, #tpu.memory_space<vmem>>
    %dma_wait3A_1781 = tpu.memref_squeeze %dma_wait3A_1780 : memref<1x8x128xf32, #tpu.memory_space<vmem>> -> memref<8x128xf32, #tpu.memory_space<vmem>>
    %dma_wait3A_1782 = tpu.memref_slice %arg2[%multiple_of3A_1050, %multiple_of3A_1047] : memref<1024x100000xf32, #tpu.memory_space<hbm>> -> memref<8x128xf32, #tpu.memory_space<hbm>>
    tpu.wait_dma2 semaphore(%arg10 : memref<!tpu.dma_semaphore, #tpu.memory_space<semaphore_mem>>) src(%dma_wait3A_1782 : memref<8x128xf32, #tpu.memory_space<hbm>>) dst(%dma_wait3A_1781 : memref<8x128xf32, #tpu.memory_space<vmem>>)
    %dma_wait3A_1783 = arith.constant 61 : i32
    %dma_wait3A_1784 = arith.constant 0 : i32
    %dma_wait3A_1785 = arith.constant 0 : i32
    %dma_wait3A_1786 = tpu.memref_slice %arg7[%dma_wait3A_1783, %dma_wait3A_1784, %dma_wait3A_1785] : memref<64x8x128xf32, #tpu.memory_space<vmem>> -> memref<1x8x128xf32, #tpu.memory_space<vmem>>
    %dma_wait3A_1787 = tpu.memref_squeeze %dma_wait3A_1786 : memref<1x8x128xf32, #tpu.memory_space<vmem>> -> memref<8x128xf32, #tpu.memory_space<vmem>>
    %dma_wait3A_1788 = tpu.memref_slice %arg2[%multiple_of3A_1067, %multiple_of3A_1064] : memref<1024x100000xf32, #tpu.memory_space<hbm>> -> memref<8x128xf32, #tpu.memory_space<hbm>>
    %dma_wait3A_1789 = arith.constant 0 : i32
    %dma_wait3A_1790 = arith.constant 0 : i32
    %dma_wait3A_1791 = tpu.memref_slice %arg7[%dma_wait3A_1783, %dma_wait3A_1789, %dma_wait3A_1790] : memref<64x8x128xf32, #tpu.memory_space<vmem>> -> memref<1x8x128xf32, #tpu.memory_space<vmem>>
    %dma_wait3A_1792 = tpu.memref_squeeze %dma_wait3A_1791 : memref<1x8x128xf32, #tpu.memory_space<vmem>> -> memref<8x128xf32, #tpu.memory_space<vmem>>
    %dma_wait3A_1793 = tpu.memref_slice %arg2[%multiple_of3A_1067, %multiple_of3A_1064] : memref<1024x100000xf32, #tpu.memory_space<hbm>> -> memref<8x128xf32, #tpu.memory_space<hbm>>
    tpu.wait_dma2 semaphore(%arg10 : memref<!tpu.dma_semaphore, #tpu.memory_space<semaphore_mem>>) src(%dma_wait3A_1793 : memref<8x128xf32, #tpu.memory_space<hbm>>) dst(%dma_wait3A_1792 : memref<8x128xf32, #tpu.memory_space<vmem>>)
    %dma_wait3A_1794 = arith.constant 62 : i32
    %dma_wait3A_1795 = arith.constant 0 : i32
    %dma_wait3A_1796 = arith.constant 0 : i32
    %dma_wait3A_1797 = tpu.memref_slice %arg7[%dma_wait3A_1794, %dma_wait3A_1795, %dma_wait3A_1796] : memref<64x8x128xf32, #tpu.memory_space<vmem>> -> memref<1x8x128xf32, #tpu.memory_space<vmem>>
    %dma_wait3A_1798 = tpu.memref_squeeze %dma_wait3A_1797 : memref<1x8x128xf32, #tpu.memory_space<vmem>> -> memref<8x128xf32, #tpu.memory_space<vmem>>
    %dma_wait3A_1799 = tpu.memref_slice %arg2[%multiple_of3A_1084, %multiple_of3A_1081] : memref<1024x100000xf32, #tpu.memory_space<hbm>> -> memref<8x128xf32, #tpu.memory_space<hbm>>
    %dma_wait3A_1800 = arith.constant 0 : i32
    %dma_wait3A_1801 = arith.constant 0 : i32
    %dma_wait3A_1802 = tpu.memref_slice %arg7[%dma_wait3A_1794, %dma_wait3A_1800, %dma_wait3A_1801] : memref<64x8x128xf32, #tpu.memory_space<vmem>> -> memref<1x8x128xf32, #tpu.memory_space<vmem>>
    %dma_wait3A_1803 = tpu.memref_squeeze %dma_wait3A_1802 : memref<1x8x128xf32, #tpu.memory_space<vmem>> -> memref<8x128xf32, #tpu.memory_space<vmem>>
    %dma_wait3A_1804 = tpu.memref_slice %arg2[%multiple_of3A_1084, %multiple_of3A_1081] : memref<1024x100000xf32, #tpu.memory_space<hbm>> -> memref<8x128xf32, #tpu.memory_space<hbm>>
    tpu.wait_dma2 semaphore(%arg10 : memref<!tpu.dma_semaphore, #tpu.memory_space<semaphore_mem>>) src(%dma_wait3A_1804 : memref<8x128xf32, #tpu.memory_space<hbm>>) dst(%dma_wait3A_1803 : memref<8x128xf32, #tpu.memory_space<vmem>>)
    %dma_wait3A_1805 = arith.constant 63 : i32
    %dma_wait3A_1806 = arith.constant 0 : i32
    %dma_wait3A_1807 = arith.constant 0 : i32
    %dma_wait3A_1808 = tpu.memref_slice %arg7[%dma_wait3A_1805, %dma_wait3A_1806, %dma_wait3A_1807] : memref<64x8x128xf32, #tpu.memory_space<vmem>> -> memref<1x8x128xf32, #tpu.memory_space<vmem>>
    %dma_wait3A_1809 = tpu.memref_squeeze %dma_wait3A_1808 : memref<1x8x128xf32, #tpu.memory_space<vmem>> -> memref<8x128xf32, #tpu.memory_space<vmem>>
    %dma_wait3A_1810 = tpu.memref_slice %arg2[%multiple_of3A_1101, %multiple_of3A_1098] : memref<1024x100000xf32, #tpu.memory_space<hbm>> -> memref<8x128xf32, #tpu.memory_space<hbm>>
    %dma_wait3A_1811 = arith.constant 0 : i32
    %dma_wait3A_1812 = arith.constant 0 : i32
    %dma_wait3A_1813 = tpu.memref_slice %arg7[%dma_wait3A_1805, %dma_wait3A_1811, %dma_wait3A_1812] : memref<64x8x128xf32, #tpu.memory_space<vmem>> -> memref<1x8x128xf32, #tpu.memory_space<vmem>>
    %dma_wait3A_1814 = tpu.memref_squeeze %dma_wait3A_1813 : memref<1x8x128xf32, #tpu.memory_space<vmem>> -> memref<8x128xf32, #tpu.memory_space<vmem>>
    %dma_wait3A_1815 = tpu.memref_slice %arg2[%multiple_of3A_1101, %multiple_of3A_1098] : memref<1024x100000xf32, #tpu.memory_space<hbm>> -> memref<8x128xf32, #tpu.memory_space<hbm>>
    tpu.wait_dma2 semaphore(%arg10 : memref<!tpu.dma_semaphore, #tpu.memory_space<semaphore_mem>>) src(%dma_wait3A_1815 : memref<8x128xf32, #tpu.memory_space<hbm>>) dst(%dma_wait3A_1814 : memref<8x128xf32, #tpu.memory_space<vmem>>)
    %iota3A = tpu.iota {dimensions = array<i32: 0>} : vector<16xi32>
    %broadcast_in_dim3A = arith.constant 0.000000e+00 : f32
    %broadcast_in_dim3A_1816 = vector.broadcast %broadcast_in_dim3A : f32 to vector<16xf32>
    %get3A_1817 = arith.constant 0 : index
    %get3A_1818 = tpu.vector_load %arg6[%get3A_1817] {strides = array<i32>} : memref<64xi32, #tpu.memory_space<vmem>>, vector<16xi32>,
    %add3A_1819 = arith.constant 0 : i32
    %add3A_1820 = vector.broadcast %add3A_1819 : i32 to vector<16xi32>
    %add3A_1821 = arith.addi %iota3A, %add3A_1820 : vector<16xi32>
    %and3A = arith.constant 7 : i32
    %and3A_1822 = vector.broadcast %and3A : i32 to vector<16xi32>
    %and3A_1823 = arith.andi %iota3A, %and3A_1822 : vector<16xi32>
    %and3A_1824 = arith.constant 127 : i32
    %and3A_1825 = vector.broadcast %and3A_1824 : i32 to vector<16xi32>
    %and3A_1826 = arith.andi %get3A_1818, %and3A_1825 : vector<16xi32>
    %gather3A = tpu.vector_load_idx %arg7[%add3A_1821, %and3A_1823, %and3A_1826] : memref<64x8x128xf32, #tpu.memory_space<vmem>>[vector<16xi32>, vector<16xi32>, vector<16xi32>], vector<16xf32>,
    %add3A_1827 = arith.addf %broadcast_in_dim3A_1816, %gather3A : vector<16xf32>
    %get3A_1828 = arith.constant 16 : index
    %get3A_1829 = tpu.vector_load %arg6[%get3A_1828] {strides = array<i32>} : memref<64xi32, #tpu.memory_space<vmem>>, vector<16xi32>,
    %add3A_1830 = arith.constant 16 : i32
    %add3A_1831 = vector.broadcast %add3A_1830 : i32 to vector<16xi32>
    %add3A_1832 = arith.addi %iota3A, %add3A_1831 : vector<16xi32>
    %and3A_1833 = arith.constant 7 : i32
    %and3A_1834 = vector.broadcast %and3A_1833 : i32 to vector<16xi32>
    %and3A_1835 = arith.andi %iota3A, %and3A_1834 : vector<16xi32>
    %and3A_1836 = arith.constant 127 : i32
    %and3A_1837 = vector.broadcast %and3A_1836 : i32 to vector<16xi32>
    %and3A_1838 = arith.andi %get3A_1829, %and3A_1837 : vector<16xi32>
    %gather3A_1839 = tpu.vector_load_idx %arg7[%add3A_1832, %and3A_1835, %and3A_1838] : memref<64x8x128xf32, #tpu.memory_space<vmem>>[vector<16xi32>, vector<16xi32>, vector<16xi32>], vector<16xf32>,
    %add3A_1840 = arith.addf %add3A_1827, %gather3A_1839 : vector<16xf32>
    %get3A_1841 = arith.constant 32 : index
    %get3A_1842 = tpu.vector_load %arg6[%get3A_1841] {strides = array<i32>} : memref<64xi32, #tpu.memory_space<vmem>>, vector<16xi32>,
    %add3A_1843 = arith.constant 32 : i32
    %add3A_1844 = vector.broadcast %add3A_1843 : i32 to vector<16xi32>
    %add3A_1845 = arith.addi %iota3A, %add3A_1844 : vector<16xi32>
    %and3A_1846 = arith.constant 7 : i32
    %and3A_1847 = vector.broadcast %and3A_1846 : i32 to vector<16xi32>
    %and3A_1848 = arith.andi %iota3A, %and3A_1847 : vector<16xi32>
    %and3A_1849 = arith.constant 127 : i32
    %and3A_1850 = vector.broadcast %and3A_1849 : i32 to vector<16xi32>
    %and3A_1851 = arith.andi %get3A_1842, %and3A_1850 : vector<16xi32>
    %gather3A_1852 = tpu.vector_load_idx %arg7[%add3A_1845, %and3A_1848, %and3A_1851] : memref<64x8x128xf32, #tpu.memory_space<vmem>>[vector<16xi32>, vector<16xi32>, vector<16xi32>], vector<16xf32>,
    %add3A_1853 = arith.addf %add3A_1840, %gather3A_1852 : vector<16xf32>
    %get3A_1854 = arith.constant 48 : index
    %get3A_1855 = tpu.vector_load %arg6[%get3A_1854] {strides = array<i32>} : memref<64xi32, #tpu.memory_space<vmem>>, vector<16xi32>,
    %add3A_1856 = arith.constant 48 : i32
    %add3A_1857 = vector.broadcast %add3A_1856 : i32 to vector<16xi32>
    %add3A_1858 = arith.addi %iota3A, %add3A_1857 : vector<16xi32>
    %and3A_1859 = arith.constant 7 : i32
    %and3A_1860 = vector.broadcast %and3A_1859 : i32 to vector<16xi32>
    %and3A_1861 = arith.andi %iota3A, %and3A_1860 : vector<16xi32>
    %and3A_1862 = arith.constant 127 : i32
    %and3A_1863 = vector.broadcast %and3A_1862 : i32 to vector<16xi32>
    %and3A_1864 = arith.andi %get3A_1855, %and3A_1863 : vector<16xi32>
    %gather3A_1865 = tpu.vector_load_idx %arg7[%add3A_1858, %and3A_1861, %and3A_1864] : memref<64x8x128xf32, #tpu.memory_space<vmem>>[vector<16xi32>, vector<16xi32>, vector<16xi32>], vector<16xf32>,
    %add3A_1866 = arith.addf %add3A_1853, %gather3A_1865 : vector<16xf32>
    %swap3A = arith.constant 0 : index
    %swap3A_1867 = tpu.vector_load %arg8[%swap3A] {strides = array<i32>} : memref<16xf32, #tpu.memory_space<vmem>>, vector<16xf32>,
    tpu.vector_store %arg8[%swap3A], %add3A_1866 {strides = array<i32>} : memref<16xf32, #tpu.memory_space<vmem>>, vector<16xf32>,
    "tpu.region"() ({
      %run_scoped3A = tpu.sem_alloc : memref<!tpu.dma_semaphore, #tpu.memory_space<semaphore_mem>>
      %dma_start3A_1870 = arith.constant 0 : i32
      %dma_start3A_1871 = tpu.memref_slice %arg5[%arg1, %dma_start3A_1870] : memref<16x16xf32, #tpu.memory_space<hbm>> -> memref<1x16xf32, #tpu.memory_space<hbm>>
      %dma_start3A_1872 = tpu.memref_squeeze %dma_start3A_1871 : memref<1x16xf32, #tpu.memory_space<hbm>> -> memref<16xf32, #tpu.memory_space<hbm>>
      %dma_start3A_1873 = arith.constant 0 : i32
      %dma_start3A_1874 = tpu.memref_slice %arg5[%arg1, %dma_start3A_1873] : memref<16x16xf32, #tpu.memory_space<hbm>> -> memref<1x16xf32, #tpu.memory_space<hbm>>
      %dma_start3A_1875 = tpu.memref_squeeze %dma_start3A_1874 : memref<1x16xf32, #tpu.memory_space<hbm>> -> memref<16xf32, #tpu.memory_space<hbm>>
      tpu.enqueue_dma source(%arg8 : memref<16xf32, #tpu.memory_space<vmem>>) target(%dma_start3A_1875 : memref<16xf32, #tpu.memory_space<hbm>>) target_semaphore(%run_scoped3A : memref<!tpu.dma_semaphore, #tpu.memory_space<semaphore_mem>>)
      %dma_wait3A_1876 = arith.constant 0 : i32
      %dma_wait3A_1877 = tpu.memref_slice %arg5[%arg1, %dma_wait3A_1876] : memref<16x16xf32, #tpu.memory_space<hbm>> -> memref<1x16xf32, #tpu.memory_space<hbm>>
      %dma_wait3A_1878 = tpu.memref_squeeze %dma_wait3A_1877 : memref<1x16xf32, #tpu.memory_space<hbm>> -> memref<16xf32, #tpu.memory_space<hbm>>
      %dma_wait3A_1879 = arith.constant 0 : i32
      %dma_wait3A_1880 = tpu.memref_slice %arg5[%arg1, %dma_wait3A_1879] : memref<16x16xf32, #tpu.memory_space<hbm>> -> memref<1x16xf32, #tpu.memory_space<hbm>>
      %dma_wait3A_1881 = tpu.memref_squeeze %dma_wait3A_1880 : memref<1x16xf32, #tpu.memory_space<hbm>> -> memref<16xf32, #tpu.memory_space<hbm>>
      tpu.wait_dma2 semaphore(%run_scoped3A : memref<!tpu.dma_semaphore, #tpu.memory_space<semaphore_mem>>) src(%arg8 : memref<16xf32, #tpu.memory_space<vmem>>) dst(%dma_wait3A_1881 : memref<16xf32, #tpu.memory_space<hbm>>)
      tpu.yield
    }) : () -> ()
    %barrier3A = arith.constant 0 : index
    tpu.barrier barrier_id(%barrier3A)
    %eq3A = arith.constant 0 : i32
    %eq3A_1868 = arith.cmpi eq, %arg1, %eq3A : i32
    %convert_element_type3A = arith.extui %eq3A_1868 : i1 to i32
    %cond3A = arith.constant 0 : i32
    %cond3A_1869 = arith.cmpi ne, %convert_element_type3A, %cond3A : i32
    scf.if %cond3A_1869 {
      "tpu.region"() ({
        %run_scoped3A = tpu.sem_alloc : memref<!tpu.dma_semaphore, #tpu.memory_space<semaphore_mem>>
        tpu.enqueue_dma source(%arg5 : memref<16x16xf32, #tpu.memory_space<hbm>>) target(%arg9 : memref<16x16xf32, #tpu.memory_space<vmem>>) target_semaphore(%run_scoped3A : memref<!tpu.dma_semaphore, #tpu.memory_space<semaphore_mem>>)
        tpu.wait_dma2 semaphore(%run_scoped3A : memref<!tpu.dma_semaphore, #tpu.memory_space<semaphore_mem>>) src(%arg5 : memref<16x16xf32, #tpu.memory_space<hbm>>) dst(%arg9 : memref<16x16xf32, #tpu.memory_space<vmem>>)
        tpu.yield
      }) : () -> ()
      %broadcast_in_dim3A_1870 = arith.constant 0.000000e+00 : f32
      %broadcast_in_dim3A_1871 = vector.broadcast %broadcast_in_dim3A_1870 : f32 to vector<16xf32>
      %get3A_1872 = arith.constant 0 : i32
      %get3A_1873 = arith.index_cast %get3A_1872 : i32 to index
      %get3A_1874 = arith.constant 0 : index
      %get3A_1875 = tpu.vector_load %arg9[%get3A_1873, %get3A_1874] {strides = array<i32>} : memref<16x16xf32, #tpu.memory_space<vmem>>, vector<16xf32>,
      %add3A_1876 = arith.addf %broadcast_in_dim3A_1871, %get3A_1875 : vector<16xf32>
      %get3A_1877 = arith.constant 1 : i32
      %get3A_1878 = arith.index_cast %get3A_1877 : i32 to index
      %get3A_1879 = arith.constant 0 : index
      %get3A_1880 = tpu.vector_load %arg9[%get3A_1878, %get3A_1879] {strides = array<i32>} : memref<16x16xf32, #tpu.memory_space<vmem>>, vector<16xf32>,
      %add3A_1881 = arith.addf %add3A_1876, %get3A_1880 : vector<16xf32>
      %get3A_1882 = arith.constant 2 : i32
      %get3A_1883 = arith.index_cast %get3A_1882 : i32 to index
      %get3A_1884 = arith.constant 0 : index
      %get3A_1885 = tpu.vector_load %arg9[%get3A_1883, %get3A_1884] {strides = array<i32>} : memref<16x16xf32, #tpu.memory_space<vmem>>, vector<16xf32>,
      %add3A_1886 = arith.addf %add3A_1881, %get3A_1885 : vector<16xf32>
      %get3A_1887 = arith.constant 3 : i32
      %get3A_1888 = arith.index_cast %get3A_1887 : i32 to index
      %get3A_1889 = arith.constant 0 : index
      %get3A_1890 = tpu.vector_load %arg9[%get3A_1888, %get3A_1889] {strides = array<i32>} : memref<16x16xf32, #tpu.memory_space<vmem>>, vector<16xf32>,
      %add3A_1891 = arith.addf %add3A_1886, %get3A_1890 : vector<16xf32>
      %get3A_1892 = arith.constant 4 : i32
      %get3A_1893 = arith.index_cast %get3A_1892 : i32 to index
      %get3A_1894 = arith.constant 0 : index
      %get3A_1895 = tpu.vector_load %arg9[%get3A_1893, %get3A_1894] {strides = array<i32>} : memref<16x16xf32, #tpu.memory_space<vmem>>, vector<16xf32>,
      %add3A_1896 = arith.addf %add3A_1891, %get3A_1895 : vector<16xf32>
      %get3A_1897 = arith.constant 5 : i32
      %get3A_1898 = arith.index_cast %get3A_1897 : i32 to index
      %get3A_1899 = arith.constant 0 : index
      %get3A_1900 = tpu.vector_load %arg9[%get3A_1898, %get3A_1899] {strides = array<i32>} : memref<16x16xf32, #tpu.memory_space<vmem>>, vector<16xf32>,
      %add3A_1901 = arith.addf %add3A_1896, %get3A_1900 : vector<16xf32>
      %get3A_1902 = arith.constant 6 : i32
      %get3A_1903 = arith.index_cast %get3A_1902 : i32 to index
      %get3A_1904 = arith.constant 0 : index
      %get3A_1905 = tpu.vector_load %arg9[%get3A_1903, %get3A_1904] {strides = array<i32>} : memref<16x16xf32, #tpu.memory_space<vmem>>, vector<16xf32>,
      %add3A_1906 = arith.addf %add3A_1901, %get3A_1905 : vector<16xf32>
      %get3A_1907 = arith.constant 7 : i32
      %get3A_1908 = arith.index_cast %get3A_1907 : i32 to index
      %get3A_1909 = arith.constant 0 : index
      %get3A_1910 = tpu.vector_load %arg9[%get3A_1908, %get3A_1909] {strides = array<i32>} : memref<16x16xf32, #tpu.memory_space<vmem>>, vector<16xf32>,
      %add3A_1911 = arith.addf %add3A_1906, %get3A_1910 : vector<16xf32>
      %get3A_1912 = arith.constant 8 : i32
      %get3A_1913 = arith.index_cast %get3A_1912 : i32 to index
      %get3A_1914 = arith.constant 0 : index
      %get3A_1915 = tpu.vector_load %arg9[%get3A_1913, %get3A_1914] {strides = array<i32>} : memref<16x16xf32, #tpu.memory_space<vmem>>, vector<16xf32>,
      %add3A_1916 = arith.addf %add3A_1911, %get3A_1915 : vector<16xf32>
      %get3A_1917 = arith.constant 9 : i32
      %get3A_1918 = arith.index_cast %get3A_1917 : i32 to index
      %get3A_1919 = arith.constant 0 : index
      %get3A_1920 = tpu.vector_load %arg9[%get3A_1918, %get3A_1919] {strides = array<i32>} : memref<16x16xf32, #tpu.memory_space<vmem>>, vector<16xf32>,
      %add3A_1921 = arith.addf %add3A_1916, %get3A_1920 : vector<16xf32>
      %get3A_1922 = arith.constant 10 : i32
      %get3A_1923 = arith.index_cast %get3A_1922 : i32 to index
      %get3A_1924 = arith.constant 0 : index
      %get3A_1925 = tpu.vector_load %arg9[%get3A_1923, %get3A_1924] {strides = array<i32>} : memref<16x16xf32, #tpu.memory_space<vmem>>, vector<16xf32>,
      %add3A_1926 = arith.addf %add3A_1921, %get3A_1925 : vector<16xf32>
      %get3A_1927 = arith.constant 11 : i32
      %get3A_1928 = arith.index_cast %get3A_1927 : i32 to index
      %get3A_1929 = arith.constant 0 : index
      %get3A_1930 = tpu.vector_load %arg9[%get3A_1928, %get3A_1929] {strides = array<i32>} : memref<16x16xf32, #tpu.memory_space<vmem>>, vector<16xf32>,
      %add3A_1931 = arith.addf %add3A_1926, %get3A_1930 : vector<16xf32>
      %get3A_1932 = arith.constant 12 : i32
      %get3A_1933 = arith.index_cast %get3A_1932 : i32 to index
      %get3A_1934 = arith.constant 0 : index
      %get3A_1935 = tpu.vector_load %arg9[%get3A_1933, %get3A_1934] {strides = array<i32>} : memref<16x16xf32, #tpu.memory_space<vmem>>, vector<16xf32>,
      %add3A_1936 = arith.addf %add3A_1931, %get3A_1935 : vector<16xf32>
      %get3A_1937 = arith.constant 13 : i32
      %get3A_1938 = arith.index_cast %get3A_1937 : i32 to index
      %get3A_1939 = arith.constant 0 : index
      %get3A_1940 = tpu.vector_load %arg9[%get3A_1938, %get3A_1939] {strides = array<i32>} : memref<16x16xf32, #tpu.memory_space<vmem>>, vector<16xf32>,
      %add3A_1941 = arith.addf %add3A_1936, %get3A_1940 : vector<16xf32>
      %get3A_1942 = arith.constant 14 : i32
      %get3A_1943 = arith.index_cast %get3A_1942 : i32 to index
      %get3A_1944 = arith.constant 0 : index
      %get3A_1945 = tpu.vector_load %arg9[%get3A_1943, %get3A_1944] {strides = array<i32>} : memref<16x16xf32, #tpu.memory_space<vmem>>, vector<16xf32>,
      %add3A_1946 = arith.addf %add3A_1941, %get3A_1945 : vector<16xf32>
      %get3A_1947 = arith.constant 15 : i32
      %get3A_1948 = arith.index_cast %get3A_1947 : i32 to index
      %get3A_1949 = arith.constant 0 : index
      %get3A_1950 = tpu.vector_load %arg9[%get3A_1948, %get3A_1949] {strides = array<i32>} : memref<16x16xf32, #tpu.memory_space<vmem>>, vector<16xf32>,
      %add3A_1951 = arith.addf %add3A_1946, %get3A_1950 : vector<16xf32>
      %reduce_sum3A = arith.constant true
      %reduce_sum3A_1952 = vector.broadcast %reduce_sum3A : i1 to vector<16xi1>
      %reduce_sum3A_1953 = tpu.scan <sum>, %add3A_1951 masked %reduce_sum3A_1952 : vector<16xf32>, vector<16xi1> -> vector<16xf32>
      %reduce_sum3A_1954 = vector.extract %reduce_sum3A_1953[15] : f32 from vector<16xf32>
      %broadcast_in_dim3A_1955 = arith.constant 0.000000e+00 : f32
      %broadcast_in_dim3A_1956 = vector.broadcast %broadcast_in_dim3A_1955 : f32 to vector<16xf32>
      %add3A_1957 = vector.broadcast %reduce_sum3A_1954 : f32 to vector<16xf32>
      %add3A_1958 = arith.addf %broadcast_in_dim3A_1956, %add3A_1957 : vector<16xf32>
      %mul3A_1959 = arith.constant -9.765625E-4 : f32
      %mul3A_1960 = vector.broadcast %mul3A_1959 : f32 to vector<16xf32>
      %mul3A_1961 = arith.mulf %add3A_1958, %mul3A_1960 : vector<16xf32>
      %swap3A_1962 = arith.constant 0 : index
      %swap3A_1963 = tpu.vector_load %arg8[%swap3A_1962] {strides = array<i32>} : memref<16xf32, #tpu.memory_space<vmem>>, vector<16xf32>,
      tpu.vector_store %arg8[%swap3A_1962], %mul3A_1961 {strides = array<i32>} : memref<16xf32, #tpu.memory_space<vmem>>, vector<16xf32>,
      "tpu.region"() ({
        %run_scoped3A = tpu.sem_alloc : memref<!tpu.dma_semaphore, #tpu.memory_space<semaphore_mem>>
        tpu.enqueue_dma source(%arg8 : memref<16xf32, #tpu.memory_space<vmem>>) target(%arg4 : memref<16xf32, #tpu.memory_space<hbm>>) target_semaphore(%run_scoped3A : memref<!tpu.dma_semaphore, #tpu.memory_space<semaphore_mem>>)
        tpu.wait_dma2 semaphore(%run_scoped3A : memref<!tpu.dma_semaphore, #tpu.memory_space<semaphore_mem>>) src(%arg8 : memref<16xf32, #tpu.memory_space<vmem>>) dst(%arg4 : memref<16xf32, #tpu.memory_space<hbm>>)
        tpu.yield
      }) : () -> ()
    } else {
    }
    return
  }
}

</mosaic_0001>

<sc_bundles>
// kernel: kernel.3.cloned.1.call-start
scs
__scs_entry_jumppad:
0x0: {  	(pc) =	sbr.rel $0x88, $3  }
0x1: {  	(tag) =	ssettag $0x0;
	lr =	simm.s32 $0x1  }
0x2: {  	[smem:$0x3F9F] =	sst lr;
	_ =	strace $0xD0000000  }
0x3: {  	_ = 	snop  }
0x4: {  	_ = 	snop  }
0x5: {  	_ = 	snop  }
0x6: {  	_ = 	snop  }
0x7: {  	_ = 	snop  }
__scs_overlays_trampoline_lowered:
0x8: {  	[smem:$0x3FAE] =	sst s0  }
0x9: {  	[smem:$0x3FAF] =	sst s1  }
0xa: {  	[smem:$0x3FB0] =	sst s2  }
0xb: {  	[smem:$0x3FB1] =	sst s3  }
0xc: {  	[smem:$0x3FB2] =	sst s4  }
0xd: {  	[smem:$0x3FB3] =	sst s5  }
0xe: {  	[smem:$0x3FB4] =	sst s6  }
0xf: {  	[smem:$0x3FB5] =	sst s7  }
0x10: {  	[smem:$0x3FB6] =	sst s8  }
0x11: {  	[smem:$0x3FB7] =	sst s9;
	s0 =	simm.s32 @!p0 $0x0  }
0x12: {  	s1 =	sld [smem:$0x3F9D];
	s0 =	simm.s32 @p0 $0x1  }
0x13: {  	[smem:$0x3FB8] =	sst s0;
	s0 =	simm.s32 @!p1 $0x0  }
0x14: {  	s2 =	sld [smem:$0x3F9C];
	s0 =	simm.s32 @p1 $0x1  }
0x15: {  	[smem:$0x3FB9] =	sst s0;
	s0 =	simm.s32 @!p2 $0x0  }
0x16: {  	s3 =	sld [smem:$0x3FDB];
	s0 =	simm.s32 @p2 $0x1  }
0x17: {  	s4 =	simm.s32 $0x1BF5;
	[smem:$0x3FBB] =	sst s0  }
0x18: {  	s0 =	sld [smem:$0x3F9E];
	_ =	swait.ge [sflag:s4], $0x0  }
0x19: {  	s7 =	sld [smem:$0x3F9F]  }
0x1a: {  	s8 =	sadd.s32 $0xFFFFE003, lr  }
0x1b: {  	s9 =	sadd.s32 $0xFFFFFEF7, lr;
	s5 =	simm.s32 $0xFFFFFFFF;
	p2 =	slt.u32 s8, $0xFFFFF086  }
0x1c: {  	p1 =	slt.u32 s9, $0xF7A;
	s5 =	simm.s32 @!p2 $0x0  }
0x1d: {  	s5 =	simm.s32 @p1 $0x1;
	p0 =	seq.s32 s7, s2  }
0x1e: {  	s7 =	smul.u32 @!p0 $0xF7A, s2;
	p2 =	seq.s32 @!p0 s5, $0x0  }
0x1f: {  	s9 =	smul.u32 $0xF7A, s1;
	s8 =	simm.s32 @!p0 $0x1BF5;
	p2 =	por !p2, p0  }
0x20: {  	[sflag:s8] =	ssyncset.s32 @!p0 $0xFFFFF086;
	s6 =	sadd.s32 @!p0 s3, s7;
	s7 =	simm.s32 @!p0 $0x108  }
0x21: {  	s3 =	sadd.s32 s3, s9;
	s6 =	sadd.s32 @!p0 $0x88, s6;
	s7 =	simm.s32 @p2 $0x1082  }
0x22: {  	[simem:s7], [sflag:s8] =	dma.local @!p0 [hbm:s6], $0xF7A  }
0x23: {  	s9 =	sor.u32 $0xD0000000, s2;
	s6 =	simm.s32 $0x108;
	_ =	swait.ge @!p0 [sflag:s8], $0x0  }
0x24: {  	s3 =	sadd.s32 $0x88, s3;
	s6 =	simm.s32 @!p1 $0x1082;
	[sflag:s4] =	ssyncset.s32 $0xFFFFF086  }
0x25: {  	[simem:s6], [sflag:s4] =	dma.local [hbm:s3], $0xF7A  }
0x26: {  	[smem:$0x3F9F] =	sst s1;
	(tag) =	ssettag s2;
	_ =	strace s9  }
0x27: {  	s1 =	sld [smem:$0x3FAF]  }
0x28: {  	s2 =	sld [smem:$0x3FB0]  }
0x29: {  	s4 =	sld [smem:$0x3FB2]  }
0x2a: {  	p0 =	seq.s32 s5, $0x0;
	s5 =	sld [smem:$0x3FB3]  }
0x2b: {  	s6 =	sld [smem:$0x3FB4]  }
0x2c: {  	s7 =	sld [smem:$0x3FB5]  }
0x2d: {  	s3 =	simm.s32 $0x108;
	s8 =	sld [smem:$0x3FB6]  }
0x2e: {  	s3 =	simm.s32 @!p0 $0x1082;
	s9 =	sld [smem:$0x3FB7]  }
0x2f: {  	lr =	sadd.s32 s0, s3;
	s0 =	sld [smem:$0x3FAE]  }
0x30: {  	s3 =	sld [smem:$0x3FB1]  }
0x31: {  	[smem:$0x3FBA] =	sst s10  }
0x32: {  	s10 =	sld [smem:$0x3FB8];
	_ =	sdelay $0x3  }
0x33: {  	p0 =	seq.s32 s10, $0x1;
	s10 =	sld [smem:$0x3FBA];
	_ =	sdelay $0x3  }
0x34: {  	[smem:$0x3FBA] =	sst s10  }
0x35: {  	s10 =	sld [smem:$0x3FB9];
	_ =	sdelay $0x3  }
0x36: {  	p1 =	seq.s32 s10, $0x1;
	s10 =	sld [smem:$0x3FBA];
	_ =	sdelay $0x3  }
0x37: {  	[smem:$0x3FBA] =	sst s10  }
0x38: {  	s10 =	sld [smem:$0x3FBB]  }
0x39: {  	_ = 	snop;
	(pc) =	sbr.ind lr, $3  }
0x3a: {  	_ = 	snop  }
0x3b: {  	_ = 	snop  }
0x3c: {  	p2 =	seq.s32 s10, $0x1;
	s10 =	sld [smem:$0x3FBA]  }
0x3d: {  	_ =	shalt  }
0x3e: {  	_ =	shalt  }
0x3f: {  	_ =	shalt  }
0x40: {  	_ =	shalt  }
0x41: {  	_ =	shalt  }
0x42: {  	_ =	shalt  }
0x43: {  	_ =	shalt  }
0x44: {  	_ =	shalt  }
0x45: {  	_ =	shalt  }
0x46: {  	_ =	shalt  }
0x47: {  	_ =	shalt  }
0x48: {  	_ =	shalt  }
0x49: {  	_ =	shalt  }
0x4a: {  	_ =	shalt  }
0x4b: {  	_ =	shalt  }
0x4c: {  	_ =	shalt  }
0x4d: {  	_ =	shalt  }
0x4e: {  	_ =	shalt  }
0x4f: {  	_ =	shalt  }
0x50: {  	_ =	shalt  }
0x51: {  	_ =	shalt  }
0x52: {  	_ =	shalt  }
0x53: {  	_ =	shalt  }
0x54: {  	_ =	shalt  }
0x55: {  	_ =	shalt  }
0x56: {  	_ =	shalt  }
0x57: {  	_ =	shalt  }
0x58: {  	_ =	shalt  }
0x59: {  	_ =	shalt  }
0x5a: {  	_ =	shalt  }
0x5b: {  	_ =	shalt  }
0x5c: {  	_ =	shalt  }
0x5d: {  	_ =	shalt  }
0x5e: {  	_ =	shalt  }
0x5f: {  	_ =	shalt  }
0x60: {  	_ =	shalt  }
0x61: {  	_ =	shalt  }
0x62: {  	_ =	shalt  }
0x63: {  	_ =	shalt  }
0x64: {  	_ =	shalt  }
0x65: {  	_ =	shalt  }
0x66: {  	_ =	shalt  }
0x67: {  	_ =	shalt  }
0x68: {  	_ =	shalt  }
0x69: {  	_ =	shalt  }
0x6a: {  	_ =	shalt  }
0x6b: {  	_ =	shalt  }
0x6c: {  	_ =	shalt  }
0x6d: {  	_ =	shalt  }
0x6e: {  	_ =	shalt  }
0x6f: {  	_ =	shalt  }
0x70: {  	_ =	shalt  }
0x71: {  	_ =	shalt  }
0x72: {  	_ =	shalt  }
0x73: {  	_ =	shalt  }
0x74: {  	_ =	shalt  }
0x75: {  	_ =	shalt  }
0x76: {  	_ =	shalt  }
0x77: {  	_ =	shalt  }
0x78: {  	_ =	shalt  }
0x79: {  	_ =	shalt  }
0x7a: {  	_ =	shalt  }
0x7b: {  	_ =	shalt  }
0x7c: {  	_ =	shalt  }
0x7d: {  	_ =	shalt  }
0x7e: {  	_ =	shalt  }
0x7f: {  	_ =	shalt  }
0x80: {  	_ =	shalt  }
0x81: {  	_ =	shalt  }
0x82: {  	_ =	shalt  }
0x83: {  	_ =	shalt  }
0x84: {  	_ =	shalt  }
0x85: {  	_ =	shalt  }
0x86: {  	_ =	shalt  }
0x87: {  	_ =	shalt  }
.Lfunc_end0:
.L_simem_size_0:
called_computation_lowered:
.L_overlay_start_0:
0x88: {  	s0 =	sld [smem:$0x3FD9]  }
0x89: {  	s1 =	sld [smem:$0x3FFE];
	_ =	sdelay $0x3  }
0x8a: {  	s0 =	sadd.s32 s1, s0  }
0x8b: {  	[smem:$0x3FC6] =	sst s0  }
0x8c: {  	_ = 	snop  }
0x8d: {  	s0 =	sld [smem:$0x3FC8]  }
0x8e: {  	s16 =	sld [smem:$0x3FD0];
	(tm) =	ssettm $0x1  }
0x8f: {  	s2 =	sld [smem:$0x3FFB];
	_ =	sdelay $0x3  }
0x90: {  	_ =	strace s2  }
0x91: {  	s2 =	sld [smem:$0x3FFC];
	_ =	sdelay $0x3  }
0x92: {  	_ =	strace s2  }
0x93: {  	s2 =	sld [smem:$0x3FFD];
	_ =	sdelay $0x3  }
0x94: {  	_ =	strace s2  }
0x95: {  	_ =	strace $0x8FFFFFFF  }
0x96: {  	s17 =	sld [smem:$0x3FDB];
	_ =	sdelay $0x1  }
0x97: {  	s3 =	simm.s32 $_scs_section_size  }
0x98: {  	s4 =	simm.s32 $_size__tile_overlayer_lowered;
	s5 =	simm.s32 $_tile_overlayer_lowered  }
0x99: {  	s20 =	simm.s32 $0x1BFF;
	s19 =	sshll.u32 s5, $0x1;
	s2 =	sadd.s32 s3, s17  }
0x9a: {  	s6 =	simm.s32 $0x0;
	s18 =	sshll.u32 s4, $0x1;
	s4 =	sadd.s32 s19, s2  }
0x9b: {  	[timem:s6], [sflag:s20] =	dma.local [hbm:s4], s18  }
0x9c: {  	_ =	swait.ge [sflag:s20], s18  }
0x9d: {  	s3 =	ssub.s32 $0x0, s18;
	[sflag:s20] =	ssyncset.done $0x0  }
0x9e: {  	[sflag:s20] =	ssyncadd.s32 s3;
	_ =	sdelay $0x1  }
0x9f: {  	s21 =	simm.s32 $0x1B8B  }
0xa0: {  	_ =	swait.ge [sflag:s21], $0x1  }
0xa1: {  	[sflag:s21] =	ssyncset.done $0x0  }
0xa2: {  	s23 =	simm.s32 $0x1B8E;
	s22 =	sld [smem:$0x3FFE];
	[sflag:s21] =	ssyncadd.s32 $0xFFFFFFFF  }
0xa3: {  	s24 =	simm.s32 $execute0_lowered;
	[smem:$0x3FD2] =	sst s23  }
0xa4: {  	s4 =	sshll.u32 s24, $0x1;
	_ =	strace $0x80000046;
	[dreg:$0x1] =	wrdreg $0xFFFFFFFF  }
0xa5: {  	s25 =	simm.s32 $_size_execute0_lowered;
	s2 =	sadd.s32 s2, s4;
	[dreg:$0x0] =	wrdreg $0x0  }
0xa6: {  	s4 =	sshll.u32 s25, $0x1;
	[dreg:$0x2] =	wrdreg s2  }
0xa7: {  	[dreg:$0x3] =	wrdreg s4  }
0xa8: {  	[dreg:$0x4] =	wrdreg $0xC0  }
0xa9: {  	_ =	task [dreg:s6], $0x5FFFF  }
0xaa: {  	[dreg:$0x1] =	wrdreg $0xFFFFFFFF  }
0xab: {  	[dreg:$0x0] =	wrdreg $0x60  }
0xac: {  	[dreg:$0x2] =	wrdreg s22  }
0xad: {  	[dreg:$0x3] =	wrdreg s0  }
0xae: {  	[dreg:$0x4] =	wrdreg s16  }
0xaf: {  	[dreg:$0x5] =	wrdreg $0x9  }
0xb0: {  	_ =	task.clear_ibuf [dreg:s6], $0x6FFFF;
	_ =	strace $0x90000046  }
0xb1: {  	s26 =	simm.s32 $0x9;
	_ =	strace $0x80000048  }
0xb2: {  	_ =	swait.ge [sflag:s26], $0x1  }
0xb3: {  	[sflag:s26] =	ssyncadd.s32 $0xFFFFFFFF  }
0xb4: {  	_ =	strace $0x90000048  }
0xb5: {  	_ =	sfence  }
0xb6: {  	s28 =	sld [smem:$0x0];
	_ =	sdelay $0x1  }
0xb7: {  	s29 =	srdreg.scid  }
0xb8: {  	s30 =	sshll.u32 s29, $0xD;
	s31 =	sshrl.u32 s29, $0x2  }
0xb9: {  	s1 =	sand.u32 $0x1, s29;
	s2 =	sand.u32 $0x4000, s30;
	s0 =	sadd.s32 s31, s28  }
0xba: {  	s1 =	sor.u32 s2, s1;
	s0 =	sshll.u32 s0, $0x11  }
0xbb: {  	s0 =	sor.u32 s0, s1  }
0xbc: {  	s0 =	sadd.s32 $0x8F2B, s0  }
0xbd: {  	[sflag:s0] =	ssyncadd.remote.s32 $0x1  }
0xbe: {  	_ =	sfence.sel $0xFFFF  }
0xbf: {  	[dreg:$0x0] =	wrdreg $0xFFFFFFFF;
	(pc) =	sbr.abs _section_cstart, $3  }
0xc0: {  	[dreg:$0x1] =	wrdreg $0xFFFFFFFF  }
0xc1: {  	_ =	task.clear_ibuf [dreg:s6], $0x2FFFF;
	_ =	strace $0x9FFFFFFF  }
0xc2: {  	(tm) =	ssettm $0x7FFFFFFF  }
0xc3: {  	_ =	shalt  }
tec
execute0_lowered:
.L_overlay_start_1:
0x0: {  	(tag) =	ssettag $0x1  }
0x1: {  	s4 =	rddreg [dreg:$0x0]  }
0x2: {  	s5 =	rddreg [dreg:$0x1]  }
0x3: {  	s1 =	rddreg [dreg:$0x2];
	s3 =	simm.s32 $0x0;
	s2 =	stileid.u32  }
0x4: {  	[smem:$0x7FF] =	sst s3;
	s6 =	sshll.u32 s2, $0x3  }
0x5: {  	s0 =	rddreg [dreg:$0x3];
	_ =	strace $0x80000047;
	s5 =	sadd.s32 s5, s6  }
0x6: {  	[tilespmem:s3], [sflag:$0x2] =	stream.linear.gather [hbm4b:s5+s3], $0x40, $0x38;
	[tilespmem:$0x10900] =	vst v63  }
0x7: {  	s5 =	simm.s32 $0x2  }
0x8: {  	_ =	swait.ge [sflag:s5], $0x40  }
0x9: {  	[sflag:s5] =	ssyncset.done $0x0  }
0xa: {  	[sflag:s5] =	ssyncadd.s32 $0xFFFFFFC0  }
0xb: {  	v0 =	vld [tilespmem:$0x0];
	_ =	sdelay $0x1  }
0xc: {  	s14 =	smul.u32 $0x61C000, s2;
	_ =	sdelay $0x1  }
0xd: {  	s7 =	sadd.s32 $0x800, s4;
	s8 =	sshrl.u32 s14, $0x3  }
0xe: {  	s6 =	sadd.s32 s7, s8;
	v0 =	vand.u32 $0xFFFFFF80, v0  }
0xf: {  	v1 =	vadd.s32 s6, v0  }
0x10: {  	(v2sf) =	vpush v1, $0x0;
	_ =	sdelay $0x1  }
0x11: {  	(v2sf) =	vpush v1, $0x1  }
0x12: {  	(v2sf) =	vpush v1, $0x2;
	_ =	sdelay $0x1  }
0x13: {  	(v2sf) =	vpush v1, $0x3;
	_ =	sdelay $0x1  }
0x14: {  	(v2sf) =	vpush v1, $0x4;
	_ =	sdelay $0x1  }
0x15: {  	(v2sf) =	vpush v1, $0x5;
	_ =	sdelay $0x1  }
0x16: {  	(v2sf) =	vpush v1, $0x6;
	_ =	sdelay $0x1  }
0x17: {  	s9 =	sadd.s32 $0x18700, s8;
	(v2sf) =	vpush v1, $0x7  }
0x18: {  	v0 =	vadd.s32 s9, v0  }
0x19: {  	s6 =	simm.s32 $0x80;
	s10 =	spop (v2sf);
	(v2sf) =	vpush v0, $0x8  }
0x1a: {  	[tilespmem:s6], [sflag:$0x1] =	stream.linear.gather [hbm4b:s10+s3], $0x400, $0x38;
	[tilespmem:$0x10900] =	vst v63  }
0x1b: {  	s15 =	spop (v2sf)  }
0x1c: {  	s16 =	simm.s32 $0x480;
	s17 =	spop (v2sf)  }
0x1d: {  	(v2sf) =	vpush v0, $0x9;
	[tilespmem:s16], [sflag:$0x1] =	stream.linear.gather [hbm4b:s15+s3], $0x400, $0x38;
	[tilespmem:$0x10900] =	vst v63  }
0x1e: {  	s18 =	simm.s32 $0x880;
	s19 =	spop (v2sf)  }
0x1f: {  	(v2sf) =	vpush v0, $0xA;
	[tilespmem:s18], [sflag:$0x1] =	stream.linear.gather [hbm4b:s17+s3], $0x400, $0x38;
	[tilespmem:$0x10900] =	vst v63  }
0x20: {  	s20 =	simm.s32 $0xC80;
	s21 =	spop (v2sf);
	(v2sf) =	vpush v0, $0xB  }
0x21: {  	[tilespmem:s20], [sflag:$0x1] =	stream.linear.gather [hbm4b:s19+s3], $0x400, $0x38;
	[tilespmem:$0x10900] =	vst v63  }
0x22: {  	s22 =	simm.s32 $0x1080;
	s23 =	spop (v2sf)  }
0x23: {  	[tilespmem:s22], [sflag:$0x1] =	stream.linear.gather [hbm4b:s21+s3], $0x400, $0x38;
	[tilespmem:$0x10900] =	vst v63  }
0x24: {  	s24 =	simm.s32 $0x1480;
	s25 =	spop (v2sf)  }
0x25: {  	[tilespmem:s24], [sflag:$0x1] =	stream.linear.gather [hbm4b:s23+s3], $0x400, $0x38;
	[tilespmem:$0x10900] =	vst v63  }
0x26: {  	s26 =	simm.s32 $0x1880;
	s28 =	spop (v2sf)  }
0x27: {  	[tilespmem:s26], [sflag:$0x1] =	stream.linear.gather [hbm4b:s25+s3], $0x400, $0x38;
	[tilespmem:$0x10900] =	vst v63  }
0x28: {  	s30 =	spop (v2sf);
	(v2sf) =	vpush v0, $0xC  }
0x29: {  	s29 =	simm.s32 $0x1C80  }
0x2a: {  	[tilespmem:s29], [sflag:$0x1] =	stream.linear.gather [hbm4b:s28+s3], $0x400, $0x38;
	(v2sf) =	vpush v0, $0xD;
	[tilespmem:$0x10900] =	vst v63  }
0x2b: {  	s9 =	sand.u32 $0x1FFFFF80, s30  }
0x2c: {  	s31 =	simm.s32 $0x2080;
	s9 =	sadd.s32 s7, s9;
	s10 =	spop (v2sf)  }
0x2d: {  	(v2sf) =	vpush v0, $0xE;
	[tilespmem:s31], [sflag:$0x1] =	stream.linear.gather [hbm4b:s9+s3], $0x400, $0x38;
	[tilespmem:$0x10900] =	vst v63  }
0x2e: {  	s9 =	sand.u32 $0x1FFFFF80, s10;
	s12 =	spop (v2sf)  }
0x2f: {  	s11 =	simm.s32 $0x2480;
	s9 =	sadd.s32 s7, s9;
	s14 =	spop (v2sf)  }
0x30: {  	(v2sf) =	vpush v0, $0xF;
	[tilespmem:s11], [sflag:$0x1] =	stream.linear.gather [hbm4b:s9+s3], $0x400, $0x38;
	[tilespmem:$0x10900] =	vst v63  }
0x31: {  	s9 =	sand.u32 $0x1FFFFF80, s12  }
0x32: {  	s13 =	simm.s32 $0x2880;
	s9 =	sadd.s32 s7, s9  }
0x33: {  	[tilespmem:s13], [sflag:$0x1] =	stream.linear.gather [hbm4b:s9+s3], $0x400, $0x38;
	[tilespmem:$0x10900] =	vst v63  }
0x34: {  	s9 =	sand.u32 $0x1FFFFF80, s14  }
0x35: {  	s15 =	simm.s32 $0x2C80;
	s9 =	sadd.s32 s7, s9  }
0x36: {  	[tilespmem:s15], [sflag:$0x1] =	stream.linear.gather [hbm4b:s9+s3], $0x400, $0x38;
	[tilespmem:$0x10900] =	vst v63  }
0x37: {  	s16 =	spop (v2sf)  }
0x38: {  	s9 =	sand.u32 $0x1FFFFF80, s16  }
0x39: {  	s17 =	simm.s32 $0x3080;
	s18 =	spop (v2sf);
	s9 =	sadd.s32 s7, s9  }
0x3a: {  	[tilespmem:s17], [sflag:$0x1] =	stream.linear.gather [hbm4b:s9+s3], $0x400, $0x38;
	[tilespmem:$0x10900] =	vst v63  }
0x3b: {  	s9 =	sand.u32 $0x1FFFFF80, s18  }
0x3c: {  	s19 =	simm.s32 $0x3480;
	s20 =	spop (v2sf);
	s9 =	sadd.s32 s7, s9  }
0x3d: {  	[tilespmem:s19], [sflag:$0x1] =	stream.linear.gather [hbm4b:s9+s3], $0x400, $0x38;
	[tilespmem:$0x10900] =	vst v63  }
0x3e: {  	s9 =	sand.u32 $0x1FFFFF80, s20  }
0x3f: {  	s21 =	simm.s32 $0x3880;
	s22 =	spop (v2sf);
	s9 =	sadd.s32 s7, s9  }
0x40: {  	[tilespmem:s21], [sflag:$0x1] =	stream.linear.gather [hbm4b:s9+s3], $0x400, $0x38;
	[tilespmem:$0x10900] =	vst v63  }
0x41: {  	s9 =	sand.u32 $0x1FFFFF80, s22  }
0x42: {  	s23 =	simm.s32 $0x3C80;
	s9 =	sadd.s32 s7, s9  }
0x43: {  	[tilespmem:s23], [sflag:$0x1] =	stream.linear.gather [hbm4b:s9+s3], $0x400, $0x38;
	[tilespmem:$0x10900] =	vst v63  }
0x44: {  	v51 =	vld [tilespmem:$0x10];
	_ =	sdelay $0x4  }
0x45: {  	s24 =	sadd.s32 $0x30E00, s8;
	v0 =	vand.u32 $0xFFFFFF80, v51  }
0x46: {  	v52 =	vadd.s32 s24, v0  }
0x47: {  	(v2sf) =	vpush v52, $0x0;
	_ =	sdelay $0x1  }
0x48: {  	(v2sf) =	vpush v52, $0x1;
	_ =	sdelay $0x1  }
0x49: {  	(v2sf) =	vpush v52, $0x2  }
0x4a: {  	(v2sf) =	vpush v52, $0x3;
	_ =	sdelay $0x3  }
0x4b: {  	(v2sf) =	vpush v52, $0x4;
	_ =	sdelay $0x5  }
0x4c: {  	s25 =	spop (v2sf);
	(v2sf) =	vpush v52, $0x5;
	_ =	sdelay $0x1  }
0x4d: {  	s28 =	spop (v2sf);
	(v2sf) =	vpush v52, $0x6;
	_ =	sdelay $0x1  }
0x4e: {  	s30 =	spop (v2sf)  }
0x4f: {  	s9 =	sand.u32 $0x1FFFFF80, s25;
	s11 =	spop (v2sf);
	(v2sf) =	vpush v52, $0x7  }
0x50: {  	s26 =	simm.s32 $0x4080;
	s12 =	sadd.s32 $0x49500, s8;
	s9 =	sadd.s32 s7, s9  }
0x51: {  	[tilespmem:s26], [sflag:$0x1] =	stream.linear.gather [hbm4b:s9+s3], $0x400, $0x38;
	[tilespmem:$0x10900] =	vst v63  }
0x52: {  	v0 =	vadd.s32 s12, v0;
	s9 =	sand.u32 $0x1FFFFF80, s28  }
0x53: {  	s29 =	simm.s32 $0x4480;
	s9 =	sadd.s32 s7, s9;
	s13 =	spop (v2sf);
	(v2sf) =	vpush v0, $0x8  }
0x54: {  	[tilespmem:s29], [sflag:$0x1] =	stream.linear.gather [hbm4b:s9+s3], $0x400, $0x38;
	[tilespmem:$0x10900] =	vst v63  }
0x55: {  	s9 =	sand.u32 $0x1FFFFF80, s30  }
0x56: {  	s31 =	simm.s32 $0x4880;
	s9 =	sadd.s32 s7, s9  }
0x57: {  	[tilespmem:s31], [sflag:$0x1] =	stream.linear.gather [hbm4b:s9+s3], $0x400, $0x38;
	[tilespmem:$0x10900] =	vst v63  }
0x58: {  	s9 =	sand.u32 $0x1FFFFF80, s11  }
0x59: {  	s11 =	simm.s32 $0x4C80;
	s9 =	sadd.s32 s7, s9;
	s15 =	spop (v2sf);
	(v2sf) =	vpush v0, $0x9  }
0x5a: {  	[tilespmem:s11], [sflag:$0x1] =	stream.linear.gather [hbm4b:s9+s3], $0x400, $0x38;
	[tilespmem:$0x10900] =	vst v63  }
0x5b: {  	s9 =	sand.u32 $0x1FFFFF80, s13;
	s17 =	spop (v2sf);
	(v2sf) =	vpush v0, $0xA  }
0x5c: {  	s14 =	simm.s32 $0x5080;
	s9 =	sadd.s32 s7, s9  }
0x5d: {  	[tilespmem:s14], [sflag:$0x1] =	stream.linear.gather [hbm4b:s9+s3], $0x400, $0x38;
	[tilespmem:$0x10900] =	vst v63  }
0x5e: {  	s9 =	sand.u32 $0x1FFFFF80, s15;
	s19 =	spop (v2sf);
	(v2sf) =	vpush v0, $0xB  }
0x5f: {  	s16 =	simm.s32 $0x5480;
	s9 =	sadd.s32 s7, s9  }
0x60: {  	[tilespmem:s16], [sflag:$0x1] =	stream.linear.gather [hbm4b:s9+s3], $0x400, $0x38;
	[tilespmem:$0x10900] =	vst v63  }
0x61: {  	s9 =	sand.u32 $0x1FFFFF80, s17  }
0x62: {  	s18 =	simm.s32 $0x5880;
	s9 =	sadd.s32 s7, s9;
	s21 =	spop (v2sf)  }
0x63: {  	(v2sf) =	vpush v0, $0xC;
	[tilespmem:s18], [sflag:$0x1] =	stream.linear.gather [hbm4b:s9+s3], $0x400, $0x38;
	[tilespmem:$0x10900] =	vst v63  }
0x64: {  	s9 =	sand.u32 $0x1FFFFF80, s19  }
0x65: {  	s20 =	simm.s32 $0x5C80;
	s9 =	sadd.s32 s7, s9  }
0x66: {  	[tilespmem:s20], [sflag:$0x1] =	stream.linear.gather [hbm4b:s9+s3], $0x400, $0x38;
	[tilespmem:$0x10900] =	vst v63  }
0x67: {  	s9 =	sand.u32 $0x1FFFFF80, s21  }
0x68: {  	s22 =	simm.s32 $0x6080;
	s9 =	sadd.s32 s7, s9;
	s23 =	spop (v2sf);
	(v2sf) =	vpush v0, $0xD  }
0x69: {  	[tilespmem:s22], [sflag:$0x1] =	stream.linear.gather [hbm4b:s9+s3], $0x400, $0x38;
	[tilespmem:$0x10900] =	vst v63  }
0x6a: {  	s9 =	sand.u32 $0x1FFFFF80, s23;
	s25 =	spop (v2sf);
	(v2sf) =	vpush v0, $0xE  }
0x6b: {  	s24 =	simm.s32 $0x6480;
	s9 =	sadd.s32 s7, s9  }
0x6c: {  	[tilespmem:s24], [sflag:$0x1] =	stream.linear.gather [hbm4b:s9+s3], $0x400, $0x38;
	[tilespmem:$0x10900] =	vst v63  }
0x6d: {  	s28 =	spop (v2sf);
	(v2sf) =	vpush v0, $0xF  }
0x6e: {  	s9 =	sand.u32 $0x1FFFFF80, s25  }
0x6f: {  	s26 =	simm.s32 $0x6880;
	s9 =	sadd.s32 s7, s9  }
0x70: {  	[tilespmem:s26], [sflag:$0x1] =	stream.linear.gather [hbm4b:s9+s3], $0x400, $0x38;
	[tilespmem:$0x10900] =	vst v63  }
0x71: {  	s9 =	sand.u32 $0x1FFFFF80, s28  }
0x72: {  	s29 =	simm.s32 $0x6C80;
	s30 =	spop (v2sf);
	s9 =	sadd.s32 s7, s9  }
0x73: {  	[tilespmem:s29], [sflag:$0x1] =	stream.linear.gather [hbm4b:s9+s3], $0x400, $0x38;
	[tilespmem:$0x10900] =	vst v63  }
0x74: {  	s9 =	sand.u32 $0x1FFFFF80, s30  }
0x75: {  	s31 =	simm.s32 $0x7080;
	s9 =	sadd.s32 s7, s9  }
0x76: {  	[tilespmem:s31], [sflag:$0x1] =	stream.linear.gather [hbm4b:s9+s3], $0x400, $0x38;
	[tilespmem:$0x10900] =	vst v63  }
0x77: {  	s11 =	spop (v2sf)  }
0x78: {  	s9 =	sand.u32 $0x1FFFFF80, s11  }
0x79: {  	s12 =	simm.s32 $0x7480;
	s13 =	spop (v2sf);
	s9 =	sadd.s32 s7, s9  }
0x7a: {  	[tilespmem:s12], [sflag:$0x1] =	stream.linear.gather [hbm4b:s9+s3], $0x400, $0x38;
	[tilespmem:$0x10900] =	vst v63  }
0x7b: {  	s9 =	sand.u32 $0x1FFFFF80, s13  }
0x7c: {  	s14 =	simm.s32 $0x7880;
	s15 =	spop (v2sf);
	s9 =	sadd.s32 s7, s9  }
0x7d: {  	[tilespmem:s14], [sflag:$0x1] =	stream.linear.gather [hbm4b:s9+s3], $0x400, $0x38;
	[tilespmem:$0x10900] =	vst v63  }
0x7e: {  	s9 =	sand.u32 $0x1FFFFF80, s15  }
0x7f: {  	s16 =	simm.s32 $0x7C80;
	s9 =	sadd.s32 s7, s9  }
0x80: {  	[tilespmem:s16], [sflag:$0x1] =	stream.linear.gather [hbm4b:s9+s3], $0x400, $0x38;
	[tilespmem:$0x10900] =	vst v63  }
0x81: {  	v53 =	vld [tilespmem:$0x20];
	_ =	sdelay $0x4  }
0x82: {  	s17 =	sadd.s32 $0x61C00, s8;
	v0 =	vand.u32 $0xFFFFFF80, v53  }
0x83: {  	v54 =	vadd.s32 s17, v0  }
0x84: {  	(v2sf) =	vpush v54, $0x0;
	_ =	sdelay $0x1  }
0x85: {  	(v2sf) =	vpush v54, $0x1;
	_ =	sdelay $0x1  }
0x86: {  	(v2sf) =	vpush v54, $0x2  }
0x87: {  	(v2sf) =	vpush v54, $0x3;
	_ =	sdelay $0x3  }
0x88: {  	(v2sf) =	vpush v54, $0x4;
	_ =	sdelay $0x5  }
0x89: {  	s18 =	spop (v2sf);
	(v2sf) =	vpush v54, $0x5;
	_ =	sdelay $0x1  }
0x8a: {  	s20 =	spop (v2sf);
	(v2sf) =	vpush v54, $0x6;
	_ =	sdelay $0x1  }
0x8b: {  	s22 =	spop (v2sf)  }
0x8c: {  	s9 =	sand.u32 $0x1FFFFF80, s18;
	s24 =	spop (v2sf);
	(v2sf) =	vpush v54, $0x7  }
0x8d: {  	s19 =	simm.s32 $0x8080;
	s25 =	sadd.s32 $0x7A300, s8;
	s9 =	sadd.s32 s7, s9  }
0x8e: {  	[tilespmem:s19], [sflag:$0x1] =	stream.linear.gather [hbm4b:s9+s3], $0x400, $0x38;
	[tilespmem:$0x10900] =	vst v63  }
0x8f: {  	v0 =	vadd.s32 s25, v0;
	s9 =	sand.u32 $0x1FFFFF80, s20  }
0x90: {  	s21 =	simm.s32 $0x8480;
	s9 =	sadd.s32 s7, s9;
	s28 =	spop (v2sf);
	(v2sf) =	vpush v0, $0x8  }
0x91: {  	[tilespmem:s21], [sflag:$0x1] =	stream.linear.gather [hbm4b:s9+s3], $0x400, $0x38;
	[tilespmem:$0x10900] =	vst v63  }
0x92: {  	s9 =	sand.u32 $0x1FFFFF80, s22  }
0x93: {  	s23 =	simm.s32 $0x8880;
	s9 =	sadd.s32 s7, s9  }
0x94: {  	[tilespmem:s23], [sflag:$0x1] =	stream.linear.gather [hbm4b:s9+s3], $0x400, $0x38;
	[tilespmem:$0x10900] =	vst v63  }
0x95: {  	s9 =	sand.u32 $0x1FFFFF80, s24  }
0x96: {  	s26 =	simm.s32 $0x8C80;
	s9 =	sadd.s32 s7, s9;
	s30 =	spop (v2sf);
	(v2sf) =	vpush v0, $0x9  }
0x97: {  	[tilespmem:s26], [sflag:$0x1] =	stream.linear.gather [hbm4b:s9+s3], $0x400, $0x38;
	[tilespmem:$0x10900] =	vst v63  }
0x98: {  	s9 =	sand.u32 $0x1FFFFF80, s28;
	s11 =	spop (v2sf);
	(v2sf) =	vpush v0, $0xA  }
0x99: {  	s29 =	simm.s32 $0x9080;
	s9 =	sadd.s32 s7, s9  }
0x9a: {  	[tilespmem:s29], [sflag:$0x1] =	stream.linear.gather [hbm4b:s9+s3], $0x400, $0x38;
	[tilespmem:$0x10900] =	vst v63  }
0x9b: {  	s9 =	sand.u32 $0x1FFFFF80, s30;
	s13 =	spop (v2sf);
	(v2sf) =	vpush v0, $0xB  }
0x9c: {  	s31 =	simm.s32 $0x9480;
	s9 =	sadd.s32 s7, s9  }
0x9d: {  	[tilespmem:s31], [sflag:$0x1] =	stream.linear.gather [hbm4b:s9+s3], $0x400, $0x38;
	[tilespmem:$0x10900] =	vst v63  }
0x9e: {  	s9 =	sand.u32 $0x1FFFFF80, s11  }
0x9f: {  	s12 =	simm.s32 $0x9880;
	s9 =	sadd.s32 s7, s9;
	s15 =	spop (v2sf)  }
0xa0: {  	(v2sf) =	vpush v0, $0xC;
	[tilespmem:s12], [sflag:$0x1] =	stream.linear.gather [hbm4b:s9+s3], $0x400, $0x38;
	[tilespmem:$0x10900] =	vst v63  }
0xa1: {  	s9 =	sand.u32 $0x1FFFFF80, s13  }
0xa2: {  	s14 =	simm.s32 $0x9C80;
	s9 =	sadd.s32 s7, s9  }
0xa3: {  	[tilespmem:s14], [sflag:$0x1] =	stream.linear.gather [hbm4b:s9+s3], $0x400, $0x38;
	[tilespmem:$0x10900] =	vst v63  }
0xa4: {  	s9 =	sand.u32 $0x1FFFFF80, s15  }
0xa5: {  	s16 =	simm.s32 $0xA080;
	s9 =	sadd.s32 s7, s9;
	s17 =	spop (v2sf);
	(v2sf) =	vpush v0, $0xD  }
0xa6: {  	[tilespmem:s16], [sflag:$0x1] =	stream.linear.gather [hbm4b:s9+s3], $0x400, $0x38;
	[tilespmem:$0x10900] =	vst v63  }
0xa7: {  	s9 =	sand.u32 $0x1FFFFF80, s17;
	s19 =	spop (v2sf);
	(v2sf) =	vpush v0, $0xE  }
0xa8: {  	s18 =	simm.s32 $0xA480;
	s9 =	sadd.s32 s7, s9  }
0xa9: {  	[tilespmem:s18], [sflag:$0x1] =	stream.linear.gather [hbm4b:s9+s3], $0x400, $0x38;
	[tilespmem:$0x10900] =	vst v63  }
0xaa: {  	s21 =	spop (v2sf);
	(v2sf) =	vpush v0, $0xF  }
0xab: {  	s9 =	sand.u32 $0x1FFFFF80, s19  }
0xac: {  	s20 =	simm.s32 $0xA880;
	s9 =	sadd.s32 s7, s9  }
0xad: {  	[tilespmem:s20], [sflag:$0x1] =	stream.linear.gather [hbm4b:s9+s3], $0x400, $0x38;
	[tilespmem:$0x10900] =	vst v63  }
0xae: {  	s9 =	sand.u32 $0x1FFFFF80, s21  }
0xaf: {  	s22 =	simm.s32 $0xAC80;
	s23 =	spop (v2sf);
	s9 =	sadd.s32 s7, s9  }
0xb0: {  	[tilespmem:s22], [sflag:$0x1] =	stream.linear.gather [hbm4b:s9+s3], $0x400, $0x38;
	[tilespmem:$0x10900] =	vst v63  }
0xb1: {  	s9 =	sand.u32 $0x1FFFFF80, s23  }
0xb2: {  	s24 =	simm.s32 $0xB080;
	s9 =	sadd.s32 s7, s9  }
0xb3: {  	[tilespmem:s24], [sflag:$0x1] =	stream.linear.gather [hbm4b:s9+s3], $0x400, $0x38;
	[tilespmem:$0x10900] =	vst v63  }
0xb4: {  	s25 =	spop (v2sf)  }
0xb5: {  	s9 =	sand.u32 $0x1FFFFF80, s25  }
0xb6: {  	s26 =	simm.s32 $0xB480;
	s28 =	spop (v2sf);
	s9 =	sadd.s32 s7, s9  }
0xb7: {  	[tilespmem:s26], [sflag:$0x1] =	stream.linear.gather [hbm4b:s9+s3], $0x400, $0x38;
	[tilespmem:$0x10900] =	vst v63  }
0xb8: {  	s9 =	sand.u32 $0x1FFFFF80, s28  }
0xb9: {  	s29 =	simm.s32 $0xB880;
	s30 =	spop (v2sf);
	s9 =	sadd.s32 s7, s9  }
0xba: {  	[tilespmem:s29], [sflag:$0x1] =	stream.linear.gather [hbm4b:s9+s3], $0x400, $0x38;
	[tilespmem:$0x10900] =	vst v63  }
0xbb: {  	s9 =	sand.u32 $0x1FFFFF80, s30  }
0xbc: {  	s31 =	simm.s32 $0xBC80;
	s9 =	sadd.s32 s7, s9  }
0xbd: {  	[tilespmem:s31], [sflag:$0x1] =	stream.linear.gather [hbm4b:s9+s3], $0x400, $0x38;
	[tilespmem:$0x10900] =	vst v63  }
0xbe: {  	v55 =	vld [tilespmem:$0x30];
	_ =	sdelay $0x4  }
0xbf: {  	s11 =	sadd.s32 $0x92A00, s8;
	v0 =	vand.u32 $0xFFFFFF80, v55  }
0xc0: {  	v56 =	vadd.s32 s11, v0  }
0xc1: {  	(v2sf) =	vpush v56, $0x0;
	_ =	sdelay $0x3  }
0xc2: {  	(v2sf) =	vpush v56, $0x1  }
0xc3: {  	(v2sf) =	vpush v56, $0x2;
	_ =	sdelay $0x1  }
0xc4: {  	(v2sf) =	vpush v56, $0x3;
	_ =	sdelay $0x1  }
0xc5: {  	(v2sf) =	vpush v56, $0x4;
	_ =	sdelay $0x5  }
0xc6: {  	s12 =	spop (v2sf);
	(v2sf) =	vpush v56, $0x5;
	_ =	sdelay $0x3  }
0xc7: {  	s9 =	sand.u32 $0x1FFFFF80, s12;
	s14 =	spop (v2sf)  }
0xc8: {  	s13 =	simm.s32 $0xC080;
	s9 =	sadd.s32 s7, s9;
	s16 =	spop (v2sf);
	(v2sf) =	vpush v56, $0x6  }
0xc9: {  	[tilespmem:s13], [sflag:$0x1] =	stream.linear.gather [hbm4b:s9+s3], $0x400, $0x38;
	[tilespmem:$0x10900] =	vst v63  }
0xca: {  	s8 =	sadd.s32 $0xAB100, s8;
	s18 =	spop (v2sf);
	(v2sf) =	vpush v56, $0x7  }
0xcb: {  	v0 =	vadd.s32 s8, v0;
	s9 =	sand.u32 $0x1FFFFF80, s14  }
0xcc: {  	s15 =	simm.s32 $0xC480;
	s9 =	sadd.s32 s7, s9;
	s20 =	spop (v2sf);
	(v2sf) =	vpush v0, $0x8  }
0xcd: {  	[tilespmem:s15], [sflag:$0x1] =	stream.linear.gather [hbm4b:s9+s3], $0x400, $0x38;
	[tilespmem:$0x10900] =	vst v63  }
0xce: {  	s9 =	sand.u32 $0x1FFFFF80, s16  }
0xcf: {  	s17 =	simm.s32 $0xC880;
	s9 =	sadd.s32 s7, s9  }
0xd0: {  	[tilespmem:s17], [sflag:$0x1] =	stream.linear.gather [hbm4b:s9+s3], $0x400, $0x38;
	[tilespmem:$0x10900] =	vst v63  }
0xd1: {  	s19 =	simm.s32 $0xCC80;
	s9 =	sand.u32 $0x1FFFFF80, s18  }
0xd2: {  	s21 =	sand.u32 $0x1FFFFF80, s20;
	s9 =	sadd.s32 s7, s9;
	s23 =	spop (v2sf);
	(v2sf) =	vpush v0, $0x9  }
0xd3: {  	[tilespmem:s19], [sflag:$0x1] =	stream.linear.gather [hbm4b:s9+s3], $0x400, $0x38;
	[tilespmem:$0x10900] =	vst v63  }
0xd4: {  	s22 =	simm.s32 $0xD080;
	s8 =	sadd.s32 s7, s21;
	(v2sf) =	vpush v0, $0xA  }
0xd5: {  	[tilespmem:s22], [sflag:$0x1] =	stream.linear.gather [hbm4b:s8+s3], $0x400, $0x38;
	[tilespmem:$0x10900] =	vst v63  }
0xd6: {  	s8 =	sand.u32 $0x1FFFFF80, s23  }
0xd7: {  	s24 =	simm.s32 $0xD480;
	s8 =	sadd.s32 s7, s8;
	s25 =	spop (v2sf)  }
0xd8: {  	(v2sf) =	vpush v0, $0xB;
	[tilespmem:s24], [sflag:$0x1] =	stream.linear.gather [hbm4b:s8+s3], $0x400, $0x38;
	[tilespmem:$0x10900] =	vst v63  }
0xd9: {  	s28 =	spop (v2sf);
	(v2sf) =	vpush v0, $0xC  }
0xda: {  	s8 =	sand.u32 $0x1FFFFF80, s25  }
0xdb: {  	s26 =	simm.s32 $0xD880;
	s8 =	sadd.s32 s7, s8;
	s30 =	spop (v2sf);
	(v2sf) =	vpush v0, $0xD  }
0xdc: {  	[tilespmem:s26], [sflag:$0x1] =	stream.linear.gather [hbm4b:s8+s3], $0x400, $0x38;
	[tilespmem:$0x10900] =	vst v63  }
0xdd: {  	s8 =	sand.u32 $0x1FFFFF80, s28  }
0xde: {  	s29 =	simm.s32 $0xDC80;
	s8 =	sadd.s32 s7, s8  }
0xdf: {  	[tilespmem:s29], [sflag:$0x1] =	stream.linear.gather [hbm4b:s8+s3], $0x400, $0x38;
	[tilespmem:$0x10900] =	vst v63  }
0xe0: {  	s8 =	sand.u32 $0x1FFFFF80, s30  }
0xe1: {  	s31 =	simm.s32 $0xE080;
	s8 =	sadd.s32 s7, s8;
	s10 =	spop (v2sf);
	(v2sf) =	vpush v0, $0xE  }
0xe2: {  	[tilespmem:s31], [sflag:$0x1] =	stream.linear.gather [hbm4b:s8+s3], $0x400, $0x38;
	[tilespmem:$0x10900] =	vst v63  }
0xe3: {  	s12 =	spop (v2sf);
	(v2sf) =	vpush v0, $0xF  }
0xe4: {  	s8 =	sand.u32 $0x1FFFFF80, s10  }
0xe5: {  	s11 =	simm.s32 $0xE480;
	s14 =	simm.s32 $0xE880;
	s8 =	sadd.s32 s7, s8  }
0xe6: {  	[tilespmem:s11], [sflag:$0x1] =	stream.linear.gather [hbm4b:s8+s3], $0x400, $0x38;
	[tilespmem:$0x10900] =	vst v63  }
0xe7: {  	s17 =	simm.s32 $0xEC80;
	s13 =	spop (v2sf);
	s8 =	sand.u32 $0x1FFFFF80, s12  }
0xe8: {  	s15 =	sand.u32 $0x1FFFFF80, s13;
	s16 =	spop (v2sf);
	s8 =	sadd.s32 s7, s8  }
0xe9: {  	[tilespmem:s14], [sflag:$0x1] =	stream.linear.gather [hbm4b:s8+s3], $0x400, $0x38;
	[tilespmem:$0x10900] =	vst v63  }
0xea: {  	s18 =	sand.u32 $0x1FFFFF80, s16;
	s19 =	spop (v2sf);
	s8 =	sadd.s32 s7, s15  }
0xeb: {  	[tilespmem:s17], [sflag:$0x1] =	stream.linear.gather [hbm4b:s8+s3], $0x400, $0x38;
	[tilespmem:$0x10900] =	vst v63  }
0xec: {  	s20 =	simm.s32 $0xF080;
	s21 =	sand.u32 $0x1FFFFF80, s19;
	s8 =	sadd.s32 s7, s18  }
0xed: {  	[tilespmem:s20], [sflag:$0x1] =	stream.linear.gather [hbm4b:s8+s3], $0x400, $0x38;
	[tilespmem:$0x10900] =	vst v63  }
0xee: {  	s23 =	simm.s32 $0xF480;
	s8 =	sadd.s32 s7, s21  }
0xef: {  	[tilespmem:s23], [sflag:$0x1] =	stream.linear.gather [hbm4b:s8+s3], $0x400, $0x38;
	[tilespmem:$0x10900] =	vst v63  }
0xf0: {  	s22 =	spop (v2sf)  }
0xf1: {  	s24 =	sand.u32 $0x1FFFFF80, s22  }
0xf2: {  	s25 =	simm.s32 $0xF880;
	s26 =	spop (v2sf);
	s8 =	sadd.s32 s7, s24  }
0xf3: {  	[tilespmem:s25], [sflag:$0x1] =	stream.linear.gather [hbm4b:s8+s3], $0x400, $0x38;
	[tilespmem:$0x10900] =	vst v63  }
0xf4: {  	s8 =	sand.u32 $0x1FFFFF80, s26  }
0xf5: {  	s28 =	simm.s32 $0xFC80;
	s29 =	simm.s32 $0x1;
	s7 =	sadd.s32 s7, s8  }
0xf6: {  	[tilespmem:s28], [sflag:$0x1] =	stream.linear.gather [hbm4b:s7+s3], $0x400, $0x38;
	[tilespmem:$0x10900] =	vst v63  }
0xf7: {  	_ =	swait.ge [sflag:s29], $0x400  }
0xf8: {  	[sflag:s29] =	ssyncset.done $0x0  }
0xf9: {  	[sflag:s29] =	ssyncadd.s32 $0xFFFFFC00  }
0xfa: {  	_ =	swait.ge [sflag:s29], $0x400  }
0xfb: {  	[sflag:s29] =	ssyncset.done $0x0  }
0xfc: {  	[sflag:s29] =	ssyncadd.s32 $0xFFFFFC00  }
0xfd: {  	_ =	swait.ge [sflag:s29], $0x400  }
0xfe: {  	[sflag:s29] =	ssyncset.done $0x0  }
0xff: {  	[sflag:s29] =	ssyncadd.s32 $0xFFFFFC00  }
0x100: {  	_ =	swait.ge [sflag:s29], $0x400  }
0x101: {  	[sflag:s29] =	ssyncset.done $0x0  }
0x102: {  	[sflag:s29] =	ssyncadd.s32 $0xFFFFFC00  }
0x103: {  	_ =	swait.ge [sflag:s29], $0x400  }
0x104: {  	[sflag:s29] =	ssyncset.done $0x0  }
0x105: {  	[sflag:s29] =	ssyncadd.s32 $0xFFFFFC00  }
0x106: {  	_ =	swait.ge [sflag:s29], $0x400  }
0x107: {  	[sflag:s29] =	ssyncset.done $0x0  }
0x108: {  	[sflag:s29] =	ssyncadd.s32 $0xFFFFFC00  }
0x109: {  	_ =	swait.ge [sflag:s29], $0x400  }
0x10a: {  	[sflag:s29] =	ssyncset.done $0x0  }
0x10b: {  	[sflag:s29] =	ssyncadd.s32 $0xFFFFFC00  }
0x10c: {  	_ =	swait.ge [sflag:s29], $0x400  }
0x10d: {  	[sflag:s29] =	ssyncset.done $0x0  }
0x10e: {  	[sflag:s29] =	ssyncadd.s32 $0xFFFFFC00  }
0x10f: {  	_ =	swait.ge [sflag:s29], $0x400  }
0x110: {  	[sflag:s29] =	ssyncset.done $0x0  }
0x111: {  	[sflag:s29] =	ssyncadd.s32 $0xFFFFFC00  }
0x112: {  	_ =	swait.ge [sflag:s29], $0x400  }
0x113: {  	[sflag:s29] =	ssyncset.done $0x0  }
0x114: {  	[sflag:s29] =	ssyncadd.s32 $0xFFFFFC00  }
0x115: {  	_ =	swait.ge [sflag:s29], $0x400  }
0x116: {  	[sflag:s29] =	ssyncset.done $0x0  }
0x117: {  	[sflag:s29] =	ssyncadd.s32 $0xFFFFFC00  }
0x118: {  	_ =	swait.ge [sflag:s29], $0x400  }
0x119: {  	[sflag:s29] =	ssyncset.done $0x0  }
0x11a: {  	[sflag:s29] =	ssyncadd.s32 $0xFFFFFC00  }
0x11b: {  	_ =	swait.ge [sflag:s29], $0x400  }
0x11c: {  	[sflag:s29] =	ssyncset.done $0x0  }
0x11d: {  	[sflag:s29] =	ssyncadd.s32 $0xFFFFFC00  }
0x11e: {  	_ =	swait.ge [sflag:s29], $0x400  }
0x11f: {  	[sflag:s29] =	ssyncset.done $0x0  }
0x120: {  	[sflag:s29] =	ssyncadd.s32 $0xFFFFFC00  }
0x121: {  	_ =	swait.ge [sflag:s29], $0x400  }
0x122: {  	[sflag:s29] =	ssyncset.done $0x0  }
0x123: {  	[sflag:s29] =	ssyncadd.s32 $0xFFFFFC00  }
0x124: {  	_ =	swait.ge [sflag:s29], $0x400  }
0x125: {  	[sflag:s29] =	ssyncset.done $0x0  }
0x126: {  	[sflag:s29] =	ssyncadd.s32 $0xFFFFFC00  }
0x127: {  	_ =	swait.ge [sflag:s29], $0x400  }
0x128: {  	[sflag:s29] =	ssyncset.done $0x0  }
0x129: {  	[sflag:s29] =	ssyncadd.s32 $0xFFFFFC00  }
0x12a: {  	_ =	swait.ge [sflag:s29], $0x400  }
0x12b: {  	[sflag:s29] =	ssyncset.done $0x0  }
0x12c: {  	[sflag:s29] =	ssyncadd.s32 $0xFFFFFC00  }
0x12d: {  	_ =	swait.ge [sflag:s29], $0x400  }
0x12e: {  	[sflag:s29] =	ssyncset.done $0x0  }
0x12f: {  	[sflag:s29] =	ssyncadd.s32 $0xFFFFFC00  }
0x130: {  	_ =	swait.ge [sflag:s29], $0x400  }
0x131: {  	[sflag:s29] =	ssyncset.done $0x0  }
0x132: {  	[sflag:s29] =	ssyncadd.s32 $0xFFFFFC00  }
0x133: {  	_ =	swait.ge [sflag:s29], $0x400  }
0x134: {  	[sflag:s29] =	ssyncset.done $0x0  }
0x135: {  	[sflag:s29] =	ssyncadd.s32 $0xFFFFFC00  }
0x136: {  	_ =	swait.ge [sflag:s29], $0x400  }
0x137: {  	[sflag:s29] =	ssyncset.done $0x0  }
0x138: {  	[sflag:s29] =	ssyncadd.s32 $0xFFFFFC00  }
0x139: {  	_ =	swait.ge [sflag:s29], $0x400  }
0x13a: {  	[sflag:s29] =	ssyncset.done $0x0  }
0x13b: {  	[sflag:s29] =	ssyncadd.s32 $0xFFFFFC00  }
0x13c: {  	_ =	swait.ge [sflag:s29], $0x400  }
0x13d: {  	[sflag:s29] =	ssyncset.done $0x0  }
0x13e: {  	[sflag:s29] =	ssyncadd.s32 $0xFFFFFC00  }
0x13f: {  	_ =	swait.ge [sflag:s29], $0x400  }
0x140: {  	[sflag:s29] =	ssyncset.done $0x0  }
0x141: {  	[sflag:s29] =	ssyncadd.s32 $0xFFFFFC00  }
0x142: {  	_ =	swait.ge [sflag:s29], $0x400  }
0x143: {  	[sflag:s29] =	ssyncset.done $0x0  }
0x144: {  	[sflag:s29] =	ssyncadd.s32 $0xFFFFFC00  }
0x145: {  	_ =	swait.ge [sflag:s29], $0x400  }
0x146: {  	[sflag:s29] =	ssyncset.done $0x0  }
0x147: {  	[sflag:s29] =	ssyncadd.s32 $0xFFFFFC00  }
0x148: {  	_ =	swait.ge [sflag:s29], $0x400  }
0x149: {  	[sflag:s29] =	ssyncset.done $0x0  }
0x14a: {  	[sflag:s29] =	ssyncadd.s32 $0xFFFFFC00  }
0x14b: {  	_ =	swait.ge [sflag:s29], $0x400  }
0x14c: {  	[sflag:s29] =	ssyncset.done $0x0  }
0x14d: {  	[sflag:s29] =	ssyncadd.s32 $0xFFFFFC00  }
0x14e: {  	_ =	swait.ge [sflag:s29], $0x400  }
0x14f: {  	[sflag:s29] =	ssyncset.done $0x0  }
0x150: {  	[sflag:s29] =	ssyncadd.s32 $0xFFFFFC00  }
0x151: {  	_ =	swait.ge [sflag:s29], $0x400  }
0x152: {  	[sflag:s29] =	ssyncset.done $0x0  }
0x153: {  	[sflag:s29] =	ssyncadd.s32 $0xFFFFFC00  }
0x154: {  	_ =	swait.ge [sflag:s29], $0x400  }
0x155: {  	[sflag:s29] =	ssyncset.done $0x0  }
0x156: {  	[sflag:s29] =	ssyncadd.s32 $0xFFFFFC00  }
0x157: {  	_ =	swait.ge [sflag:s29], $0x400  }
0x158: {  	[sflag:s29] =	ssyncset.done $0x0  }
0x159: {  	[sflag:s29] =	ssyncadd.s32 $0xFFFFFC00  }
0x15a: {  	_ =	swait.ge [sflag:s29], $0x400  }
0x15b: {  	[sflag:s29] =	ssyncset.done $0x0  }
0x15c: {  	[sflag:s29] =	ssyncadd.s32 $0xFFFFFC00  }
0x15d: {  	_ =	swait.ge [sflag:s29], $0x400  }
0x15e: {  	[sflag:s29] =	ssyncset.done $0x0  }
0x15f: {  	[sflag:s29] =	ssyncadd.s32 $0xFFFFFC00  }
0x160: {  	_ =	swait.ge [sflag:s29], $0x400  }
0x161: {  	[sflag:s29] =	ssyncset.done $0x0  }
0x162: {  	[sflag:s29] =	ssyncadd.s32 $0xFFFFFC00  }
0x163: {  	_ =	swait.ge [sflag:s29], $0x400  }
0x164: {  	[sflag:s29] =	ssyncset.done $0x0  }
0x165: {  	[sflag:s29] =	ssyncadd.s32 $0xFFFFFC00  }
0x166: {  	_ =	swait.ge [sflag:s29], $0x400  }
0x167: {  	[sflag:s29] =	ssyncset.done $0x0  }
0x168: {  	[sflag:s29] =	ssyncadd.s32 $0xFFFFFC00  }
0x169: {  	_ =	swait.ge [sflag:s29], $0x400  }
0x16a: {  	[sflag:s29] =	ssyncset.done $0x0  }
0x16b: {  	[sflag:s29] =	ssyncadd.s32 $0xFFFFFC00  }
0x16c: {  	_ =	swait.ge [sflag:s29], $0x400  }
0x16d: {  	[sflag:s29] =	ssyncset.done $0x0  }
0x16e: {  	[sflag:s29] =	ssyncadd.s32 $0xFFFFFC00  }
0x16f: {  	_ =	swait.ge [sflag:s29], $0x400  }
0x170: {  	[sflag:s29] =	ssyncset.done $0x0  }
0x171: {  	[sflag:s29] =	ssyncadd.s32 $0xFFFFFC00  }
0x172: {  	_ =	swait.ge [sflag:s29], $0x400  }
0x173: {  	[sflag:s29] =	ssyncset.done $0x0  }
0x174: {  	[sflag:s29] =	ssyncadd.s32 $0xFFFFFC00  }
0x175: {  	_ =	swait.ge [sflag:s29], $0x400  }
0x176: {  	[sflag:s29] =	ssyncset.done $0x0  }
0x177: {  	[sflag:s29] =	ssyncadd.s32 $0xFFFFFC00  }
0x178: {  	_ =	swait.ge [sflag:s29], $0x400  }
0x179: {  	[sflag:s29] =	ssyncset.done $0x0  }
0x17a: {  	[sflag:s29] =	ssyncadd.s32 $0xFFFFFC00  }
0x17b: {  	_ =	swait.ge [sflag:s29], $0x400  }
0x17c: {  	[sflag:s29] =	ssyncset.done $0x0  }
0x17d: {  	[sflag:s29] =	ssyncadd.s32 $0xFFFFFC00  }
0x17e: {  	_ =	swait.ge [sflag:s29], $0x400  }
0x17f: {  	[sflag:s29] =	ssyncset.done $0x0  }
0x180: {  	[sflag:s29] =	ssyncadd.s32 $0xFFFFFC00  }
0x181: {  	_ =	swait.ge [sflag:s29], $0x400  }
0x182: {  	[sflag:s29] =	ssyncset.done $0x0  }
0x183: {  	[sflag:s29] =	ssyncadd.s32 $0xFFFFFC00  }
0x184: {  	_ =	swait.ge [sflag:s29], $0x400  }
0x185: {  	[sflag:s29] =	ssyncset.done $0x0  }
0x186: {  	[sflag:s29] =	ssyncadd.s32 $0xFFFFFC00  }
0x187: {  	_ =	swait.ge [sflag:s29], $0x400  }
0x188: {  	[sflag:s29] =	ssyncset.done $0x0  }
0x189: {  	[sflag:s29] =	ssyncadd.s32 $0xFFFFFC00  }
0x18a: {  	_ =	swait.ge [sflag:s29], $0x400  }
0x18b: {  	[sflag:s29] =	ssyncset.done $0x0  }
0x18c: {  	[sflag:s29] =	ssyncadd.s32 $0xFFFFFC00  }
0x18d: {  	_ =	swait.ge [sflag:s29], $0x400  }
0x18e: {  	[sflag:s29] =	ssyncset.done $0x0  }
0x18f: {  	[sflag:s29] =	ssyncadd.s32 $0xFFFFFC00  }
0x190: {  	_ =	swait.ge [sflag:s29], $0x400  }
0x191: {  	[sflag:s29] =	ssyncset.done $0x0  }
0x192: {  	[sflag:s29] =	ssyncadd.s32 $0xFFFFFC00  }
0x193: {  	_ =	swait.ge [sflag:s29], $0x400  }
0x194: {  	[sflag:s29] =	ssyncset.done $0x0  }
0x195: {  	[sflag:s29] =	ssyncadd.s32 $0xFFFFFC00  }
0x196: {  	_ =	swait.ge [sflag:s29], $0x400  }
0x197: {  	[sflag:s29] =	ssyncset.done $0x0  }
0x198: {  	[sflag:s29] =	ssyncadd.s32 $0xFFFFFC00  }
0x199: {  	_ =	swait.ge [sflag:s29], $0x400  }
0x19a: {  	[sflag:s29] =	ssyncset.done $0x0  }
0x19b: {  	[sflag:s29] =	ssyncadd.s32 $0xFFFFFC00  }
0x19c: {  	_ =	swait.ge [sflag:s29], $0x400  }
0x19d: {  	[sflag:s29] =	ssyncset.done $0x0  }
0x19e: {  	[sflag:s29] =	ssyncadd.s32 $0xFFFFFC00  }
0x19f: {  	_ =	swait.ge [sflag:s29], $0x400  }
0x1a0: {  	[sflag:s29] =	ssyncset.done $0x0  }
0x1a1: {  	[sflag:s29] =	ssyncadd.s32 $0xFFFFFC00  }
0x1a2: {  	_ =	swait.ge [sflag:s29], $0x400  }
0x1a3: {  	[sflag:s29] =	ssyncset.done $0x0  }
0x1a4: {  	[sflag:s29] =	ssyncadd.s32 $0xFFFFFC00  }
0x1a5: {  	_ =	swait.ge [sflag:s29], $0x400  }
0x1a6: {  	[sflag:s29] =	ssyncset.done $0x0  }
0x1a7: {  	[sflag:s29] =	ssyncadd.s32 $0xFFFFFC00  }
0x1a8: {  	_ =	swait.ge [sflag:s29], $0x400  }
0x1a9: {  	[sflag:s29] =	ssyncset.done $0x0  }
0x1aa: {  	[sflag:s29] =	ssyncadd.s32 $0xFFFFFC00  }
0x1ab: {  	_ =	swait.ge [sflag:s29], $0x400  }
0x1ac: {  	[sflag:s29] =	ssyncset.done $0x0  }
0x1ad: {  	v57 =	vimm.s32 $0x3F80;
	vm13 =	vcmask $0x300;
	[sflag:s29] =	ssyncadd.s32 $0xFFFFFC00  }
0x1ae: {  	vm14 =	vcmask $0x704;
	v0 =	vsel vm13, $0x0, v57;
	_ =	swait.ge [sflag:s29], $0x400  }
0x1af: {  	vm8 =	vcmask $0xB08;
	v0 =	vsel vm14, $0x480, v0;
	[sflag:s29] =	ssyncset.done $0x0  }
0x1b0: {  	vm9 =	vcmask $0xF0C;
	v0 =	vsel vm8, $0x900, v0;
	[sflag:s29] =	ssyncadd.s32 $0xFFFFFC00  }
0x1b1: {  	vm10 =	vcmask $0x1310;
	v0 =	vsel vm9, $0xD80, v0;
	_ =	swait.ge [sflag:s29], $0x400  }
0x1b2: {  	vm11 =	vcmask $0x1714;
	v0 =	vsel vm10, $0x1200, v0;
	[sflag:s29] =	ssyncset.done $0x0  }
0x1b3: {  	vm12 =	vcmask $0x1B18;
	v0 =	vsel vm11, $0x1680, v0;
	[sflag:s29] =	ssyncadd.s32 $0xFFFFFC00  }
0x1b4: {  	vm6 =	vcmask $0x1F1C;
	v0 =	vsel vm12, $0x1B00, v0;
	_ =	swait.ge [sflag:s29], $0x400  }
0x1b5: {  	vm7 =	vcmask $0x2320;
	v0 =	vsel vm6, $0x1F80, v0;
	[sflag:s29] =	ssyncset.done $0x0  }
0x1b6: {  	vm4 =	vcmask $0x2724;
	v0 =	vsel vm7, $0x2000, v0;
	[sflag:s29] =	ssyncadd.s32 $0xFFFFFC00  }
0x1b7: {  	vm5 =	vcmask $0x2B28;
	v0 =	vsel vm4, $0x2480, v0;
	v58 =	vld [tilespmem:$0x0]  }
0x1b8: {  	vm3 =	vcmask $0x2F2C;
	vm1 =	vcmask $0x3330;
	v0 =	vsel vm5, $0x2900, v0  }
0x1b9: {  	vm2 =	vcmask $0x3734;
	vm0 =	vcmask $0x3B38;
	v0 =	vsel vm3, $0x2D80, v0  }
0x1ba: {  	v2 =	vimm.s32 $0x7F80;
	v60 =	vimm.s32 $0xBF80;
	v0 =	vsel vm1, $0x3200, v0  }
0x1bb: {  	v4 =	vimm.s32 $0xFF80;
	v2 =	vsel vm13, $0x4000, v2;
	v0 =	vsel vm2, $0x3680, v0  }
0x1bc: {  	v59 =	vsel vm14, $0x4480, v2;
	v0 =	vsel vm0, $0x3B00, v0;
	v1 =	vand.u32 $0x7F, v58  }
0x1bd: {  	v2 =	vsel vm13, $0x8000, v60;
	v0 =	vor.u32 v0, v1;
	v1 =	vsel vm8, $0x4900, v59  }
0x1be: {  	v4 =	vsel vm13, $0xC000, v4;
	v2 =	vsel vm14, $0x8480, v2;
	v1 =	vsel vm9, $0x4D80, v1  }
0x1bf: {  	v4 =	vsel vm14, $0xC480, v4;
	v2 =	vsel vm8, $0x8900, v2;
	v1 =	vsel vm10, $0x5200, v1  }
0x1c0: {  	v4 =	vsel vm8, $0xC900, v4;
	v2 =	vsel vm9, $0x8D80, v2;
	v1 =	vsel vm11, $0x5680, v1  }
0x1c1: {  	v4 =	vsel vm9, $0xCD80, v4;
	v2 =	vsel vm10, $0x9200, v2;
	v1 =	vsel vm12, $0x5B00, v1  }
0x1c2: {  	v4 =	vsel vm10, $0xD200, v4;
	v2 =	vsel vm11, $0x9680, v2;
	v1 =	vsel vm6, $0x5F80, v1  }
0x1c3: {  	v4 =	vsel vm11, $0xD680, v4;
	v2 =	vsel vm12, $0x9B00, v2;
	v1 =	vsel vm7, $0x6000, v1  }
0x1c4: {  	v4 =	vsel vm12, $0xDB00, v4;
	v2 =	vsel vm6, $0x9F80, v2;
	v3 =	vld [tilespmem:$0x10];
	v1 =	vsel vm4, $0x6480, v1  }
0x1c5: {  	v4 =	vsel vm6, $0xDF80, v4;
	v2 =	vsel vm7, $0xA000, v2;
	v1 =	vsel vm5, $0x6900, v1  }
0x1c6: {  	v4 =	vsel vm7, $0xE000, v4;
	v2 =	vsel vm4, $0xA480, v2;
	v5 =	vld [tilespmem:$0x20];
	v1 =	vsel vm3, $0x6D80, v1  }
0x1c7: {  	v4 =	vsel vm4, $0xE480, v4;
	v2 =	vsel vm5, $0xA900, v2;
	v1 =	vsel vm1, $0x7200, v1  }
0x1c8: {  	v4 =	vsel vm5, $0xE900, v4;
	v2 =	vsel vm3, $0xAD80, v2;
	v6 =	vld [tilespmem:$0x30];
	v1 =	vsel vm2, $0x7680, v1  }
0x1c9: {  	v2 =	vsel vm1, $0xB200, v2;
	v3 =	vand.u32 $0x7F, v3;
	v1 =	vsel vm0, $0x7B00, v1  }
0x1ca: {  	v61 =	vsel vm3, $0xED80, v4;
	v2 =	vsel vm2, $0xB680, v2;
	v1 =	vor.u32 v1, v3  }
0x1cb: {  	v2 =	vsel vm0, $0xBB00, v2;
	v62 =	vand.u32 $0x7F, v5;
	v3 =	vsel vm1, $0xF200, v61  }
0x1cc: {  	v2 =	vor.u32 v2, v62;
	v3 =	vsel vm2, $0xF680, v3  }
0x1cd: {  	v63 =	vand.u32 $0x7F, v6;
	v0 =	vld.idx.msk [tilespmem:v0+s6+$0x0], $0xffff;
	v3 =	vsel vm0, $0xFB00, v3  }
0x1ce: {  	v3 =	vor.u32 v3, v63  }
0x1cf: {  	v1 =	vld.idx.msk [tilespmem:v1+s6+$0x0], $0xffff;
	_ =	sdelay $0x1  }
0x1d0: {  	v2 =	vld.idx.msk [tilespmem:v2+s6+$0x0], $0xffff  }
0x1d1: {  	v0 =	vadd.f32 $0.0e+00, v0  }
0x1d2: {  	v3 =	vld.idx.msk [tilespmem:v3+s6+$0x0], $0xffff  }
0x1d3: {  	v0 =	vadd.f32 v1, v0;
	_ =	sdelay $0x1  }
0x1d4: {  	v0 =	vadd.f32 v2, v0;
	_ =	sdelay $0x1  }
0x1d5: {  	v0 =	vadd.f32 v3, v0  }
0x1d6: {  	s4 =	sadd.s32 $0xC38800, s4;
	s30 =	sshll.u32 s2, $0x4  }
0x1d7: {  	s31 =	simm.s32 $0x10080;
	s6 =	sadd.s32 s4, s30;
	[tilespmem:$0x10080] =	vst v0  }
0x1d8: {  	[hbm4b:s6+s3] =	stream.linear.scatter [tilespmem:s31], [sflag:$0x2], $0x80, $0x38;
	[tilespmem:$0x10900] =	vst v63  }
0x1d9: {  	_ =	swait.ge [sflag:s5], $0x80  }
0x1da: {  	[sflag:s5] =	ssyncset.done $0x0  }
0x1db: {  	[sflag:s5] =	ssyncadd.s32 $0xFFFFFF80  }
0x1dc: {  	p0 =	sne.s32 s2, $0x0;
	[bflag:$0x0] =	sbarrier.arrive $0xFFFF  }
0x1dd: {  	_ =	sfence.sel @p0 $0x180000  }
0x1de: {  	[bflag:$0x0] =	sbarrier.arrive @p0 $0xFFFF  }
0x1df: {  	_ =	strace @p0 $0x90000047  }
0x1e0: {  	s2 =	simm.s32 @!p0 $0x0;
	s3 =	simm.s32 @!p0 $0x10100;
	[bflag:$0x2] =	sbarrier.arrive @p0 $0xFFFF  }
0x1e1: {  	[tilespmem:s3], [sflag:$0x2] =	stream.linear.gather @!p0 [hbm4b:s4+s2], $0x800, $0x38;
	[tilespmem:$0x10900] =	vst v63  }
0x1e2: {  	s3 =	simm.s32 @!p0 $0x2  }
0x1e3: {  	_ =	swait.ge @!p0 [sflag:s3], $0x800  }
0x1e4: {  	[sflag:s3] =	ssyncset.done @!p0 $0x0  }
0x1e5: {  	[sflag:s3] =	ssyncadd.s32 @!p0 $0xFFFFF800  }
0x1e6: {  	v0 =	vld @!p0 [tilespmem:$0x10100];
	_ =	sdelay $0x1  }
0x1e7: {  	v1 =	vld @!p0 [tilespmem:$0x10180];
	_ =	sdelay $0x1  }
0x1e8: {  	v2 =	vld @!p0 [tilespmem:$0x10200]  }
0x1e9: {  	v0 =	vadd.f32 @!p0 $0.0e+00, v0  }
0x1ea: {  	v3 =	vld @!p0 [tilespmem:$0x10280]  }
0x1eb: {  	v0 =	vadd.f32 @!p0 v1, v0  }
0x1ec: {  	v1 =	vld @!p0 [tilespmem:$0x10300]  }
0x1ed: {  	v0 =	vadd.f32 @!p0 v2, v0  }
0x1ee: {  	v2 =	vld @!p0 [tilespmem:$0x10380]  }
0x1ef: {  	v0 =	vadd.f32 @!p0 v3, v0  }
0x1f0: {  	v3 =	vld @!p0 [tilespmem:$0x10400]  }
0x1f1: {  	v0 =	vadd.f32 @!p0 v1, v0  }
0x1f2: {  	v1 =	vld @!p0 [tilespmem:$0x10480]  }
0x1f3: {  	v0 =	vadd.f32 @!p0 v2, v0  }
0x1f4: {  	v2 =	vld @!p0 [tilespmem:$0x10500]  }
0x1f5: {  	v0 =	vadd.f32 @!p0 v3, v0  }
0x1f6: {  	v3 =	vld @!p0 [tilespmem:$0x10580]  }
0x1f7: {  	v0 =	vadd.f32 @!p0 v1, v0  }
0x1f8: {  	v1 =	vld @!p0 [tilespmem:$0x10600]  }
0x1f9: {  	v0 =	vadd.f32 @!p0 v2, v0  }
0x1fa: {  	v2 =	vld @!p0 [tilespmem:$0x10680]  }
0x1fb: {  	v0 =	vadd.f32 @!p0 v3, v0  }
0x1fc: {  	v3 =	vld @!p0 [tilespmem:$0x10700]  }
0x1fd: {  	v0 =	vadd.f32 @!p0 v1, v0  }
0x1fe: {  	v1 =	vld @!p0 [tilespmem:$0x10780]  }
0x1ff: {  	v0 =	vadd.f32 @!p0 v2, v0  }
0x200: {  	v2 =	vld @!p0 [tilespmem:$0x10800]  }
0x201: {  	v0 =	vadd.f32 @!p0 v3, v0  }
0x202: {  	v3 =	vld @!p0 [tilespmem:$0x10880]  }
0x203: {  	v0 =	vadd.f32 @!p0 v1, v0;
	_ =	sdelay $0x1  }
0x204: {  	v0 =	vadd.f32 @!p0 v2, v0;
	_ =	sdelay $0x1  }
0x205: {  	v0 =	vadd.f32 @!p0 v3, v0;
	_ =	sdelay $0x1  }
0x206: {  	(xrf2) =	vadd.scan.msk.f32 @!p0 $0xffff, v0;
	_ =	sdelay $0x9  }
0x207: {  	v0, _, _ =	vpop @!p0 (xrf2)  }
0x208: {  	v0 =	vadd.f32 @!p0 $0.0e+00, v0;
	_ =	sdelay $0x1  }
0x209: {  	v0 =	vmul.f32 @!p0 $-9.765625000e-04, v0;
	_ =	sdelay $0x1  }
0x20a: {  	v0 =	vbroadcast @!p0 v0, $0xF;
	_ =	sdelay $0x1  }
0x20b: {  	s4 =	simm.s32 @!p0 $0x10080;
	[tilespmem:$0x10080] =	vst @!p0 v0  }
0x20c: {  	[hbm4b:s1+s2] =	stream.linear.scatter @!p0 [tilespmem:s4], [sflag:$0x2], $0x80, $0x38;
	[tilespmem:$0x10900] =	vst v63  }
0x20d: {  	_ =	swait.ge @!p0 [sflag:s3], $0x80  }
0x20e: {  	[sflag:s3] =	ssyncset.done @!p0 $0x0  }
0x20f: {  	[sflag:s3] =	ssyncadd.s32 @!p0 $0xFFFFFF80  }
0x210: {  	_ =	sfence.sel @!p0 $0x180000  }
0x211: {  	[bflag:$0x0] =	sbarrier.arrive @!p0 $0xFFFF  }
0x212: {  	_ =	strace @!p0 $0x90000047  }
0x213: {  	s0 =	sadd.s32 @!p0 $0x100000, s0;
	[bflag:$0x2] =	sbarrier.arrive @!p0 $0xFFFF  }
0x214: {  	[sflag:s0] =	ssyncadd.tile.s32 @!p0 $0x1;
	_ =	shalt  }
.Lfunc_end2:
_tile_overlayer_lowered:
.L_overlay_start_2:
0x215: {  	(tag) =	ssettag $0x2  }
0x216: {  	s0 =	rddreg [dreg:$0x0];
	s2 =	stileid.u32  }
0x217: {  	s1 =	rddreg [dreg:$0x1];
	p0 =	sne.s32 s2, $0x0  }
0x218: {  	s3 =	rddreg [dreg:$0x2];
	[bflag:$0x3] =	sbarrier.arrive $0xFFFF;
	s2 =	simm.s32 @!p0 $0x1C02  }
0x219: {  	[timem:s3], [sflag:s2] =	dma.local @!p0 [hbm:s0], s1  }
0x21a: {  	s0 =	simm.s32 @!p0 $0x2  }
0x21b: {  	_ =	swait.ge @!p0 [sflag:s0], s1  }
0x21c: {  	s1 =	ssub.s32 @!p0 $0x0, s1;
	[sflag:s0] =	ssyncset.done @!p0 $0x0  }
0x21d: {  	[sflag:s0] =	ssyncadd.s32 @!p0 s1  }
0x21e: {  	[bflag:$0x3] =	sbarrier.arrive $0xFFFF  }
0x21f: {  	_ =	shalt  }

</sc_bundles>
